<compile_context>
chip_gen: v7x
topology: tpu7x:2x2x1
jax: 0.10.2.dev20260603
libtpu: 0.0.44.dev20260713+nightly
codegen_flags: <defaults>
</compile_context>

<pallas_src>
import functools
import math

import jax
import jax.numpy as jnp
from jax import lax
from jax.experimental import pallas as pl
from jax.experimental.pallas import tpu as pltpu
from jax.experimental.pallas import tpu_sc as plsc

_NC = 2
_NS = 16
_NW = _NC * _NS
_CH = 128
_D = 128

_mesh = plsc.VectorSubcoreMesh(core_axis_name="c", subcore_axis_name="s",
                               num_cores=_NC, num_subcores=_NS)


@functools.lru_cache(maxsize=None)
def _make_deg_kernel(e_chunks: int, e_off: int, acc_rows: int):
    rpt = acc_rows // _NS
    q, r = divmod(e_chunks, _NW)

    @functools.partial(
        pl.kernel,
        mesh=_mesh,
        out_type=jax.ShapeDtypeStruct((_NC, acc_rows, _D), jnp.float32),
        scratch_types=[
            pltpu.VMEM((q + 1, _CH), jnp.int32),
            pltpu.VMEM((_CH, _D), jnp.float32),
            pltpu.VMEM_SHARED((acc_rows, _D), jnp.float32),
            pltpu.SemaphoreType.DMA,
            pltpu.SemaphoreType.DMA,
        ],
    )
    def deg_kernel(ei_hbm, ones_hbm, zeros_hbm, out_hbm, idx_v, ones_v, acc,
                   semi, sem):
        c = lax.axis_index("c")
        s = lax.axis_index("s")
        wid = c * _NS + s
        n = q + jnp.where(wid < r, 1, 0)
        base = q * wid + jnp.minimum(wid, r)
        pltpu.sync_copy(ones_hbm, ones_v)
        pltpu.sync_copy(zeros_hbm, acc.at[pl.ds(s * rpt, rpt)])

        def load(k, carry):
            pltpu.async_copy(
                ei_hbm.at[pl.ds(e_off + (base + k) * _CH, _CH)],
                idx_v.at[k], semi)
            return carry

        lax.fori_loop(0, n, load, 0)

        def drain_i(k, carry):
            pltpu.make_async_copy(ei_hbm.at[pl.ds(e_off, _CH)], idx_v.at[0],
                                  semi).wait()
            return carry

        lax.fori_loop(0, n, drain_i, 0)
        plsc.subcore_barrier()

        def chunk(i, carry):
            pltpu.async_copy(ones_v, acc.at[idx_v.at[i]], sem, add=True)
            return carry

        lax.fori_loop(0, n, chunk, 0)

        def drain(i, carry):
            pltpu.make_async_copy(ones_v, acc.at[idx_v.at[0]], sem).wait()
            return carry

        lax.fori_loop(0, n, drain, 0)
        plsc.subcore_barrier()
        pltpu.sync_copy(acc.at[pl.ds(s * rpt, rpt)],
                        out_hbm.at[c, pl.ds(s * rpt, rpt)])

    return deg_kernel


@functools.lru_cache(maxsize=None)
def _make_seg_kernel(e_chunks: int, e_off: int, acc_rows: int):
    rpt = acc_rows // _NS
    q, r = divmod(e_chunks, _NW)

    @functools.partial(
        pl.kernel,
        mesh=_mesh,
        out_type=jax.ShapeDtypeStruct((_NC, acc_rows, _D), jnp.float32),
        scratch_types=[
            pltpu.VMEM((4, _CH), jnp.int32),
            pltpu.VMEM((3, _CH), jnp.int32),
            pltpu.VMEM((3, _CH, _D), jnp.float32),
            pltpu.VMEM_SHARED((acc_rows, _D), jnp.float32),
            pltpu.SemaphoreType.DMA,
            pltpu.SemaphoreType.DMA,
            pltpu.SemaphoreType.DMA,
            pltpu.SemaphoreType.DMA,
        ],
    )
    def seg_kernel(hs_hbm, ei_hbm, zeros_hbm, out_hbm,
                   sidx, didx, rows, acc, semg, sems, semis, semid):
        c = lax.axis_index("c")
        s = lax.axis_index("s")
        wid = c * _NS + s
        n = q + jnp.where(wid < r, 1, 0)
        base = q * wid + jnp.minimum(wid, r)
        pltpu.sync_copy(zeros_hbm, acc.at[pl.ds(s * rpt, rpt)])
        plsc.subcore_barrier()

        def s_row(k):
            return ei_hbm.at[pl.ds((base + k) * _CH, _CH)]

        def d_row(k):
            return ei_hbm.at[pl.ds(e_off + (base + k) * _CH, _CH)]

        def g_wait(i):
            pltpu.make_async_copy(
                hs_hbm.at[sidx.at[i % 4]], rows.at[i % 3], semg).wait()

        def s_drain(i):
            pltpu.make_async_copy(
                rows.at[i % 3], acc.at[didx.at[i % 3]], sems).wait()

        for k in range(4):
            pltpu.async_copy(s_row(k), sidx.at[k], semis)
        for k in range(2):
            pltpu.async_copy(d_row(k), didx.at[k], semid)
        for k in range(2):
            pltpu.make_async_copy(s_row(0), sidx.at[k], semis).wait()
            pltpu.async_copy(hs_hbm.at[sidx.at[k]], rows.at[k], semg)

        def body(i, carry):
            pltpu.make_async_copy(d_row(0), didx.at[i % 3], semid).wait()
            g_wait(i)
            pltpu.async_copy(rows.at[i % 3], acc.at[didx.at[i % 3]], sems,
                             add=True)

            @pl.when(i + 4 < n)
            def _():
                pltpu.async_copy(s_row(i + 4), sidx.at[i % 4], semis)

            @pl.when(i >= 1)
            def _():
                s_drain(i - 1)

            @pl.when(i + 2 < n)
            def _():
                pltpu.async_copy(d_row(i + 2), didx.at[(i + 2) % 3], semid)
                pltpu.make_async_copy(s_row(0), sidx.at[(i + 2) % 4],
                                      semis).wait()
                pltpu.async_copy(hs_hbm.at[sidx.at[(i + 2) % 4]],
                                 rows.at[(i + 2) % 3], semg)

            return carry

        lax.fori_loop(0, n, body, 0)
        s_drain(n - 1)
        plsc.subcore_barrier()
        pltpu.sync_copy(acc.at[pl.ds(s * rpt, rpt)],
                        out_hbm.at[c, pl.ds(s * rpt, rpt)])

    return seg_kernel


def _dinv_from_parts(dp):
    deg = dp[0, :, 0] + dp[1, :, 0] + 1.0
    return lax.rsqrt(deg)


def _stage1_body(x_ref, wp_ref, bp_ref, w_ref, degp_ref, hs_ref):
    dinv = _dinv_from_parts(degp_ref[...])
    x1 = jnp.maximum(
        jnp.dot(x_ref[...], wp_ref[...], preferred_element_type=jnp.float32)
        + bp_ref[...][None, :], 0.0)
    h = jnp.dot(x1, w_ref[...], preferred_element_type=jnp.float32)
    hs_ref[...] = dinv[:, None] * h


def _mid_body(sp_ref, hs_ref, degp_ref, b1_ref, wp2_ref, bp2_ref, w2_ref, hs2_ref):
    dinv = _dinv_from_parts(degp_ref[...])
    sp = sp_ref[...]
    agg = sp[0] + sp[1] + hs_ref[...]
    out1 = jnp.maximum(dinv[:, None] * agg + b1_ref[...][None, :], 0.0)
    x2 = jnp.maximum(
        jnp.dot(out1, wp2_ref[...], preferred_element_type=jnp.float32)
        + bp2_ref[...][None, :], 0.0)
    hs2_ref[...] = dinv[:, None] * jnp.dot(
        x2, w2_ref[...], preferred_element_type=jnp.float32)


def _fin_body(sp_ref, hs_ref, degp_ref, b2_ref, out_ref):
    dinv = _dinv_from_parts(degp_ref[...])
    sp = sp_ref[...]
    agg = sp[0] + sp[1] + hs_ref[...]
    out_ref[...] = jnp.maximum(dinv[:, None] * agg + b2_ref[...][None, :], 0.0)


def _row_spec(br):
    return pl.BlockSpec((br, _D), lambda i: (i, 0))


def _full_mat():
    return pl.BlockSpec((_D, _D), lambda i: (0, 0))


def _full_vec():
    return pl.BlockSpec((_D,), lambda i: (0,))


def _parts_spec(br, minor):
    return pl.BlockSpec((_NC, br, minor), lambda i: (0, i, 0))


def _tc_stage1(x, Wp1, bp1, W1, degp, br):
    n = x.shape[0]
    return pl.pallas_call(
        _stage1_body,
        grid=(n // br,),
        in_specs=[_row_spec(br), _full_mat(), _full_vec(), _full_mat(),
                  _parts_spec(br, _D)],
        out_specs=_row_spec(br),
        out_shape=jax.ShapeDtypeStruct((n, _D), jnp.float32),
    )(x, Wp1, bp1, W1, degp)


def _tc_mid(s1, hs1, degp, b1, Wp2, bp2, W2, br):
    n = hs1.shape[0]
    return pl.pallas_call(
        _mid_body,
        grid=(n // br,),
        in_specs=[_parts_spec(br, _D), _row_spec(br), _parts_spec(br, _D),
                  _full_vec(), _full_mat(), _full_vec(), _full_mat()],
        out_specs=_row_spec(br),
        out_shape=jax.ShapeDtypeStruct((n, _D), jnp.float32),
    )(s1, hs1, degp, b1, Wp2, bp2, W2)


def _tc_fin(s2, hs2, degp, b2, br):
    n = hs2.shape[0]
    return pl.pallas_call(
        _fin_body,
        grid=(n // br,),
        in_specs=[_parts_spec(br, _D), _row_spec(br), _parts_spec(br, _D),
                  _full_vec()],
        out_specs=_row_spec(br),
        out_shape=jax.ShapeDtypeStruct((n, _D), jnp.float32),
    )(s2, hs2, degp, b2)


def kernel(x, edge_index, Wp1, bp1, W1, b1, Wp2, bp2, W2, b2):
    n = x.shape[0]
    e = edge_index.shape[1]
    acc_rows = math.ceil((n + 1) / 128) * 128
    rpt = acc_rows // _NS
    br = 2000 if n % 2000 == 0 else 8 * math.gcd(n // 8, 1000)

    if e % _CH == 0:
        ei1d = edge_index.reshape(-1)
        e_off = e
    else:
        pad = _CH - e % _CH
        pi = jnp.arange(pad, dtype=edge_index.dtype)
        ei1d = jnp.concatenate([edge_index[0], pi % n,
                                edge_index[1], n + pi % (acc_rows - n)])
        e_off = e + pad
    e_chunks = e_off // _CH

    ones_rows = jnp.ones((_CH, _D), jnp.float32)
    zseg = jnp.zeros((rpt, _D), jnp.float32)

    deg_k = _make_deg_kernel(e_chunks, e_off, acc_rows)
    seg_k = _make_seg_kernel(e_chunks, e_off, acc_rows)

    degp = deg_k(ei1d, ones_rows, zseg)
    hs1 = _tc_stage1(x, Wp1, bp1, W1, degp, br)
    s1 = seg_k(hs1, ei1d, zseg)
    hs2 = _tc_mid(s1, hs1, degp, b1, Wp2, bp2, W2, br)
    s2 = seg_k(hs2, ei1d, zseg)
    return _tc_fin(s2, hs2, degp, b2, br)

# --- scband reference (transcript-rebuilt; emitter-appended) ---
"""Pipeline reference for scband-graph-model2-48490180772612 (READ-ONLY COPY).

The authoritative reference and input builder live on the scoring server;
editing this copy changes nothing except your own understanding.
"""

import jax, jax.numpy as jnp
import numpy as np

N = 10000
E = 320000
D_IN = 128
D_HID = 128
D_EMB = 128


def setup_inputs(seed: int = 0) -> dict:
    key = jax.random.key(seed)
    ks = jax.random.split(key, 12)
    x = jax.random.normal(ks[0], (N, D_IN), dtype=jnp.float32)
    edge_index = jax.random.randint(ks[1], (2, E), 0, N, dtype=jnp.int32)

    def lin(k, fi, fo):
        s = 1.0 / np.sqrt(fi)
        kw, kb = jax.random.split(k)
        W = jax.random.uniform(kw, (fi, fo), minval=-s, maxval=s, dtype=jnp.float32)
        b = jax.random.uniform(kb, (fo,), minval=-s, maxval=s, dtype=jnp.float32)
        return W, b

    # layer 1: projection (project=True) then GCN linear
    Wp1, bp1 = lin(ks[2], D_IN, D_IN)
    W1, b1 = lin(ks[3], D_IN, D_HID)
    # layer 2
    Wp2, bp2 = lin(ks[4], D_HID, D_HID)
    W2, b2 = lin(ks[5], D_HID, D_EMB)

    return {
        "x": x, "edge_index": edge_index,
        "Wp1": Wp1, "bp1": bp1, "W1": W1, "b1": b1,
        "Wp2": Wp2, "bp2": bp2, "W2": W2, "b2": b2,
    }


def _gcn_conv(x, edge_index, Wp, bp, W, b):
    # project=True: apply projection MLP with relu before message passing
    x = jax.nn.relu(x @ Wp + bp)
    # GCNConv: linear transform, then symmetric-normalized sum aggregation
    h = x @ W
    n = x.shape[0]
    src = edge_index[0]
    dst = edge_index[1]
    loop = jnp.arange(n, dtype=src.dtype)
    src = jnp.concatenate([src, loop])
    dst = jnp.concatenate([dst, loop])
    deg = jax.ops.segment_sum(jnp.ones_like(dst, dtype=h.dtype), dst, num_segments=n)
    dinv = jnp.where(deg > 0, jax.lax.rsqrt(deg), 0.0)
    norm = dinv[src] * dinv[dst]
    msg = norm[:, None] * jnp.take(h, src, axis=0)
    out = jax.ops.segment_sum(msg, dst, num_segments=n)
    return out + b


def reference(x, edge_index, Wp1, bp1, W1, b1, Wp2, bp2, W2, b2):
    h = jax.nn.relu(_gcn_conv(x, edge_index, Wp1, bp1, W1, b1))
    h = jax.nn.relu(_gcn_conv(h, edge_index, Wp2, bp2, W2, b2))
    return h

if __name__ == "__main__":
    import jax
    _d = setup_inputs()
    print(jax.jit(kernel)(*tuple(_d.values())))

</pallas_src>

<mosaic_0001>
#map = affine_map<(d0, d1) -> (0, 0)>
#map1 = affine_map<(d0, d1) -> (0)>
#map2 = affine_map<(d0, d1) -> (0, 0, 0)>
module attributes {stable_mosaic.version = 14 : i64} {
  func.func @seg_kernel(%arg0: i32, %arg1: i32, %arg2: memref<10000x128xf32, #tpu.memory_space<hbm>>, %arg3: memref<640000xi32, #tpu.memory_space<hbm>>, %arg4: memref<632x128xf32, #tpu.memory_space<hbm>>, %arg5: memref<2x10112x128xf32, #tpu.memory_space<hbm>>, %arg6: memref<4x128xi32, #tpu.memory_space<vmem>>, %arg7: memref<3x128xi32, #tpu.memory_space<vmem>>, %arg8: memref<3x128x128xf32, #tpu.memory_space<vmem>>, %arg9: memref<10112x128xf32, #tpu.memory_space<vmem_shared>>, %arg10: memref<!tpu.dma_semaphore, #tpu.memory_space<semaphore_mem>>, %arg11: memref<!tpu.dma_semaphore, #tpu.memory_space<semaphore_mem>>, %arg12: memref<!tpu.dma_semaphore, #tpu.memory_space<semaphore_mem>>, %arg13: memref<!tpu.dma_semaphore, #tpu.memory_space<semaphore_mem>>) attributes {dimension_semantics = [#tpu.dimension_semantics<core_parallel>, #tpu.dimension_semantics<subcore_parallel>], iteration_bounds = array<i64: 2, 16>, scalar_prefetch = 0 : i64, scratch_operands = 8 : i64, tpu.core_type = #tpu.core_type<sc_vector_subcore>, window_params = [{transform_indices = #map}, {transform_indices = #map1}, {transform_indices = #map}, {transform_indices = #map2}]} {
    %mul3A = arith.constant 16 : i32
    %mul3A_0 = arith.muli %arg0, %mul3A : i32
    %add3A = arith.addi %mul3A_0, %arg1 : i32
    %lt3A = arith.constant 4 : i32
    %lt3A_1 = arith.cmpi slt, %add3A, %lt3A : i32
    %jit3A = arith.constant 1 : i32
    %jit3A_2 = arith.constant 0 : i32
    %select_n3A = arith.select %lt3A_1, %jit3A, %jit3A_2 : i32
    %add3A_3 = arith.constant 78 : i32
    %add3A_4 = arith.addi %add3A_3, %select_n3A : i32
    %mul3A_5 = arith.constant 78 : i32
    %mul3A_6 = arith.muli %mul3A_5, %add3A : i32
    %min3A = arith.constant 4 : i32
    %min3A_7 = arith.minsi %add3A, %min3A : i32
    %add3A_8 = arith.addi %mul3A_6, %min3A_7 : i32
    %mul3A_9 = arith.constant 632 : i32
    %mul3A_10 = arith.muli %arg1, %mul3A_9 : i32
    "tpu.region"() ({
      %run_scoped3A = tpu.sem_alloc : memref<!tpu.dma_semaphore, #tpu.memory_space<semaphore_mem>>
      %dma_start3A_194 = arith.constant 0 : i32
      %dma_start3A_195 = tpu.memref_slice %arg9[%mul3A_10, %dma_start3A_194] : memref<10112x128xf32, #tpu.memory_space<vmem_shared>> -> memref<632x128xf32, #tpu.memory_space<vmem_shared>>
      tpu.enqueue_dma source(%arg4 : memref<632x128xf32, #tpu.memory_space<hbm>>) target(%dma_start3A_195 : memref<632x128xf32, #tpu.memory_space<vmem_shared>>) target_semaphore(%run_scoped3A : memref<!tpu.dma_semaphore, #tpu.memory_space<semaphore_mem>>)
      %dma_wait3A_196 = arith.constant 0 : i32
      %dma_wait3A_197 = tpu.memref_slice %arg9[%mul3A_10, %dma_wait3A_196] : memref<10112x128xf32, #tpu.memory_space<vmem_shared>> -> memref<632x128xf32, #tpu.memory_space<vmem_shared>>
      tpu.wait_dma2 semaphore(%run_scoped3A : memref<!tpu.dma_semaphore, #tpu.memory_space<semaphore_mem>>) src(%arg4 : memref<632x128xf32, #tpu.memory_space<hbm>>) dst(%dma_wait3A_197 : memref<632x128xf32, #tpu.memory_space<vmem_shared>>)
      tpu.yield
    }) : () -> ()
    %barrier3A = arith.constant 0 : index
    tpu.barrier barrier_id(%barrier3A)
    %add3A_11 = arith.constant 0 : i32
    %add3A_12 = arith.addi %add3A_8, %add3A_11 : i32
    %mul3A_13 = arith.constant 128 : i32
    %mul3A_14 = arith.muli %add3A_12, %mul3A_13 : i32
    %dma_start3A = arith.constant 0 : i32
    %dma_start3A_15 = arith.constant 0 : i32
    %dma_start3A_16 = tpu.memref_slice %arg6[%dma_start3A, %dma_start3A_15] : memref<4x128xi32, #tpu.memory_space<vmem>> -> memref<1x128xi32, #tpu.memory_space<vmem>>
    %dma_start3A_17 = tpu.memref_squeeze %dma_start3A_16 : memref<1x128xi32, #tpu.memory_space<vmem>> -> memref<128xi32, #tpu.memory_space<vmem>>
    %dma_start3A_18 = tpu.memref_slice %arg3[%mul3A_14] : memref<640000xi32, #tpu.memory_space<hbm>> -> memref<128xi32, #tpu.memory_space<hbm>>
    %dma_start3A_19 = arith.constant 0 : i32
    %dma_start3A_20 = tpu.memref_slice %arg6[%dma_start3A, %dma_start3A_19] : memref<4x128xi32, #tpu.memory_space<vmem>> -> memref<1x128xi32, #tpu.memory_space<vmem>>
    %dma_start3A_21 = tpu.memref_squeeze %dma_start3A_20 : memref<1x128xi32, #tpu.memory_space<vmem>> -> memref<128xi32, #tpu.memory_space<vmem>>
    %dma_start3A_22 = tpu.memref_slice %arg3[%mul3A_14] : memref<640000xi32, #tpu.memory_space<hbm>> -> memref<128xi32, #tpu.memory_space<hbm>>
    tpu.enqueue_dma source(%dma_start3A_22 : memref<128xi32, #tpu.memory_space<hbm>>) target(%dma_start3A_21 : memref<128xi32, #tpu.memory_space<vmem>>) target_semaphore(%arg12 : memref<!tpu.dma_semaphore, #tpu.memory_space<semaphore_mem>>)
    %add3A_23 = arith.constant 1 : i32
    %add3A_24 = arith.addi %add3A_8, %add3A_23 : i32
    %mul3A_25 = arith.constant 128 : i32
    %mul3A_26 = arith.muli %add3A_24, %mul3A_25 : i32
    %dma_start3A_27 = arith.constant 1 : i32
    %dma_start3A_28 = arith.constant 0 : i32
    %dma_start3A_29 = tpu.memref_slice %arg6[%dma_start3A_27, %dma_start3A_28] : memref<4x128xi32, #tpu.memory_space<vmem>> -> memref<1x128xi32, #tpu.memory_space<vmem>>
    %dma_start3A_30 = tpu.memref_squeeze %dma_start3A_29 : memref<1x128xi32, #tpu.memory_space<vmem>> -> memref<128xi32, #tpu.memory_space<vmem>>
    %dma_start3A_31 = tpu.memref_slice %arg3[%mul3A_26] : memref<640000xi32, #tpu.memory_space<hbm>> -> memref<128xi32, #tpu.memory_space<hbm>>
    %dma_start3A_32 = arith.constant 0 : i32
    %dma_start3A_33 = tpu.memref_slice %arg6[%dma_start3A_27, %dma_start3A_32] : memref<4x128xi32, #tpu.memory_space<vmem>> -> memref<1x128xi32, #tpu.memory_space<vmem>>
    %dma_start3A_34 = tpu.memref_squeeze %dma_start3A_33 : memref<1x128xi32, #tpu.memory_space<vmem>> -> memref<128xi32, #tpu.memory_space<vmem>>
    %dma_start3A_35 = tpu.memref_slice %arg3[%mul3A_26] : memref<640000xi32, #tpu.memory_space<hbm>> -> memref<128xi32, #tpu.memory_space<hbm>>
    tpu.enqueue_dma source(%dma_start3A_35 : memref<128xi32, #tpu.memory_space<hbm>>) target(%dma_start3A_34 : memref<128xi32, #tpu.memory_space<vmem>>) target_semaphore(%arg12 : memref<!tpu.dma_semaphore, #tpu.memory_space<semaphore_mem>>)
    %add3A_36 = arith.constant 2 : i32
    %add3A_37 = arith.addi %add3A_8, %add3A_36 : i32
    %mul3A_38 = arith.constant 128 : i32
    %mul3A_39 = arith.muli %add3A_37, %mul3A_38 : i32
    %dma_start3A_40 = arith.constant 2 : i32
    %dma_start3A_41 = arith.constant 0 : i32
    %dma_start3A_42 = tpu.memref_slice %arg6[%dma_start3A_40, %dma_start3A_41] : memref<4x128xi32, #tpu.memory_space<vmem>> -> memref<1x128xi32, #tpu.memory_space<vmem>>
    %dma_start3A_43 = tpu.memref_squeeze %dma_start3A_42 : memref<1x128xi32, #tpu.memory_space<vmem>> -> memref<128xi32, #tpu.memory_space<vmem>>
    %dma_start3A_44 = tpu.memref_slice %arg3[%mul3A_39] : memref<640000xi32, #tpu.memory_space<hbm>> -> memref<128xi32, #tpu.memory_space<hbm>>
    %dma_start3A_45 = arith.constant 0 : i32
    %dma_start3A_46 = tpu.memref_slice %arg6[%dma_start3A_40, %dma_start3A_45] : memref<4x128xi32, #tpu.memory_space<vmem>> -> memref<1x128xi32, #tpu.memory_space<vmem>>
    %dma_start3A_47 = tpu.memref_squeeze %dma_start3A_46 : memref<1x128xi32, #tpu.memory_space<vmem>> -> memref<128xi32, #tpu.memory_space<vmem>>
    %dma_start3A_48 = tpu.memref_slice %arg3[%mul3A_39] : memref<640000xi32, #tpu.memory_space<hbm>> -> memref<128xi32, #tpu.memory_space<hbm>>
    tpu.enqueue_dma source(%dma_start3A_48 : memref<128xi32, #tpu.memory_space<hbm>>) target(%dma_start3A_47 : memref<128xi32, #tpu.memory_space<vmem>>) target_semaphore(%arg12 : memref<!tpu.dma_semaphore, #tpu.memory_space<semaphore_mem>>)
    %add3A_49 = arith.constant 3 : i32
    %add3A_50 = arith.addi %add3A_8, %add3A_49 : i32
    %mul3A_51 = arith.constant 128 : i32
    %mul3A_52 = arith.muli %add3A_50, %mul3A_51 : i32
    %dma_start3A_53 = arith.constant 3 : i32
    %dma_start3A_54 = arith.constant 0 : i32
    %dma_start3A_55 = tpu.memref_slice %arg6[%dma_start3A_53, %dma_start3A_54] : memref<4x128xi32, #tpu.memory_space<vmem>> -> memref<1x128xi32, #tpu.memory_space<vmem>>
    %dma_start3A_56 = tpu.memref_squeeze %dma_start3A_55 : memref<1x128xi32, #tpu.memory_space<vmem>> -> memref<128xi32, #tpu.memory_space<vmem>>
    %dma_start3A_57 = tpu.memref_slice %arg3[%mul3A_52] : memref<640000xi32, #tpu.memory_space<hbm>> -> memref<128xi32, #tpu.memory_space<hbm>>
    %dma_start3A_58 = arith.constant 0 : i32
    %dma_start3A_59 = tpu.memref_slice %arg6[%dma_start3A_53, %dma_start3A_58] : memref<4x128xi32, #tpu.memory_space<vmem>> -> memref<1x128xi32, #tpu.memory_space<vmem>>
    %dma_start3A_60 = tpu.memref_squeeze %dma_start3A_59 : memref<1x128xi32, #tpu.memory_space<vmem>> -> memref<128xi32, #tpu.memory_space<vmem>>
    %dma_start3A_61 = tpu.memref_slice %arg3[%mul3A_52] : memref<640000xi32, #tpu.memory_space<hbm>> -> memref<128xi32, #tpu.memory_space<hbm>>
    tpu.enqueue_dma source(%dma_start3A_61 : memref<128xi32, #tpu.memory_space<hbm>>) target(%dma_start3A_60 : memref<128xi32, #tpu.memory_space<vmem>>) target_semaphore(%arg12 : memref<!tpu.dma_semaphore, #tpu.memory_space<semaphore_mem>>)
    %add3A_62 = arith.constant 0 : i32
    %add3A_63 = arith.addi %add3A_8, %add3A_62 : i32
    %mul3A_64 = arith.constant 128 : i32
    %mul3A_65 = arith.muli %add3A_63, %mul3A_64 : i32
    %add3A_66 = arith.constant 320000 : i32
    %add3A_67 = arith.addi %add3A_66, %mul3A_65 : i32
    %dma_start3A_68 = arith.constant 0 : i32
    %dma_start3A_69 = arith.constant 0 : i32
    %dma_start3A_70 = tpu.memref_slice %arg7[%dma_start3A_68, %dma_start3A_69] : memref<3x128xi32, #tpu.memory_space<vmem>> -> memref<1x128xi32, #tpu.memory_space<vmem>>
    %dma_start3A_71 = tpu.memref_squeeze %dma_start3A_70 : memref<1x128xi32, #tpu.memory_space<vmem>> -> memref<128xi32, #tpu.memory_space<vmem>>
    %dma_start3A_72 = tpu.memref_slice %arg3[%add3A_67] : memref<640000xi32, #tpu.memory_space<hbm>> -> memref<128xi32, #tpu.memory_space<hbm>>
    %dma_start3A_73 = arith.constant 0 : i32
    %dma_start3A_74 = tpu.memref_slice %arg7[%dma_start3A_68, %dma_start3A_73] : memref<3x128xi32, #tpu.memory_space<vmem>> -> memref<1x128xi32, #tpu.memory_space<vmem>>
    %dma_start3A_75 = tpu.memref_squeeze %dma_start3A_74 : memref<1x128xi32, #tpu.memory_space<vmem>> -> memref<128xi32, #tpu.memory_space<vmem>>
    %dma_start3A_76 = tpu.memref_slice %arg3[%add3A_67] : memref<640000xi32, #tpu.memory_space<hbm>> -> memref<128xi32, #tpu.memory_space<hbm>>
    tpu.enqueue_dma source(%dma_start3A_76 : memref<128xi32, #tpu.memory_space<hbm>>) target(%dma_start3A_75 : memref<128xi32, #tpu.memory_space<vmem>>) target_semaphore(%arg13 : memref<!tpu.dma_semaphore, #tpu.memory_space<semaphore_mem>>)
    %add3A_77 = arith.constant 1 : i32
    %add3A_78 = arith.addi %add3A_8, %add3A_77 : i32
    %mul3A_79 = arith.constant 128 : i32
    %mul3A_80 = arith.muli %add3A_78, %mul3A_79 : i32
    %add3A_81 = arith.constant 320000 : i32
    %add3A_82 = arith.addi %add3A_81, %mul3A_80 : i32
    %dma_start3A_83 = arith.constant 1 : i32
    %dma_start3A_84 = arith.constant 0 : i32
    %dma_start3A_85 = tpu.memref_slice %arg7[%dma_start3A_83, %dma_start3A_84] : memref<3x128xi32, #tpu.memory_space<vmem>> -> memref<1x128xi32, #tpu.memory_space<vmem>>
    %dma_start3A_86 = tpu.memref_squeeze %dma_start3A_85 : memref<1x128xi32, #tpu.memory_space<vmem>> -> memref<128xi32, #tpu.memory_space<vmem>>
    %dma_start3A_87 = tpu.memref_slice %arg3[%add3A_82] : memref<640000xi32, #tpu.memory_space<hbm>> -> memref<128xi32, #tpu.memory_space<hbm>>
    %dma_start3A_88 = arith.constant 0 : i32
    %dma_start3A_89 = tpu.memref_slice %arg7[%dma_start3A_83, %dma_start3A_88] : memref<3x128xi32, #tpu.memory_space<vmem>> -> memref<1x128xi32, #tpu.memory_space<vmem>>
    %dma_start3A_90 = tpu.memref_squeeze %dma_start3A_89 : memref<1x128xi32, #tpu.memory_space<vmem>> -> memref<128xi32, #tpu.memory_space<vmem>>
    %dma_start3A_91 = tpu.memref_slice %arg3[%add3A_82] : memref<640000xi32, #tpu.memory_space<hbm>> -> memref<128xi32, #tpu.memory_space<hbm>>
    tpu.enqueue_dma source(%dma_start3A_91 : memref<128xi32, #tpu.memory_space<hbm>>) target(%dma_start3A_90 : memref<128xi32, #tpu.memory_space<vmem>>) target_semaphore(%arg13 : memref<!tpu.dma_semaphore, #tpu.memory_space<semaphore_mem>>)
    %add3A_92 = arith.constant 0 : i32
    %add3A_93 = arith.addi %add3A_8, %add3A_92 : i32
    %mul3A_94 = arith.constant 128 : i32
    %mul3A_95 = arith.muli %add3A_93, %mul3A_94 : i32
    %dma_wait3A = arith.constant 0 : i32
    %dma_wait3A_96 = arith.constant 0 : i32
    %dma_wait3A_97 = tpu.memref_slice %arg6[%dma_wait3A, %dma_wait3A_96] : memref<4x128xi32, #tpu.memory_space<vmem>> -> memref<1x128xi32, #tpu.memory_space<vmem>>
    %dma_wait3A_98 = tpu.memref_squeeze %dma_wait3A_97 : memref<1x128xi32, #tpu.memory_space<vmem>> -> memref<128xi32, #tpu.memory_space<vmem>>
    %dma_wait3A_99 = tpu.memref_slice %arg3[%mul3A_95] : memref<640000xi32, #tpu.memory_space<hbm>> -> memref<128xi32, #tpu.memory_space<hbm>>
    %dma_wait3A_100 = arith.constant 0 : i32
    %dma_wait3A_101 = tpu.memref_slice %arg6[%dma_wait3A, %dma_wait3A_100] : memref<4x128xi32, #tpu.memory_space<vmem>> -> memref<1x128xi32, #tpu.memory_space<vmem>>
    %dma_wait3A_102 = tpu.memref_squeeze %dma_wait3A_101 : memref<1x128xi32, #tpu.memory_space<vmem>> -> memref<128xi32, #tpu.memory_space<vmem>>
    %dma_wait3A_103 = tpu.memref_slice %arg3[%mul3A_95] : memref<640000xi32, #tpu.memory_space<hbm>> -> memref<128xi32, #tpu.memory_space<hbm>>
    tpu.wait_dma2 semaphore(%arg12 : memref<!tpu.dma_semaphore, #tpu.memory_space<semaphore_mem>>) src(%dma_wait3A_103 : memref<128xi32, #tpu.memory_space<hbm>>) dst(%dma_wait3A_102 : memref<128xi32, #tpu.memory_space<vmem>>)
    %dma_start3A_104 = arith.constant 0 : i32
    %dma_start3A_105 = arith.constant 0 : i32
    %dma_start3A_106 = arith.constant 0 : i32
    %dma_start3A_107 = arith.constant 0 : i32
    %dma_start3A_108 = tpu.memref_slice %arg8[%dma_start3A_105, %dma_start3A_106, %dma_start3A_107] : memref<3x128x128xf32, #tpu.memory_space<vmem>> -> memref<1x128x128xf32, #tpu.memory_space<vmem>>
    %dma_start3A_109 = tpu.memref_squeeze %dma_start3A_108 : memref<1x128x128xf32, #tpu.memory_space<vmem>> -> memref<128x128xf32, #tpu.memory_space<vmem>>
    %dma_start3A_110 = arith.constant 0 : i32
    %dma_start3A_111 = tpu.memref_slice %arg6[%dma_start3A_104, %dma_start3A_110] : memref<4x128xi32, #tpu.memory_space<vmem>> -> memref<1x128xi32, #tpu.memory_space<vmem>>
    %dma_start3A_112 = tpu.memref_squeeze %dma_start3A_111 : memref<1x128xi32, #tpu.memory_space<vmem>> -> memref<128xi32, #tpu.memory_space<vmem>>
    %dma_start3A_113 = arith.constant 0 : i32
    %dma_start3A_114 = arith.constant 0 : i32
    %dma_start3A_115 = tpu.memref_slice %arg2[%dma_start3A_113, %dma_start3A_114] : memref<10000x128xf32, #tpu.memory_space<hbm>> -> memref<10000x128xf32, #tpu.memory_space<hbm>>
    tpu.enqueue_indirect_dma source(%dma_start3A_115 : memref<10000x128xf32, #tpu.memory_space<hbm>>) target(%dma_start3A_109 : memref<128x128xf32, #tpu.memory_space<vmem>>) offsets(%dma_start3A_112 : memref<128xi32, #tpu.memory_space<vmem>>) semaphore(%arg10 : memref<!tpu.dma_semaphore, #tpu.memory_space<semaphore_mem>>)
    %add3A_116 = arith.constant 0 : i32
    %add3A_117 = arith.addi %add3A_8, %add3A_116 : i32
    %mul3A_118 = arith.constant 128 : i32
    %mul3A_119 = arith.muli %add3A_117, %mul3A_118 : i32
    %dma_wait3A_120 = arith.constant 1 : i32
    %dma_wait3A_121 = arith.constant 0 : i32
    %dma_wait3A_122 = tpu.memref_slice %arg6[%dma_wait3A_120, %dma_wait3A_121] : memref<4x128xi32, #tpu.memory_space<vmem>> -> memref<1x128xi32, #tpu.memory_space<vmem>>
    %dma_wait3A_123 = tpu.memref_squeeze %dma_wait3A_122 : memref<1x128xi32, #tpu.memory_space<vmem>> -> memref<128xi32, #tpu.memory_space<vmem>>
    %dma_wait3A_124 = tpu.memref_slice %arg3[%mul3A_119] : memref<640000xi32, #tpu.memory_space<hbm>> -> memref<128xi32, #tpu.memory_space<hbm>>
    %dma_wait3A_125 = arith.constant 0 : i32
    %dma_wait3A_126 = tpu.memref_slice %arg6[%dma_wait3A_120, %dma_wait3A_125] : memref<4x128xi32, #tpu.memory_space<vmem>> -> memref<1x128xi32, #tpu.memory_space<vmem>>
    %dma_wait3A_127 = tpu.memref_squeeze %dma_wait3A_126 : memref<1x128xi32, #tpu.memory_space<vmem>> -> memref<128xi32, #tpu.memory_space<vmem>>
    %dma_wait3A_128 = tpu.memref_slice %arg3[%mul3A_119] : memref<640000xi32, #tpu.memory_space<hbm>> -> memref<128xi32, #tpu.memory_space<hbm>>
    tpu.wait_dma2 semaphore(%arg12 : memref<!tpu.dma_semaphore, #tpu.memory_space<semaphore_mem>>) src(%dma_wait3A_128 : memref<128xi32, #tpu.memory_space<hbm>>) dst(%dma_wait3A_127 : memref<128xi32, #tpu.memory_space<vmem>>)
    %dma_start3A_129 = arith.constant 1 : i32
    %dma_start3A_130 = arith.constant 1 : i32
    %dma_start3A_131 = arith.constant 0 : i32
    %dma_start3A_132 = arith.constant 0 : i32
    %dma_start3A_133 = tpu.memref_slice %arg8[%dma_start3A_130, %dma_start3A_131, %dma_start3A_132] : memref<3x128x128xf32, #tpu.memory_space<vmem>> -> memref<1x128x128xf32, #tpu.memory_space<vmem>>
    %dma_start3A_134 = tpu.memref_squeeze %dma_start3A_133 : memref<1x128x128xf32, #tpu.memory_space<vmem>> -> memref<128x128xf32, #tpu.memory_space<vmem>>
    %dma_start3A_135 = arith.constant 0 : i32
    %dma_start3A_136 = tpu.memref_slice %arg6[%dma_start3A_129, %dma_start3A_135] : memref<4x128xi32, #tpu.memory_space<vmem>> -> memref<1x128xi32, #tpu.memory_space<vmem>>
    %dma_start3A_137 = tpu.memref_squeeze %dma_start3A_136 : memref<1x128xi32, #tpu.memory_space<vmem>> -> memref<128xi32, #tpu.memory_space<vmem>>
    %dma_start3A_138 = arith.constant 0 : i32
    %dma_start3A_139 = arith.constant 0 : i32
    %dma_start3A_140 = tpu.memref_slice %arg2[%dma_start3A_138, %dma_start3A_139] : memref<10000x128xf32, #tpu.memory_space<hbm>> -> memref<10000x128xf32, #tpu.memory_space<hbm>>
    tpu.enqueue_indirect_dma source(%dma_start3A_140 : memref<10000x128xf32, #tpu.memory_space<hbm>>) target(%dma_start3A_134 : memref<128x128xf32, #tpu.memory_space<vmem>>) offsets(%dma_start3A_137 : memref<128xi32, #tpu.memory_space<vmem>>) semaphore(%arg10 : memref<!tpu.dma_semaphore, #tpu.memory_space<semaphore_mem>>)
    %while3A = arith.constant 0 : i32
    %while3A_141 = arith.constant 0 : i32
    %while3A_142 = arith.subi %add3A_4, %while3A_141 : i32
    %while3A_143 = arith.addi %while3A_141, %while3A_142 : i32
    %while3A_144 = arith.constant 1 : i32
    %while3A_145 = arith.divsi %while3A_142, %while3A_144 : i32
    %while3A_146 = arith.muli %while3A_145, %while3A_144 : i32
    %while3A_147 = arith.addi %while3A_141, %while3A_146 : i32
    %while3A_148 = arith.constant 1 : i32
    scf.for %while3A_194 = %while3A_141 to %while3A_147 step %while3A_148  : i32 {
      %add3A_195 = arith.constant 0 : i32
      %add3A_196 = arith.addi %add3A_8, %add3A_195 : i32
      %mul3A_197 = arith.constant 128 : i32
      %mul3A_198 = arith.muli %add3A_196, %mul3A_197 : i32
      %add3A_199 = arith.constant 320000 : i32
      %add3A_200 = arith.addi %add3A_199, %mul3A_198 : i32
      %jit3A_201 = arith.constant 3 : i32
      %eq3A_202 = arith.constant 0 : i32
      %eq3A_203 = arith.cmpi eq, %jit3A_201, %eq3A_202 : i32
      %jit3A_204 = arith.constant 1 : i32
      %select_n3A_205 = arith.select %eq3A_203, %jit3A_204, %jit3A_201 : i32
      %rem3A_206 = arith.remsi %while3A_194, %select_n3A_205 : i32
      %ne3A_207 = arith.constant 0 : i32
      %ne3A_208 = arith.cmpi ne, %rem3A_206, %ne3A_207 : i32
      %lt3A_209 = arith.constant 0 : i32
      %lt3A_210 = arith.cmpi slt, %rem3A_206, %lt3A_209 : i32
      %lt3A_211 = arith.constant 0 : i32
      %lt3A_212 = arith.cmpi slt, %select_n3A_205, %lt3A_211 : i32
      %ne3A_213 = arith.xori %lt3A_210, %lt3A_212 : i1
      %and3A_214 = arith.andi %ne3A_213, %ne3A_208 : i1
      %add3A_215 = arith.addi %rem3A_206, %select_n3A_205 : i32
      %select_n3A_216 = arith.select %and3A_214, %add3A_215, %rem3A_206 : i32
      %dma_wait3A_217 = arith.constant 0 : i32
      %dma_wait3A_218 = tpu.memref_slice %arg7[%select_n3A_216, %dma_wait3A_217] : memref<3x128xi32, #tpu.memory_space<vmem>> -> memref<1x128xi32, #tpu.memory_space<vmem>>
      %dma_wait3A_219 = tpu.memref_squeeze %dma_wait3A_218 : memref<1x128xi32, #tpu.memory_space<vmem>> -> memref<128xi32, #tpu.memory_space<vmem>>
      %dma_wait3A_220 = tpu.memref_slice %arg3[%add3A_200] : memref<640000xi32, #tpu.memory_space<hbm>> -> memref<128xi32, #tpu.memory_space<hbm>>
      %dma_wait3A_221 = arith.constant 0 : i32
      %dma_wait3A_222 = tpu.memref_slice %arg7[%select_n3A_216, %dma_wait3A_221] : memref<3x128xi32, #tpu.memory_space<vmem>> -> memref<1x128xi32, #tpu.memory_space<vmem>>
      %dma_wait3A_223 = tpu.memref_squeeze %dma_wait3A_222 : memref<1x128xi32, #tpu.memory_space<vmem>> -> memref<128xi32, #tpu.memory_space<vmem>>
      %dma_wait3A_224 = tpu.memref_slice %arg3[%add3A_200] : memref<640000xi32, #tpu.memory_space<hbm>> -> memref<128xi32, #tpu.memory_space<hbm>>
      tpu.wait_dma2 semaphore(%arg13 : memref<!tpu.dma_semaphore, #tpu.memory_space<semaphore_mem>>) src(%dma_wait3A_224 : memref<128xi32, #tpu.memory_space<hbm>>) dst(%dma_wait3A_223 : memref<128xi32, #tpu.memory_space<vmem>>)
      %jit3A_225 = arith.constant 4 : i32
      %eq3A_226 = arith.constant 0 : i32
      %eq3A_227 = arith.cmpi eq, %jit3A_225, %eq3A_226 : i32
      %jit3A_228 = arith.constant 1 : i32
      %select_n3A_229 = arith.select %eq3A_227, %jit3A_228, %jit3A_225 : i32
      %rem3A_230 = arith.remsi %while3A_194, %select_n3A_229 : i32
      %ne3A_231 = arith.constant 0 : i32
      %ne3A_232 = arith.cmpi ne, %rem3A_230, %ne3A_231 : i32
      %lt3A_233 = arith.constant 0 : i32
      %lt3A_234 = arith.cmpi slt, %rem3A_230, %lt3A_233 : i32
      %lt3A_235 = arith.constant 0 : i32
      %lt3A_236 = arith.cmpi slt, %select_n3A_229, %lt3A_235 : i32
      %ne3A_237 = arith.xori %lt3A_234, %lt3A_236 : i1
      %and3A_238 = arith.andi %ne3A_237, %ne3A_232 : i1
      %add3A_239 = arith.addi %rem3A_230, %select_n3A_229 : i32
      %select_n3A_240 = arith.select %and3A_238, %add3A_239, %rem3A_230 : i32
      %jit3A_241 = arith.constant 3 : i32
      %eq3A_242 = arith.constant 0 : i32
      %eq3A_243 = arith.cmpi eq, %jit3A_241, %eq3A_242 : i32
      %jit3A_244 = arith.constant 1 : i32
      %select_n3A_245 = arith.select %eq3A_243, %jit3A_244, %jit3A_241 : i32
      %rem3A_246 = arith.remsi %while3A_194, %select_n3A_245 : i32
      %ne3A_247 = arith.constant 0 : i32
      %ne3A_248 = arith.cmpi ne, %rem3A_246, %ne3A_247 : i32
      %lt3A_249 = arith.constant 0 : i32
      %lt3A_250 = arith.cmpi slt, %rem3A_246, %lt3A_249 : i32
      %lt3A_251 = arith.constant 0 : i32
      %lt3A_252 = arith.cmpi slt, %select_n3A_245, %lt3A_251 : i32
      %ne3A_253 = arith.xori %lt3A_250, %lt3A_252 : i1
      %and3A_254 = arith.andi %ne3A_253, %ne3A_248 : i1
      %add3A_255 = arith.addi %rem3A_246, %select_n3A_245 : i32
      %select_n3A_256 = arith.select %and3A_254, %add3A_255, %rem3A_246 : i32
      %dma_wait3A_257 = arith.constant 0 : i32
      %dma_wait3A_258 = arith.constant 0 : i32
      %dma_wait3A_259 = tpu.memref_slice %arg8[%select_n3A_256, %dma_wait3A_257, %dma_wait3A_258] : memref<3x128x128xf32, #tpu.memory_space<vmem>> -> memref<1x128x128xf32, #tpu.memory_space<vmem>>
      %dma_wait3A_260 = tpu.memref_squeeze %dma_wait3A_259 : memref<1x128x128xf32, #tpu.memory_space<vmem>> -> memref<128x128xf32, #tpu.memory_space<vmem>>
      %dma_wait3A_261 = arith.constant 0 : i32
      %dma_wait3A_262 = tpu.memref_slice %arg6[%select_n3A_240, %dma_wait3A_261] : memref<4x128xi32, #tpu.memory_space<vmem>> -> memref<1x128xi32, #tpu.memory_space<vmem>>
      %dma_wait3A_263 = tpu.memref_squeeze %dma_wait3A_262 : memref<1x128xi32, #tpu.memory_space<vmem>> -> memref<128xi32, #tpu.memory_space<vmem>>
      %dma_wait3A_264 = arith.constant 0 : i32
      %dma_wait3A_265 = arith.constant 0 : i32
      %dma_wait3A_266 = tpu.memref_slice %arg2[%dma_wait3A_264, %dma_wait3A_265] : memref<10000x128xf32, #tpu.memory_space<hbm>> -> memref<10000x128xf32, #tpu.memory_space<hbm>>
      tpu.wait_indirect_dma semaphore(%arg10 : memref<!tpu.dma_semaphore, #tpu.memory_space<semaphore_mem>>) src(%dma_wait3A_266 : memref<10000x128xf32, #tpu.memory_space<hbm>>) dst(%dma_wait3A_260 : memref<128x128xf32, #tpu.memory_space<vmem>>)
      %jit3A_267 = arith.constant 3 : i32
      %eq3A_268 = arith.constant 0 : i32
      %eq3A_269 = arith.cmpi eq, %jit3A_267, %eq3A_268 : i32
      %jit3A_270 = arith.constant 1 : i32
      %select_n3A_271 = arith.select %eq3A_269, %jit3A_270, %jit3A_267 : i32
      %rem3A_272 = arith.remsi %while3A_194, %select_n3A_271 : i32
      %ne3A_273 = arith.constant 0 : i32
      %ne3A_274 = arith.cmpi ne, %rem3A_272, %ne3A_273 : i32
      %lt3A_275 = arith.constant 0 : i32
      %lt3A_276 = arith.cmpi slt, %rem3A_272, %lt3A_275 : i32
      %lt3A_277 = arith.constant 0 : i32
      %lt3A_278 = arith.cmpi slt, %select_n3A_271, %lt3A_277 : i32
      %ne3A_279 = arith.xori %lt3A_276, %lt3A_278 : i1
      %and3A_280 = arith.andi %ne3A_279, %ne3A_274 : i1
      %add3A_281 = arith.addi %rem3A_272, %select_n3A_271 : i32
      %select_n3A_282 = arith.select %and3A_280, %add3A_281, %rem3A_272 : i32
      %jit3A_283 = arith.constant 3 : i32
      %eq3A_284 = arith.constant 0 : i32
      %eq3A_285 = arith.cmpi eq, %jit3A_283, %eq3A_284 : i32
      %jit3A_286 = arith.constant 1 : i32
      %select_n3A_287 = arith.select %eq3A_285, %jit3A_286, %jit3A_283 : i32
      %rem3A_288 = arith.remsi %while3A_194, %select_n3A_287 : i32
      %ne3A_289 = arith.constant 0 : i32
      %ne3A_290 = arith.cmpi ne, %rem3A_288, %ne3A_289 : i32
      %lt3A_291 = arith.constant 0 : i32
      %lt3A_292 = arith.cmpi slt, %rem3A_288, %lt3A_291 : i32
      %lt3A_293 = arith.constant 0 : i32
      %lt3A_294 = arith.cmpi slt, %select_n3A_287, %lt3A_293 : i32
      %ne3A_295 = arith.xori %lt3A_292, %lt3A_294 : i1
      %and3A_296 = arith.andi %ne3A_295, %ne3A_290 : i1
      %add3A_297 = arith.addi %rem3A_288, %select_n3A_287 : i32
      %select_n3A_298 = arith.select %and3A_296, %add3A_297, %rem3A_288 : i32
      %dma_start3A_299 = arith.constant 0 : i32
      %dma_start3A_300 = arith.constant 0 : i32
      %dma_start3A_301 = tpu.memref_slice %arg8[%select_n3A_282, %dma_start3A_299, %dma_start3A_300] : memref<3x128x128xf32, #tpu.memory_space<vmem>> -> memref<1x128x128xf32, #tpu.memory_space<vmem>>
      %dma_start3A_302 = tpu.memref_squeeze %dma_start3A_301 : memref<1x128x128xf32, #tpu.memory_space<vmem>> -> memref<128x128xf32, #tpu.memory_space<vmem>>
      %dma_start3A_303 = arith.constant 0 : i32
      %dma_start3A_304 = tpu.memref_slice %arg7[%select_n3A_298, %dma_start3A_303] : memref<3x128xi32, #tpu.memory_space<vmem>> -> memref<1x128xi32, #tpu.memory_space<vmem>>
      %dma_start3A_305 = tpu.memref_squeeze %dma_start3A_304 : memref<1x128xi32, #tpu.memory_space<vmem>> -> memref<128xi32, #tpu.memory_space<vmem>>
      %dma_start3A_306 = arith.constant 0 : i32
      %dma_start3A_307 = arith.constant 0 : i32
      %dma_start3A_308 = tpu.memref_slice %arg9[%dma_start3A_306, %dma_start3A_307] : memref<10112x128xf32, #tpu.memory_space<vmem_shared>> -> memref<10112x128xf32, #tpu.memory_space<vmem_shared>>
      tpu.enqueue_indirect_dma source(%dma_start3A_302 : memref<128x128xf32, #tpu.memory_space<vmem>>) target(%dma_start3A_308 : memref<10112x128xf32, #tpu.memory_space<vmem_shared>>) offsets(%dma_start3A_305 : memref<128xi32, #tpu.memory_space<vmem>>) semaphore(%arg11 : memref<!tpu.dma_semaphore, #tpu.memory_space<semaphore_mem>>) {add = true}
      %add3A_309 = arith.constant 4 : i32
      %add3A_310 = arith.addi %while3A_194, %add3A_309 : i32
      %lt3A_311 = arith.cmpi slt, %add3A_310, %add3A_4 : i32
      %convert_element_type3A = arith.extui %lt3A_311 : i1 to i32
      %cond3A = arith.constant 0 : i32
      %cond3A_312 = arith.cmpi ne, %convert_element_type3A, %cond3A : i32
      scf.if %cond3A_312 {
        %add3A_323 = arith.constant 4 : i32
        %add3A_324 = arith.addi %while3A_194, %add3A_323 : i32
        %add3A_325 = arith.addi %add3A_8, %add3A_324 : i32
        %mul3A_326 = arith.constant 128 : i32
        %mul3A_327 = arith.muli %add3A_325, %mul3A_326 : i32
        %jit3A_328 = arith.constant 4 : i32
        %eq3A_329 = arith.constant 0 : i32
        %eq3A_330 = arith.cmpi eq, %jit3A_328, %eq3A_329 : i32
        %jit3A_331 = arith.constant 1 : i32
        %select_n3A_332 = arith.select %eq3A_330, %jit3A_331, %jit3A_328 : i32
        %rem3A_333 = arith.remsi %while3A_194, %select_n3A_332 : i32
        %ne3A_334 = arith.constant 0 : i32
        %ne3A_335 = arith.cmpi ne, %rem3A_333, %ne3A_334 : i32
        %lt3A_336 = arith.constant 0 : i32
        %lt3A_337 = arith.cmpi slt, %rem3A_333, %lt3A_336 : i32
        %lt3A_338 = arith.constant 0 : i32
        %lt3A_339 = arith.cmpi slt, %select_n3A_332, %lt3A_338 : i32
        %ne3A_340 = arith.xori %lt3A_337, %lt3A_339 : i1
        %and3A_341 = arith.andi %ne3A_340, %ne3A_335 : i1
        %add3A_342 = arith.addi %rem3A_333, %select_n3A_332 : i32
        %select_n3A_343 = arith.select %and3A_341, %add3A_342, %rem3A_333 : i32
        %dma_start3A_344 = arith.constant 0 : i32
        %dma_start3A_345 = tpu.memref_slice %arg6[%select_n3A_343, %dma_start3A_344] : memref<4x128xi32, #tpu.memory_space<vmem>> -> memref<1x128xi32, #tpu.memory_space<vmem>>
        %dma_start3A_346 = tpu.memref_squeeze %dma_start3A_345 : memref<1x128xi32, #tpu.memory_space<vmem>> -> memref<128xi32, #tpu.memory_space<vmem>>
        %dma_start3A_347 = tpu.memref_slice %arg3[%mul3A_327] : memref<640000xi32, #tpu.memory_space<hbm>> -> memref<128xi32, #tpu.memory_space<hbm>>
        %dma_start3A_348 = arith.constant 0 : i32
        %dma_start3A_349 = tpu.memref_slice %arg6[%select_n3A_343, %dma_start3A_348] : memref<4x128xi32, #tpu.memory_space<vmem>> -> memref<1x128xi32, #tpu.memory_space<vmem>>
        %dma_start3A_350 = tpu.memref_squeeze %dma_start3A_349 : memref<1x128xi32, #tpu.memory_space<vmem>> -> memref<128xi32, #tpu.memory_space<vmem>>
        %dma_start3A_351 = tpu.memref_slice %arg3[%mul3A_327] : memref<640000xi32, #tpu.memory_space<hbm>> -> memref<128xi32, #tpu.memory_space<hbm>>
        tpu.enqueue_dma source(%dma_start3A_351 : memref<128xi32, #tpu.memory_space<hbm>>) target(%dma_start3A_350 : memref<128xi32, #tpu.memory_space<vmem>>) target_semaphore(%arg12 : memref<!tpu.dma_semaphore, #tpu.memory_space<semaphore_mem>>)
      } else {
      }
      %ge3A = arith.constant 1 : i32
      %ge3A_313 = arith.cmpi sge, %while3A_194, %ge3A : i32
      %convert_element_type3A_314 = arith.extui %ge3A_313 : i1 to i32
      %cond3A_315 = arith.constant 0 : i32
      %cond3A_316 = arith.cmpi ne, %convert_element_type3A_314, %cond3A_315 : i32
      scf.if %cond3A_316 {
        %sub3A_323 = arith.constant 1 : i32
        %sub3A_324 = arith.subi %while3A_194, %sub3A_323 : i32
        %jit3A_325 = arith.constant 3 : i32
        %eq3A_326 = arith.constant 0 : i32
        %eq3A_327 = arith.cmpi eq, %jit3A_325, %eq3A_326 : i32
        %jit3A_328 = arith.constant 1 : i32
        %select_n3A_329 = arith.select %eq3A_327, %jit3A_328, %jit3A_325 : i32
        %rem3A_330 = arith.remsi %sub3A_324, %select_n3A_329 : i32
        %ne3A_331 = arith.constant 0 : i32
        %ne3A_332 = arith.cmpi ne, %rem3A_330, %ne3A_331 : i32
        %lt3A_333 = arith.constant 0 : i32
        %lt3A_334 = arith.cmpi slt, %rem3A_330, %lt3A_333 : i32
        %lt3A_335 = arith.constant 0 : i32
        %lt3A_336 = arith.cmpi slt, %select_n3A_329, %lt3A_335 : i32
        %ne3A_337 = arith.xori %lt3A_334, %lt3A_336 : i1
        %and3A_338 = arith.andi %ne3A_337, %ne3A_332 : i1
        %add3A_339 = arith.addi %rem3A_330, %select_n3A_329 : i32
        %select_n3A_340 = arith.select %and3A_338, %add3A_339, %rem3A_330 : i32
        %jit3A_341 = arith.constant 3 : i32
        %eq3A_342 = arith.constant 0 : i32
        %eq3A_343 = arith.cmpi eq, %jit3A_341, %eq3A_342 : i32
        %jit3A_344 = arith.constant 1 : i32
        %select_n3A_345 = arith.select %eq3A_343, %jit3A_344, %jit3A_341 : i32
        %rem3A_346 = arith.remsi %sub3A_324, %select_n3A_345 : i32
        %ne3A_347 = arith.constant 0 : i32
        %ne3A_348 = arith.cmpi ne, %rem3A_346, %ne3A_347 : i32
        %lt3A_349 = arith.constant 0 : i32
        %lt3A_350 = arith.cmpi slt, %rem3A_346, %lt3A_349 : i32
        %lt3A_351 = arith.constant 0 : i32
        %lt3A_352 = arith.cmpi slt, %select_n3A_345, %lt3A_351 : i32
        %ne3A_353 = arith.xori %lt3A_350, %lt3A_352 : i1
        %and3A_354 = arith.andi %ne3A_353, %ne3A_348 : i1
        %add3A_355 = arith.addi %rem3A_346, %select_n3A_345 : i32
        %select_n3A_356 = arith.select %and3A_354, %add3A_355, %rem3A_346 : i32
        %dma_wait3A_357 = arith.constant 0 : i32
        %dma_wait3A_358 = arith.constant 0 : i32
        %dma_wait3A_359 = tpu.memref_slice %arg8[%select_n3A_340, %dma_wait3A_357, %dma_wait3A_358] : memref<3x128x128xf32, #tpu.memory_space<vmem>> -> memref<1x128x128xf32, #tpu.memory_space<vmem>>
        %dma_wait3A_360 = tpu.memref_squeeze %dma_wait3A_359 : memref<1x128x128xf32, #tpu.memory_space<vmem>> -> memref<128x128xf32, #tpu.memory_space<vmem>>
        %dma_wait3A_361 = arith.constant 0 : i32
        %dma_wait3A_362 = tpu.memref_slice %arg7[%select_n3A_356, %dma_wait3A_361] : memref<3x128xi32, #tpu.memory_space<vmem>> -> memref<1x128xi32, #tpu.memory_space<vmem>>
        %dma_wait3A_363 = tpu.memref_squeeze %dma_wait3A_362 : memref<1x128xi32, #tpu.memory_space<vmem>> -> memref<128xi32, #tpu.memory_space<vmem>>
        %dma_wait3A_364 = arith.constant 0 : i32
        %dma_wait3A_365 = arith.constant 0 : i32
        %dma_wait3A_366 = tpu.memref_slice %arg9[%dma_wait3A_364, %dma_wait3A_365] : memref<10112x128xf32, #tpu.memory_space<vmem_shared>> -> memref<10112x128xf32, #tpu.memory_space<vmem_shared>>
        tpu.wait_indirect_dma semaphore(%arg11 : memref<!tpu.dma_semaphore, #tpu.memory_space<semaphore_mem>>) src(%dma_wait3A_360 : memref<128x128xf32, #tpu.memory_space<vmem>>) dst(%dma_wait3A_366 : memref<10112x128xf32, #tpu.memory_space<vmem_shared>>)
      } else {
      }
      %add3A_317 = arith.constant 2 : i32
      %add3A_318 = arith.addi %while3A_194, %add3A_317 : i32
      %lt3A_319 = arith.cmpi slt, %add3A_318, %add3A_4 : i32
      %convert_element_type3A_320 = arith.extui %lt3A_319 : i1 to i32
      %cond3A_321 = arith.constant 0 : i32
      %cond3A_322 = arith.cmpi ne, %convert_element_type3A_320, %cond3A_321 : i32
      scf.if %cond3A_322 {
        %add3A_323 = arith.constant 2 : i32
        %add3A_324 = arith.addi %while3A_194, %add3A_323 : i32
        %add3A_325 = arith.addi %add3A_8, %add3A_324 : i32
        %mul3A_326 = arith.constant 128 : i32
        %mul3A_327 = arith.muli %add3A_325, %mul3A_326 : i32
        %add3A_328 = arith.constant 320000 : i32
        %add3A_329 = arith.addi %add3A_328, %mul3A_327 : i32
        %add3A_330 = arith.constant 2 : i32
        %add3A_331 = arith.addi %while3A_194, %add3A_330 : i32
        %jit3A_332 = arith.constant 3 : i32
        %eq3A_333 = arith.constant 0 : i32
        %eq3A_334 = arith.cmpi eq, %jit3A_332, %eq3A_333 : i32
        %jit3A_335 = arith.constant 1 : i32
        %select_n3A_336 = arith.select %eq3A_334, %jit3A_335, %jit3A_332 : i32
        %rem3A_337 = arith.remsi %add3A_331, %select_n3A_336 : i32
        %ne3A_338 = arith.constant 0 : i32
        %ne3A_339 = arith.cmpi ne, %rem3A_337, %ne3A_338 : i32
        %lt3A_340 = arith.constant 0 : i32
        %lt3A_341 = arith.cmpi slt, %rem3A_337, %lt3A_340 : i32
        %lt3A_342 = arith.constant 0 : i32
        %lt3A_343 = arith.cmpi slt, %select_n3A_336, %lt3A_342 : i32
        %ne3A_344 = arith.xori %lt3A_341, %lt3A_343 : i1
        %and3A_345 = arith.andi %ne3A_344, %ne3A_339 : i1
        %add3A_346 = arith.addi %rem3A_337, %select_n3A_336 : i32
        %select_n3A_347 = arith.select %and3A_345, %add3A_346, %rem3A_337 : i32
        %dma_start3A_348 = arith.constant 0 : i32
        %dma_start3A_349 = tpu.memref_slice %arg7[%select_n3A_347, %dma_start3A_348] : memref<3x128xi32, #tpu.memory_space<vmem>> -> memref<1x128xi32, #tpu.memory_space<vmem>>
        %dma_start3A_350 = tpu.memref_squeeze %dma_start3A_349 : memref<1x128xi32, #tpu.memory_space<vmem>> -> memref<128xi32, #tpu.memory_space<vmem>>
        %dma_start3A_351 = tpu.memref_slice %arg3[%add3A_329] : memref<640000xi32, #tpu.memory_space<hbm>> -> memref<128xi32, #tpu.memory_space<hbm>>
        %dma_start3A_352 = arith.constant 0 : i32
        %dma_start3A_353 = tpu.memref_slice %arg7[%select_n3A_347, %dma_start3A_352] : memref<3x128xi32, #tpu.memory_space<vmem>> -> memref<1x128xi32, #tpu.memory_space<vmem>>
        %dma_start3A_354 = tpu.memref_squeeze %dma_start3A_353 : memref<1x128xi32, #tpu.memory_space<vmem>> -> memref<128xi32, #tpu.memory_space<vmem>>
        %dma_start3A_355 = tpu.memref_slice %arg3[%add3A_329] : memref<640000xi32, #tpu.memory_space<hbm>> -> memref<128xi32, #tpu.memory_space<hbm>>
        tpu.enqueue_dma source(%dma_start3A_355 : memref<128xi32, #tpu.memory_space<hbm>>) target(%dma_start3A_354 : memref<128xi32, #tpu.memory_space<vmem>>) target_semaphore(%arg13 : memref<!tpu.dma_semaphore, #tpu.memory_space<semaphore_mem>>)
        %add3A_356 = arith.constant 0 : i32
        %add3A_357 = arith.addi %add3A_8, %add3A_356 : i32
        %mul3A_358 = arith.constant 128 : i32
        %mul3A_359 = arith.muli %add3A_357, %mul3A_358 : i32
        %add3A_360 = arith.constant 2 : i32
        %add3A_361 = arith.addi %while3A_194, %add3A_360 : i32
        %jit3A_362 = arith.constant 4 : i32
        %eq3A_363 = arith.constant 0 : i32
        %eq3A_364 = arith.cmpi eq, %jit3A_362, %eq3A_363 : i32
        %jit3A_365 = arith.constant 1 : i32
        %select_n3A_366 = arith.select %eq3A_364, %jit3A_365, %jit3A_362 : i32
        %rem3A_367 = arith.remsi %add3A_361, %select_n3A_366 : i32
        %ne3A_368 = arith.constant 0 : i32
        %ne3A_369 = arith.cmpi ne, %rem3A_367, %ne3A_368 : i32
        %lt3A_370 = arith.constant 0 : i32
        %lt3A_371 = arith.cmpi slt, %rem3A_367, %lt3A_370 : i32
        %lt3A_372 = arith.constant 0 : i32
        %lt3A_373 = arith.cmpi slt, %select_n3A_366, %lt3A_372 : i32
        %ne3A_374 = arith.xori %lt3A_371, %lt3A_373 : i1
        %and3A_375 = arith.andi %ne3A_374, %ne3A_369 : i1
        %add3A_376 = arith.addi %rem3A_367, %select_n3A_366 : i32
        %select_n3A_377 = arith.select %and3A_375, %add3A_376, %rem3A_367 : i32
        %dma_wait3A_378 = arith.constant 0 : i32
        %dma_wait3A_379 = tpu.memref_slice %arg6[%select_n3A_377, %dma_wait3A_378] : memref<4x128xi32, #tpu.memory_space<vmem>> -> memref<1x128xi32, #tpu.memory_space<vmem>>
        %dma_wait3A_380 = tpu.memref_squeeze %dma_wait3A_379 : memref<1x128xi32, #tpu.memory_space<vmem>> -> memref<128xi32, #tpu.memory_space<vmem>>
        %dma_wait3A_381 = tpu.memref_slice %arg3[%mul3A_359] : memref<640000xi32, #tpu.memory_space<hbm>> -> memref<128xi32, #tpu.memory_space<hbm>>
        %dma_wait3A_382 = arith.constant 0 : i32
        %dma_wait3A_383 = tpu.memref_slice %arg6[%select_n3A_377, %dma_wait3A_382] : memref<4x128xi32, #tpu.memory_space<vmem>> -> memref<1x128xi32, #tpu.memory_space<vmem>>
        %dma_wait3A_384 = tpu.memref_squeeze %dma_wait3A_383 : memref<1x128xi32, #tpu.memory_space<vmem>> -> memref<128xi32, #tpu.memory_space<vmem>>
        %dma_wait3A_385 = tpu.memref_slice %arg3[%mul3A_359] : memref<640000xi32, #tpu.memory_space<hbm>> -> memref<128xi32, #tpu.memory_space<hbm>>
        tpu.wait_dma2 semaphore(%arg12 : memref<!tpu.dma_semaphore, #tpu.memory_space<semaphore_mem>>) src(%dma_wait3A_385 : memref<128xi32, #tpu.memory_space<hbm>>) dst(%dma_wait3A_384 : memref<128xi32, #tpu.memory_space<vmem>>)
        %add3A_386 = arith.constant 2 : i32
        %add3A_387 = arith.addi %while3A_194, %add3A_386 : i32
        %jit3A_388 = arith.constant 4 : i32
        %eq3A_389 = arith.constant 0 : i32
        %eq3A_390 = arith.cmpi eq, %jit3A_388, %eq3A_389 : i32
        %jit3A_391 = arith.constant 1 : i32
        %select_n3A_392 = arith.select %eq3A_390, %jit3A_391, %jit3A_388 : i32
        %rem3A_393 = arith.remsi %add3A_387, %select_n3A_392 : i32
        %ne3A_394 = arith.constant 0 : i32
        %ne3A_395 = arith.cmpi ne, %rem3A_393, %ne3A_394 : i32
        %lt3A_396 = arith.constant 0 : i32
        %lt3A_397 = arith.cmpi slt, %rem3A_393, %lt3A_396 : i32
        %lt3A_398 = arith.constant 0 : i32
        %lt3A_399 = arith.cmpi slt, %select_n3A_392, %lt3A_398 : i32
        %ne3A_400 = arith.xori %lt3A_397, %lt3A_399 : i1
        %and3A_401 = arith.andi %ne3A_400, %ne3A_395 : i1
        %add3A_402 = arith.addi %rem3A_393, %select_n3A_392 : i32
        %select_n3A_403 = arith.select %and3A_401, %add3A_402, %rem3A_393 : i32
        %add3A_404 = arith.constant 2 : i32
        %add3A_405 = arith.addi %while3A_194, %add3A_404 : i32
        %jit3A_406 = arith.constant 3 : i32
        %eq3A_407 = arith.constant 0 : i32
        %eq3A_408 = arith.cmpi eq, %jit3A_406, %eq3A_407 : i32
        %jit3A_409 = arith.constant 1 : i32
        %select_n3A_410 = arith.select %eq3A_408, %jit3A_409, %jit3A_406 : i32
        %rem3A_411 = arith.remsi %add3A_405, %select_n3A_410 : i32
        %ne3A_412 = arith.constant 0 : i32
        %ne3A_413 = arith.cmpi ne, %rem3A_411, %ne3A_412 : i32
        %lt3A_414 = arith.constant 0 : i32
        %lt3A_415 = arith.cmpi slt, %rem3A_411, %lt3A_414 : i32
        %lt3A_416 = arith.constant 0 : i32
        %lt3A_417 = arith.cmpi slt, %select_n3A_410, %lt3A_416 : i32
        %ne3A_418 = arith.xori %lt3A_415, %lt3A_417 : i1
        %and3A_419 = arith.andi %ne3A_418, %ne3A_413 : i1
        %add3A_420 = arith.addi %rem3A_411, %select_n3A_410 : i32
        %select_n3A_421 = arith.select %and3A_419, %add3A_420, %rem3A_411 : i32
        %dma_start3A_422 = arith.constant 0 : i32
        %dma_start3A_423 = arith.constant 0 : i32
        %dma_start3A_424 = tpu.memref_slice %arg8[%select_n3A_421, %dma_start3A_422, %dma_start3A_423] : memref<3x128x128xf32, #tpu.memory_space<vmem>> -> memref<1x128x128xf32, #tpu.memory_space<vmem>>
        %dma_start3A_425 = tpu.memref_squeeze %dma_start3A_424 : memref<1x128x128xf32, #tpu.memory_space<vmem>> -> memref<128x128xf32, #tpu.memory_space<vmem>>
        %dma_start3A_426 = arith.constant 0 : i32
        %dma_start3A_427 = tpu.memref_slice %arg6[%select_n3A_403, %dma_start3A_426] : memref<4x128xi32, #tpu.memory_space<vmem>> -> memref<1x128xi32, #tpu.memory_space<vmem>>
        %dma_start3A_428 = tpu.memref_squeeze %dma_start3A_427 : memref<1x128xi32, #tpu.memory_space<vmem>> -> memref<128xi32, #tpu.memory_space<vmem>>
        %dma_start3A_429 = arith.constant 0 : i32
        %dma_start3A_430 = arith.constant 0 : i32
        %dma_start3A_431 = tpu.memref_slice %arg2[%dma_start3A_429, %dma_start3A_430] : memref<10000x128xf32, #tpu.memory_space<hbm>> -> memref<10000x128xf32, #tpu.memory_space<hbm>>
        tpu.enqueue_indirect_dma source(%dma_start3A_431 : memref<10000x128xf32, #tpu.memory_space<hbm>>) target(%dma_start3A_425 : memref<128x128xf32, #tpu.memory_space<vmem>>) offsets(%dma_start3A_428 : memref<128xi32, #tpu.memory_space<vmem>>) semaphore(%arg10 : memref<!tpu.dma_semaphore, #tpu.memory_space<semaphore_mem>>)
      } else {
      }
    }
    %while3A_149 = arith.constant 1 : i32
    scf.for %while3A_194 = %while3A_147 to %while3A_143 step %while3A_149  : i32 {
      %add3A_195 = arith.constant 0 : i32
      %add3A_196 = arith.addi %add3A_8, %add3A_195 : i32
      %mul3A_197 = arith.constant 128 : i32
      %mul3A_198 = arith.muli %add3A_196, %mul3A_197 : i32
      %add3A_199 = arith.constant 320000 : i32
      %add3A_200 = arith.addi %add3A_199, %mul3A_198 : i32
      %jit3A_201 = arith.constant 3 : i32
      %eq3A_202 = arith.constant 0 : i32
      %eq3A_203 = arith.cmpi eq, %jit3A_201, %eq3A_202 : i32
      %jit3A_204 = arith.constant 1 : i32
      %select_n3A_205 = arith.select %eq3A_203, %jit3A_204, %jit3A_201 : i32
      %rem3A_206 = arith.remsi %while3A_194, %select_n3A_205 : i32
      %ne3A_207 = arith.constant 0 : i32
      %ne3A_208 = arith.cmpi ne, %rem3A_206, %ne3A_207 : i32
      %lt3A_209 = arith.constant 0 : i32
      %lt3A_210 = arith.cmpi slt, %rem3A_206, %lt3A_209 : i32
      %lt3A_211 = arith.constant 0 : i32
      %lt3A_212 = arith.cmpi slt, %select_n3A_205, %lt3A_211 : i32
      %ne3A_213 = arith.xori %lt3A_210, %lt3A_212 : i1
      %and3A_214 = arith.andi %ne3A_213, %ne3A_208 : i1
      %add3A_215 = arith.addi %rem3A_206, %select_n3A_205 : i32
      %select_n3A_216 = arith.select %and3A_214, %add3A_215, %rem3A_206 : i32
      %dma_wait3A_217 = arith.constant 0 : i32
      %dma_wait3A_218 = tpu.memref_slice %arg7[%select_n3A_216, %dma_wait3A_217] : memref<3x128xi32, #tpu.memory_space<vmem>> -> memref<1x128xi32, #tpu.memory_space<vmem>>
      %dma_wait3A_219 = tpu.memref_squeeze %dma_wait3A_218 : memref<1x128xi32, #tpu.memory_space<vmem>> -> memref<128xi32, #tpu.memory_space<vmem>>
      %dma_wait3A_220 = tpu.memref_slice %arg3[%add3A_200] : memref<640000xi32, #tpu.memory_space<hbm>> -> memref<128xi32, #tpu.memory_space<hbm>>
      %dma_wait3A_221 = arith.constant 0 : i32
      %dma_wait3A_222 = tpu.memref_slice %arg7[%select_n3A_216, %dma_wait3A_221] : memref<3x128xi32, #tpu.memory_space<vmem>> -> memref<1x128xi32, #tpu.memory_space<vmem>>
      %dma_wait3A_223 = tpu.memref_squeeze %dma_wait3A_222 : memref<1x128xi32, #tpu.memory_space<vmem>> -> memref<128xi32, #tpu.memory_space<vmem>>
      %dma_wait3A_224 = tpu.memref_slice %arg3[%add3A_200] : memref<640000xi32, #tpu.memory_space<hbm>> -> memref<128xi32, #tpu.memory_space<hbm>>
      tpu.wait_dma2 semaphore(%arg13 : memref<!tpu.dma_semaphore, #tpu.memory_space<semaphore_mem>>) src(%dma_wait3A_224 : memref<128xi32, #tpu.memory_space<hbm>>) dst(%dma_wait3A_223 : memref<128xi32, #tpu.memory_space<vmem>>)
      %jit3A_225 = arith.constant 4 : i32
      %eq3A_226 = arith.constant 0 : i32
      %eq3A_227 = arith.cmpi eq, %jit3A_225, %eq3A_226 : i32
      %jit3A_228 = arith.constant 1 : i32
      %select_n3A_229 = arith.select %eq3A_227, %jit3A_228, %jit3A_225 : i32
      %rem3A_230 = arith.remsi %while3A_194, %select_n3A_229 : i32
      %ne3A_231 = arith.constant 0 : i32
      %ne3A_232 = arith.cmpi ne, %rem3A_230, %ne3A_231 : i32
      %lt3A_233 = arith.constant 0 : i32
      %lt3A_234 = arith.cmpi slt, %rem3A_230, %lt3A_233 : i32
      %lt3A_235 = arith.constant 0 : i32
      %lt3A_236 = arith.cmpi slt, %select_n3A_229, %lt3A_235 : i32
      %ne3A_237 = arith.xori %lt3A_234, %lt3A_236 : i1
      %and3A_238 = arith.andi %ne3A_237, %ne3A_232 : i1
      %add3A_239 = arith.addi %rem3A_230, %select_n3A_229 : i32
      %select_n3A_240 = arith.select %and3A_238, %add3A_239, %rem3A_230 : i32
      %jit3A_241 = arith.constant 3 : i32
      %eq3A_242 = arith.constant 0 : i32
      %eq3A_243 = arith.cmpi eq, %jit3A_241, %eq3A_242 : i32
      %jit3A_244 = arith.constant 1 : i32
      %select_n3A_245 = arith.select %eq3A_243, %jit3A_244, %jit3A_241 : i32
      %rem3A_246 = arith.remsi %while3A_194, %select_n3A_245 : i32
      %ne3A_247 = arith.constant 0 : i32
      %ne3A_248 = arith.cmpi ne, %rem3A_246, %ne3A_247 : i32
      %lt3A_249 = arith.constant 0 : i32
      %lt3A_250 = arith.cmpi slt, %rem3A_246, %lt3A_249 : i32
      %lt3A_251 = arith.constant 0 : i32
      %lt3A_252 = arith.cmpi slt, %select_n3A_245, %lt3A_251 : i32
      %ne3A_253 = arith.xori %lt3A_250, %lt3A_252 : i1
      %and3A_254 = arith.andi %ne3A_253, %ne3A_248 : i1
      %add3A_255 = arith.addi %rem3A_246, %select_n3A_245 : i32
      %select_n3A_256 = arith.select %and3A_254, %add3A_255, %rem3A_246 : i32
      %dma_wait3A_257 = arith.constant 0 : i32
      %dma_wait3A_258 = arith.constant 0 : i32
      %dma_wait3A_259 = tpu.memref_slice %arg8[%select_n3A_256, %dma_wait3A_257, %dma_wait3A_258] : memref<3x128x128xf32, #tpu.memory_space<vmem>> -> memref<1x128x128xf32, #tpu.memory_space<vmem>>
      %dma_wait3A_260 = tpu.memref_squeeze %dma_wait3A_259 : memref<1x128x128xf32, #tpu.memory_space<vmem>> -> memref<128x128xf32, #tpu.memory_space<vmem>>
      %dma_wait3A_261 = arith.constant 0 : i32
      %dma_wait3A_262 = tpu.memref_slice %arg6[%select_n3A_240, %dma_wait3A_261] : memref<4x128xi32, #tpu.memory_space<vmem>> -> memref<1x128xi32, #tpu.memory_space<vmem>>
      %dma_wait3A_263 = tpu.memref_squeeze %dma_wait3A_262 : memref<1x128xi32, #tpu.memory_space<vmem>> -> memref<128xi32, #tpu.memory_space<vmem>>
      %dma_wait3A_264 = arith.constant 0 : i32
      %dma_wait3A_265 = arith.constant 0 : i32
      %dma_wait3A_266 = tpu.memref_slice %arg2[%dma_wait3A_264, %dma_wait3A_265] : memref<10000x128xf32, #tpu.memory_space<hbm>> -> memref<10000x128xf32, #tpu.memory_space<hbm>>
      tpu.wait_indirect_dma semaphore(%arg10 : memref<!tpu.dma_semaphore, #tpu.memory_space<semaphore_mem>>) src(%dma_wait3A_266 : memref<10000x128xf32, #tpu.memory_space<hbm>>) dst(%dma_wait3A_260 : memref<128x128xf32, #tpu.memory_space<vmem>>)
      %jit3A_267 = arith.constant 3 : i32
      %eq3A_268 = arith.constant 0 : i32
      %eq3A_269 = arith.cmpi eq, %jit3A_267, %eq3A_268 : i32
      %jit3A_270 = arith.constant 1 : i32
      %select_n3A_271 = arith.select %eq3A_269, %jit3A_270, %jit3A_267 : i32
      %rem3A_272 = arith.remsi %while3A_194, %select_n3A_271 : i32
      %ne3A_273 = arith.constant 0 : i32
      %ne3A_274 = arith.cmpi ne, %rem3A_272, %ne3A_273 : i32
      %lt3A_275 = arith.constant 0 : i32
      %lt3A_276 = arith.cmpi slt, %rem3A_272, %lt3A_275 : i32
      %lt3A_277 = arith.constant 0 : i32
      %lt3A_278 = arith.cmpi slt, %select_n3A_271, %lt3A_277 : i32
      %ne3A_279 = arith.xori %lt3A_276, %lt3A_278 : i1
      %and3A_280 = arith.andi %ne3A_279, %ne3A_274 : i1
      %add3A_281 = arith.addi %rem3A_272, %select_n3A_271 : i32
      %select_n3A_282 = arith.select %and3A_280, %add3A_281, %rem3A_272 : i32
      %jit3A_283 = arith.constant 3 : i32
      %eq3A_284 = arith.constant 0 : i32
      %eq3A_285 = arith.cmpi eq, %jit3A_283, %eq3A_284 : i32
      %jit3A_286 = arith.constant 1 : i32
      %select_n3A_287 = arith.select %eq3A_285, %jit3A_286, %jit3A_283 : i32
      %rem3A_288 = arith.remsi %while3A_194, %select_n3A_287 : i32
      %ne3A_289 = arith.constant 0 : i32
      %ne3A_290 = arith.cmpi ne, %rem3A_288, %ne3A_289 : i32
      %lt3A_291 = arith.constant 0 : i32
      %lt3A_292 = arith.cmpi slt, %rem3A_288, %lt3A_291 : i32
      %lt3A_293 = arith.constant 0 : i32
      %lt3A_294 = arith.cmpi slt, %select_n3A_287, %lt3A_293 : i32
      %ne3A_295 = arith.xori %lt3A_292, %lt3A_294 : i1
      %and3A_296 = arith.andi %ne3A_295, %ne3A_290 : i1
      %add3A_297 = arith.addi %rem3A_288, %select_n3A_287 : i32
      %select_n3A_298 = arith.select %and3A_296, %add3A_297, %rem3A_288 : i32
      %dma_start3A_299 = arith.constant 0 : i32
      %dma_start3A_300 = arith.constant 0 : i32
      %dma_start3A_301 = tpu.memref_slice %arg8[%select_n3A_282, %dma_start3A_299, %dma_start3A_300] : memref<3x128x128xf32, #tpu.memory_space<vmem>> -> memref<1x128x128xf32, #tpu.memory_space<vmem>>
      %dma_start3A_302 = tpu.memref_squeeze %dma_start3A_301 : memref<1x128x128xf32, #tpu.memory_space<vmem>> -> memref<128x128xf32, #tpu.memory_space<vmem>>
      %dma_start3A_303 = arith.constant 0 : i32
      %dma_start3A_304 = tpu.memref_slice %arg7[%select_n3A_298, %dma_start3A_303] : memref<3x128xi32, #tpu.memory_space<vmem>> -> memref<1x128xi32, #tpu.memory_space<vmem>>
      %dma_start3A_305 = tpu.memref_squeeze %dma_start3A_304 : memref<1x128xi32, #tpu.memory_space<vmem>> -> memref<128xi32, #tpu.memory_space<vmem>>
      %dma_start3A_306 = arith.constant 0 : i32
      %dma_start3A_307 = arith.constant 0 : i32
      %dma_start3A_308 = tpu.memref_slice %arg9[%dma_start3A_306, %dma_start3A_307] : memref<10112x128xf32, #tpu.memory_space<vmem_shared>> -> memref<10112x128xf32, #tpu.memory_space<vmem_shared>>
      tpu.enqueue_indirect_dma source(%dma_start3A_302 : memref<128x128xf32, #tpu.memory_space<vmem>>) target(%dma_start3A_308 : memref<10112x128xf32, #tpu.memory_space<vmem_shared>>) offsets(%dma_start3A_305 : memref<128xi32, #tpu.memory_space<vmem>>) semaphore(%arg11 : memref<!tpu.dma_semaphore, #tpu.memory_space<semaphore_mem>>) {add = true}
      %add3A_309 = arith.constant 4 : i32
      %add3A_310 = arith.addi %while3A_194, %add3A_309 : i32
      %lt3A_311 = arith.cmpi slt, %add3A_310, %add3A_4 : i32
      %convert_element_type3A = arith.extui %lt3A_311 : i1 to i32
      %cond3A = arith.constant 0 : i32
      %cond3A_312 = arith.cmpi ne, %convert_element_type3A, %cond3A : i32
      scf.if %cond3A_312 {
        %add3A_323 = arith.constant 4 : i32
        %add3A_324 = arith.addi %while3A_194, %add3A_323 : i32
        %add3A_325 = arith.addi %add3A_8, %add3A_324 : i32
        %mul3A_326 = arith.constant 128 : i32
        %mul3A_327 = arith.muli %add3A_325, %mul3A_326 : i32
        %jit3A_328 = arith.constant 4 : i32
        %eq3A_329 = arith.constant 0 : i32
        %eq3A_330 = arith.cmpi eq, %jit3A_328, %eq3A_329 : i32
        %jit3A_331 = arith.constant 1 : i32
        %select_n3A_332 = arith.select %eq3A_330, %jit3A_331, %jit3A_328 : i32
        %rem3A_333 = arith.remsi %while3A_194, %select_n3A_332 : i32
        %ne3A_334 = arith.constant 0 : i32
        %ne3A_335 = arith.cmpi ne, %rem3A_333, %ne3A_334 : i32
        %lt3A_336 = arith.constant 0 : i32
        %lt3A_337 = arith.cmpi slt, %rem3A_333, %lt3A_336 : i32
        %lt3A_338 = arith.constant 0 : i32
        %lt3A_339 = arith.cmpi slt, %select_n3A_332, %lt3A_338 : i32
        %ne3A_340 = arith.xori %lt3A_337, %lt3A_339 : i1
        %and3A_341 = arith.andi %ne3A_340, %ne3A_335 : i1
        %add3A_342 = arith.addi %rem3A_333, %select_n3A_332 : i32
        %select_n3A_343 = arith.select %and3A_341, %add3A_342, %rem3A_333 : i32
        %dma_start3A_344 = arith.constant 0 : i32
        %dma_start3A_345 = tpu.memref_slice %arg6[%select_n3A_343, %dma_start3A_344] : memref<4x128xi32, #tpu.memory_space<vmem>> -> memref<1x128xi32, #tpu.memory_space<vmem>>
        %dma_start3A_346 = tpu.memref_squeeze %dma_start3A_345 : memref<1x128xi32, #tpu.memory_space<vmem>> -> memref<128xi32, #tpu.memory_space<vmem>>
        %dma_start3A_347 = tpu.memref_slice %arg3[%mul3A_327] : memref<640000xi32, #tpu.memory_space<hbm>> -> memref<128xi32, #tpu.memory_space<hbm>>
        %dma_start3A_348 = arith.constant 0 : i32
        %dma_start3A_349 = tpu.memref_slice %arg6[%select_n3A_343, %dma_start3A_348] : memref<4x128xi32, #tpu.memory_space<vmem>> -> memref<1x128xi32, #tpu.memory_space<vmem>>
        %dma_start3A_350 = tpu.memref_squeeze %dma_start3A_349 : memref<1x128xi32, #tpu.memory_space<vmem>> -> memref<128xi32, #tpu.memory_space<vmem>>
        %dma_start3A_351 = tpu.memref_slice %arg3[%mul3A_327] : memref<640000xi32, #tpu.memory_space<hbm>> -> memref<128xi32, #tpu.memory_space<hbm>>
        tpu.enqueue_dma source(%dma_start3A_351 : memref<128xi32, #tpu.memory_space<hbm>>) target(%dma_start3A_350 : memref<128xi32, #tpu.memory_space<vmem>>) target_semaphore(%arg12 : memref<!tpu.dma_semaphore, #tpu.memory_space<semaphore_mem>>)
      } else {
      }
      %ge3A = arith.constant 1 : i32
      %ge3A_313 = arith.cmpi sge, %while3A_194, %ge3A : i32
      %convert_element_type3A_314 = arith.extui %ge3A_313 : i1 to i32
      %cond3A_315 = arith.constant 0 : i32
      %cond3A_316 = arith.cmpi ne, %convert_element_type3A_314, %cond3A_315 : i32
      scf.if %cond3A_316 {
        %sub3A_323 = arith.constant 1 : i32
        %sub3A_324 = arith.subi %while3A_194, %sub3A_323 : i32
        %jit3A_325 = arith.constant 3 : i32
        %eq3A_326 = arith.constant 0 : i32
        %eq3A_327 = arith.cmpi eq, %jit3A_325, %eq3A_326 : i32
        %jit3A_328 = arith.constant 1 : i32
        %select_n3A_329 = arith.select %eq3A_327, %jit3A_328, %jit3A_325 : i32
        %rem3A_330 = arith.remsi %sub3A_324, %select_n3A_329 : i32
        %ne3A_331 = arith.constant 0 : i32
        %ne3A_332 = arith.cmpi ne, %rem3A_330, %ne3A_331 : i32
        %lt3A_333 = arith.constant 0 : i32
        %lt3A_334 = arith.cmpi slt, %rem3A_330, %lt3A_333 : i32
        %lt3A_335 = arith.constant 0 : i32
        %lt3A_336 = arith.cmpi slt, %select_n3A_329, %lt3A_335 : i32
        %ne3A_337 = arith.xori %lt3A_334, %lt3A_336 : i1
        %and3A_338 = arith.andi %ne3A_337, %ne3A_332 : i1
        %add3A_339 = arith.addi %rem3A_330, %select_n3A_329 : i32
        %select_n3A_340 = arith.select %and3A_338, %add3A_339, %rem3A_330 : i32
        %jit3A_341 = arith.constant 3 : i32
        %eq3A_342 = arith.constant 0 : i32
        %eq3A_343 = arith.cmpi eq, %jit3A_341, %eq3A_342 : i32
        %jit3A_344 = arith.constant 1 : i32
        %select_n3A_345 = arith.select %eq3A_343, %jit3A_344, %jit3A_341 : i32
        %rem3A_346 = arith.remsi %sub3A_324, %select_n3A_345 : i32
        %ne3A_347 = arith.constant 0 : i32
        %ne3A_348 = arith.cmpi ne, %rem3A_346, %ne3A_347 : i32
        %lt3A_349 = arith.constant 0 : i32
        %lt3A_350 = arith.cmpi slt, %rem3A_346, %lt3A_349 : i32
        %lt3A_351 = arith.constant 0 : i32
        %lt3A_352 = arith.cmpi slt, %select_n3A_345, %lt3A_351 : i32
        %ne3A_353 = arith.xori %lt3A_350, %lt3A_352 : i1
        %and3A_354 = arith.andi %ne3A_353, %ne3A_348 : i1
        %add3A_355 = arith.addi %rem3A_346, %select_n3A_345 : i32
        %select_n3A_356 = arith.select %and3A_354, %add3A_355, %rem3A_346 : i32
        %dma_wait3A_357 = arith.constant 0 : i32
        %dma_wait3A_358 = arith.constant 0 : i32
        %dma_wait3A_359 = tpu.memref_slice %arg8[%select_n3A_340, %dma_wait3A_357, %dma_wait3A_358] : memref<3x128x128xf32, #tpu.memory_space<vmem>> -> memref<1x128x128xf32, #tpu.memory_space<vmem>>
        %dma_wait3A_360 = tpu.memref_squeeze %dma_wait3A_359 : memref<1x128x128xf32, #tpu.memory_space<vmem>> -> memref<128x128xf32, #tpu.memory_space<vmem>>
        %dma_wait3A_361 = arith.constant 0 : i32
        %dma_wait3A_362 = tpu.memref_slice %arg7[%select_n3A_356, %dma_wait3A_361] : memref<3x128xi32, #tpu.memory_space<vmem>> -> memref<1x128xi32, #tpu.memory_space<vmem>>
        %dma_wait3A_363 = tpu.memref_squeeze %dma_wait3A_362 : memref<1x128xi32, #tpu.memory_space<vmem>> -> memref<128xi32, #tpu.memory_space<vmem>>
        %dma_wait3A_364 = arith.constant 0 : i32
        %dma_wait3A_365 = arith.constant 0 : i32
        %dma_wait3A_366 = tpu.memref_slice %arg9[%dma_wait3A_364, %dma_wait3A_365] : memref<10112x128xf32, #tpu.memory_space<vmem_shared>> -> memref<10112x128xf32, #tpu.memory_space<vmem_shared>>
        tpu.wait_indirect_dma semaphore(%arg11 : memref<!tpu.dma_semaphore, #tpu.memory_space<semaphore_mem>>) src(%dma_wait3A_360 : memref<128x128xf32, #tpu.memory_space<vmem>>) dst(%dma_wait3A_366 : memref<10112x128xf32, #tpu.memory_space<vmem_shared>>)
      } else {
      }
      %add3A_317 = arith.constant 2 : i32
      %add3A_318 = arith.addi %while3A_194, %add3A_317 : i32
      %lt3A_319 = arith.cmpi slt, %add3A_318, %add3A_4 : i32
      %convert_element_type3A_320 = arith.extui %lt3A_319 : i1 to i32
      %cond3A_321 = arith.constant 0 : i32
      %cond3A_322 = arith.cmpi ne, %convert_element_type3A_320, %cond3A_321 : i32
      scf.if %cond3A_322 {
        %add3A_323 = arith.constant 2 : i32
        %add3A_324 = arith.addi %while3A_194, %add3A_323 : i32
        %add3A_325 = arith.addi %add3A_8, %add3A_324 : i32
        %mul3A_326 = arith.constant 128 : i32
        %mul3A_327 = arith.muli %add3A_325, %mul3A_326 : i32
        %add3A_328 = arith.constant 320000 : i32
        %add3A_329 = arith.addi %add3A_328, %mul3A_327 : i32
        %add3A_330 = arith.constant 2 : i32
        %add3A_331 = arith.addi %while3A_194, %add3A_330 : i32
        %jit3A_332 = arith.constant 3 : i32
        %eq3A_333 = arith.constant 0 : i32
        %eq3A_334 = arith.cmpi eq, %jit3A_332, %eq3A_333 : i32
        %jit3A_335 = arith.constant 1 : i32
        %select_n3A_336 = arith.select %eq3A_334, %jit3A_335, %jit3A_332 : i32
        %rem3A_337 = arith.remsi %add3A_331, %select_n3A_336 : i32
        %ne3A_338 = arith.constant 0 : i32
        %ne3A_339 = arith.cmpi ne, %rem3A_337, %ne3A_338 : i32
        %lt3A_340 = arith.constant 0 : i32
        %lt3A_341 = arith.cmpi slt, %rem3A_337, %lt3A_340 : i32
        %lt3A_342 = arith.constant 0 : i32
        %lt3A_343 = arith.cmpi slt, %select_n3A_336, %lt3A_342 : i32
        %ne3A_344 = arith.xori %lt3A_341, %lt3A_343 : i1
        %and3A_345 = arith.andi %ne3A_344, %ne3A_339 : i1
        %add3A_346 = arith.addi %rem3A_337, %select_n3A_336 : i32
        %select_n3A_347 = arith.select %and3A_345, %add3A_346, %rem3A_337 : i32
        %dma_start3A_348 = arith.constant 0 : i32
        %dma_start3A_349 = tpu.memref_slice %arg7[%select_n3A_347, %dma_start3A_348] : memref<3x128xi32, #tpu.memory_space<vmem>> -> memref<1x128xi32, #tpu.memory_space<vmem>>
        %dma_start3A_350 = tpu.memref_squeeze %dma_start3A_349 : memref<1x128xi32, #tpu.memory_space<vmem>> -> memref<128xi32, #tpu.memory_space<vmem>>
        %dma_start3A_351 = tpu.memref_slice %arg3[%add3A_329] : memref<640000xi32, #tpu.memory_space<hbm>> -> memref<128xi32, #tpu.memory_space<hbm>>
        %dma_start3A_352 = arith.constant 0 : i32
        %dma_start3A_353 = tpu.memref_slice %arg7[%select_n3A_347, %dma_start3A_352] : memref<3x128xi32, #tpu.memory_space<vmem>> -> memref<1x128xi32, #tpu.memory_space<vmem>>
        %dma_start3A_354 = tpu.memref_squeeze %dma_start3A_353 : memref<1x128xi32, #tpu.memory_space<vmem>> -> memref<128xi32, #tpu.memory_space<vmem>>
        %dma_start3A_355 = tpu.memref_slice %arg3[%add3A_329] : memref<640000xi32, #tpu.memory_space<hbm>> -> memref<128xi32, #tpu.memory_space<hbm>>
        tpu.enqueue_dma source(%dma_start3A_355 : memref<128xi32, #tpu.memory_space<hbm>>) target(%dma_start3A_354 : memref<128xi32, #tpu.memory_space<vmem>>) target_semaphore(%arg13 : memref<!tpu.dma_semaphore, #tpu.memory_space<semaphore_mem>>)
        %add3A_356 = arith.constant 0 : i32
        %add3A_357 = arith.addi %add3A_8, %add3A_356 : i32
        %mul3A_358 = arith.constant 128 : i32
        %mul3A_359 = arith.muli %add3A_357, %mul3A_358 : i32
        %add3A_360 = arith.constant 2 : i32
        %add3A_361 = arith.addi %while3A_194, %add3A_360 : i32
        %jit3A_362 = arith.constant 4 : i32
        %eq3A_363 = arith.constant 0 : i32
        %eq3A_364 = arith.cmpi eq, %jit3A_362, %eq3A_363 : i32
        %jit3A_365 = arith.constant 1 : i32
        %select_n3A_366 = arith.select %eq3A_364, %jit3A_365, %jit3A_362 : i32
        %rem3A_367 = arith.remsi %add3A_361, %select_n3A_366 : i32
        %ne3A_368 = arith.constant 0 : i32
        %ne3A_369 = arith.cmpi ne, %rem3A_367, %ne3A_368 : i32
        %lt3A_370 = arith.constant 0 : i32
        %lt3A_371 = arith.cmpi slt, %rem3A_367, %lt3A_370 : i32
        %lt3A_372 = arith.constant 0 : i32
        %lt3A_373 = arith.cmpi slt, %select_n3A_366, %lt3A_372 : i32
        %ne3A_374 = arith.xori %lt3A_371, %lt3A_373 : i1
        %and3A_375 = arith.andi %ne3A_374, %ne3A_369 : i1
        %add3A_376 = arith.addi %rem3A_367, %select_n3A_366 : i32
        %select_n3A_377 = arith.select %and3A_375, %add3A_376, %rem3A_367 : i32
        %dma_wait3A_378 = arith.constant 0 : i32
        %dma_wait3A_379 = tpu.memref_slice %arg6[%select_n3A_377, %dma_wait3A_378] : memref<4x128xi32, #tpu.memory_space<vmem>> -> memref<1x128xi32, #tpu.memory_space<vmem>>
        %dma_wait3A_380 = tpu.memref_squeeze %dma_wait3A_379 : memref<1x128xi32, #tpu.memory_space<vmem>> -> memref<128xi32, #tpu.memory_space<vmem>>
        %dma_wait3A_381 = tpu.memref_slice %arg3[%mul3A_359] : memref<640000xi32, #tpu.memory_space<hbm>> -> memref<128xi32, #tpu.memory_space<hbm>>
        %dma_wait3A_382 = arith.constant 0 : i32
        %dma_wait3A_383 = tpu.memref_slice %arg6[%select_n3A_377, %dma_wait3A_382] : memref<4x128xi32, #tpu.memory_space<vmem>> -> memref<1x128xi32, #tpu.memory_space<vmem>>
        %dma_wait3A_384 = tpu.memref_squeeze %dma_wait3A_383 : memref<1x128xi32, #tpu.memory_space<vmem>> -> memref<128xi32, #tpu.memory_space<vmem>>
        %dma_wait3A_385 = tpu.memref_slice %arg3[%mul3A_359] : memref<640000xi32, #tpu.memory_space<hbm>> -> memref<128xi32, #tpu.memory_space<hbm>>
        tpu.wait_dma2 semaphore(%arg12 : memref<!tpu.dma_semaphore, #tpu.memory_space<semaphore_mem>>) src(%dma_wait3A_385 : memref<128xi32, #tpu.memory_space<hbm>>) dst(%dma_wait3A_384 : memref<128xi32, #tpu.memory_space<vmem>>)
        %add3A_386 = arith.constant 2 : i32
        %add3A_387 = arith.addi %while3A_194, %add3A_386 : i32
        %jit3A_388 = arith.constant 4 : i32
        %eq3A_389 = arith.constant 0 : i32
        %eq3A_390 = arith.cmpi eq, %jit3A_388, %eq3A_389 : i32
        %jit3A_391 = arith.constant 1 : i32
        %select_n3A_392 = arith.select %eq3A_390, %jit3A_391, %jit3A_388 : i32
        %rem3A_393 = arith.remsi %add3A_387, %select_n3A_392 : i32
        %ne3A_394 = arith.constant 0 : i32
        %ne3A_395 = arith.cmpi ne, %rem3A_393, %ne3A_394 : i32
        %lt3A_396 = arith.constant 0 : i32
        %lt3A_397 = arith.cmpi slt, %rem3A_393, %lt3A_396 : i32
        %lt3A_398 = arith.constant 0 : i32
        %lt3A_399 = arith.cmpi slt, %select_n3A_392, %lt3A_398 : i32
        %ne3A_400 = arith.xori %lt3A_397, %lt3A_399 : i1
        %and3A_401 = arith.andi %ne3A_400, %ne3A_395 : i1
        %add3A_402 = arith.addi %rem3A_393, %select_n3A_392 : i32
        %select_n3A_403 = arith.select %and3A_401, %add3A_402, %rem3A_393 : i32
        %add3A_404 = arith.constant 2 : i32
        %add3A_405 = arith.addi %while3A_194, %add3A_404 : i32
        %jit3A_406 = arith.constant 3 : i32
        %eq3A_407 = arith.constant 0 : i32
        %eq3A_408 = arith.cmpi eq, %jit3A_406, %eq3A_407 : i32
        %jit3A_409 = arith.constant 1 : i32
        %select_n3A_410 = arith.select %eq3A_408, %jit3A_409, %jit3A_406 : i32
        %rem3A_411 = arith.remsi %add3A_405, %select_n3A_410 : i32
        %ne3A_412 = arith.constant 0 : i32
        %ne3A_413 = arith.cmpi ne, %rem3A_411, %ne3A_412 : i32
        %lt3A_414 = arith.constant 0 : i32
        %lt3A_415 = arith.cmpi slt, %rem3A_411, %lt3A_414 : i32
        %lt3A_416 = arith.constant 0 : i32
        %lt3A_417 = arith.cmpi slt, %select_n3A_410, %lt3A_416 : i32
        %ne3A_418 = arith.xori %lt3A_415, %lt3A_417 : i1
        %and3A_419 = arith.andi %ne3A_418, %ne3A_413 : i1
        %add3A_420 = arith.addi %rem3A_411, %select_n3A_410 : i32
        %select_n3A_421 = arith.select %and3A_419, %add3A_420, %rem3A_411 : i32
        %dma_start3A_422 = arith.constant 0 : i32
        %dma_start3A_423 = arith.constant 0 : i32
        %dma_start3A_424 = tpu.memref_slice %arg8[%select_n3A_421, %dma_start3A_422, %dma_start3A_423] : memref<3x128x128xf32, #tpu.memory_space<vmem>> -> memref<1x128x128xf32, #tpu.memory_space<vmem>>
        %dma_start3A_425 = tpu.memref_squeeze %dma_start3A_424 : memref<1x128x128xf32, #tpu.memory_space<vmem>> -> memref<128x128xf32, #tpu.memory_space<vmem>>
        %dma_start3A_426 = arith.constant 0 : i32
        %dma_start3A_427 = tpu.memref_slice %arg6[%select_n3A_403, %dma_start3A_426] : memref<4x128xi32, #tpu.memory_space<vmem>> -> memref<1x128xi32, #tpu.memory_space<vmem>>
        %dma_start3A_428 = tpu.memref_squeeze %dma_start3A_427 : memref<1x128xi32, #tpu.memory_space<vmem>> -> memref<128xi32, #tpu.memory_space<vmem>>
        %dma_start3A_429 = arith.constant 0 : i32
        %dma_start3A_430 = arith.constant 0 : i32
        %dma_start3A_431 = tpu.memref_slice %arg2[%dma_start3A_429, %dma_start3A_430] : memref<10000x128xf32, #tpu.memory_space<hbm>> -> memref<10000x128xf32, #tpu.memory_space<hbm>>
        tpu.enqueue_indirect_dma source(%dma_start3A_431 : memref<10000x128xf32, #tpu.memory_space<hbm>>) target(%dma_start3A_425 : memref<128x128xf32, #tpu.memory_space<vmem>>) offsets(%dma_start3A_428 : memref<128xi32, #tpu.memory_space<vmem>>) semaphore(%arg10 : memref<!tpu.dma_semaphore, #tpu.memory_space<semaphore_mem>>)
      } else {
      }
    }
    %sub3A = arith.constant 1 : i32
    %sub3A_150 = arith.subi %add3A_4, %sub3A : i32
    %jit3A_151 = arith.constant 3 : i32
    %eq3A = arith.constant 0 : i32
    %eq3A_152 = arith.cmpi eq, %jit3A_151, %eq3A : i32
    %jit3A_153 = arith.constant 1 : i32
    %select_n3A_154 = arith.select %eq3A_152, %jit3A_153, %jit3A_151 : i32
    %rem3A = arith.remsi %sub3A_150, %select_n3A_154 : i32
    %ne3A = arith.constant 0 : i32
    %ne3A_155 = arith.cmpi ne, %rem3A, %ne3A : i32
    %lt3A_156 = arith.constant 0 : i32
    %lt3A_157 = arith.cmpi slt, %rem3A, %lt3A_156 : i32
    %lt3A_158 = arith.constant 0 : i32
    %lt3A_159 = arith.cmpi slt, %select_n3A_154, %lt3A_158 : i32
    %ne3A_160 = arith.xori %lt3A_157, %lt3A_159 : i1
    %and3A = arith.andi %ne3A_160, %ne3A_155 : i1
    %add3A_161 = arith.addi %rem3A, %select_n3A_154 : i32
    %select_n3A_162 = arith.select %and3A, %add3A_161, %rem3A : i32
    %jit3A_163 = arith.constant 3 : i32
    %eq3A_164 = arith.constant 0 : i32
    %eq3A_165 = arith.cmpi eq, %jit3A_163, %eq3A_164 : i32
    %jit3A_166 = arith.constant 1 : i32
    %select_n3A_167 = arith.select %eq3A_165, %jit3A_166, %jit3A_163 : i32
    %rem3A_168 = arith.remsi %sub3A_150, %select_n3A_167 : i32
    %ne3A_169 = arith.constant 0 : i32
    %ne3A_170 = arith.cmpi ne, %rem3A_168, %ne3A_169 : i32
    %lt3A_171 = arith.constant 0 : i32
    %lt3A_172 = arith.cmpi slt, %rem3A_168, %lt3A_171 : i32
    %lt3A_173 = arith.constant 0 : i32
    %lt3A_174 = arith.cmpi slt, %select_n3A_167, %lt3A_173 : i32
    %ne3A_175 = arith.xori %lt3A_172, %lt3A_174 : i1
    %and3A_176 = arith.andi %ne3A_175, %ne3A_170 : i1
    %add3A_177 = arith.addi %rem3A_168, %select_n3A_167 : i32
    %select_n3A_178 = arith.select %and3A_176, %add3A_177, %rem3A_168 : i32
    %dma_wait3A_179 = arith.constant 0 : i32
    %dma_wait3A_180 = arith.constant 0 : i32
    %dma_wait3A_181 = tpu.memref_slice %arg8[%select_n3A_162, %dma_wait3A_179, %dma_wait3A_180] : memref<3x128x128xf32, #tpu.memory_space<vmem>> -> memref<1x128x128xf32, #tpu.memory_space<vmem>>
    %dma_wait3A_182 = tpu.memref_squeeze %dma_wait3A_181 : memref<1x128x128xf32, #tpu.memory_space<vmem>> -> memref<128x128xf32, #tpu.memory_space<vmem>>
    %dma_wait3A_183 = arith.constant 0 : i32
    %dma_wait3A_184 = tpu.memref_slice %arg7[%select_n3A_178, %dma_wait3A_183] : memref<3x128xi32, #tpu.memory_space<vmem>> -> memref<1x128xi32, #tpu.memory_space<vmem>>
    %dma_wait3A_185 = tpu.memref_squeeze %dma_wait3A_184 : memref<1x128xi32, #tpu.memory_space<vmem>> -> memref<128xi32, #tpu.memory_space<vmem>>
    %dma_wait3A_186 = arith.constant 0 : i32
    %dma_wait3A_187 = arith.constant 0 : i32
    %dma_wait3A_188 = tpu.memref_slice %arg9[%dma_wait3A_186, %dma_wait3A_187] : memref<10112x128xf32, #tpu.memory_space<vmem_shared>> -> memref<10112x128xf32, #tpu.memory_space<vmem_shared>>
    tpu.wait_indirect_dma semaphore(%arg11 : memref<!tpu.dma_semaphore, #tpu.memory_space<semaphore_mem>>) src(%dma_wait3A_182 : memref<128x128xf32, #tpu.memory_space<vmem>>) dst(%dma_wait3A_188 : memref<10112x128xf32, #tpu.memory_space<vmem_shared>>)
    %barrier3A_189 = arith.constant 0 : index
    tpu.barrier barrier_id(%barrier3A_189)
    %mul3A_190 = arith.constant 632 : i32
    %mul3A_191 = arith.muli %arg1, %mul3A_190 : i32
    %mul3A_192 = arith.constant 632 : i32
    %mul3A_193 = arith.muli %arg1, %mul3A_192 : i32
    "tpu.region"() ({
      %run_scoped3A = tpu.sem_alloc : memref<!tpu.dma_semaphore, #tpu.memory_space<semaphore_mem>>
      %dma_start3A_194 = arith.constant 0 : i32
      %dma_start3A_195 = tpu.memref_slice %arg5[%arg0, %mul3A_193, %dma_start3A_194] : memref<2x10112x128xf32, #tpu.memory_space<hbm>> -> memref<1x632x128xf32, #tpu.memory_space<hbm>>
      %dma_start3A_196 = tpu.memref_squeeze %dma_start3A_195 : memref<1x632x128xf32, #tpu.memory_space<hbm>> -> memref<632x128xf32, #tpu.memory_space<hbm>>
      %dma_start3A_197 = arith.constant 0 : i32
      %dma_start3A_198 = tpu.memref_slice %arg9[%mul3A_191, %dma_start3A_197] : memref<10112x128xf32, #tpu.memory_space<vmem_shared>> -> memref<632x128xf32, #tpu.memory_space<vmem_shared>>
      tpu.enqueue_dma source(%dma_start3A_198 : memref<632x128xf32, #tpu.memory_space<vmem_shared>>) target(%dma_start3A_196 : memref<632x128xf32, #tpu.memory_space<hbm>>) target_semaphore(%run_scoped3A : memref<!tpu.dma_semaphore, #tpu.memory_space<semaphore_mem>>)
      %dma_wait3A_199 = arith.constant 0 : i32
      %dma_wait3A_200 = tpu.memref_slice %arg5[%arg0, %mul3A_193, %dma_wait3A_199] : memref<2x10112x128xf32, #tpu.memory_space<hbm>> -> memref<1x632x128xf32, #tpu.memory_space<hbm>>
      %dma_wait3A_201 = tpu.memref_squeeze %dma_wait3A_200 : memref<1x632x128xf32, #tpu.memory_space<hbm>> -> memref<632x128xf32, #tpu.memory_space<hbm>>
      %dma_wait3A_202 = arith.constant 0 : i32
      %dma_wait3A_203 = tpu.memref_slice %arg9[%mul3A_191, %dma_wait3A_202] : memref<10112x128xf32, #tpu.memory_space<vmem_shared>> -> memref<632x128xf32, #tpu.memory_space<vmem_shared>>
      tpu.wait_dma2 semaphore(%run_scoped3A : memref<!tpu.dma_semaphore, #tpu.memory_space<semaphore_mem>>) src(%dma_wait3A_203 : memref<632x128xf32, #tpu.memory_space<vmem_shared>>) dst(%dma_wait3A_201 : memref<632x128xf32, #tpu.memory_space<hbm>>)
      tpu.yield
    }) : () -> ()
    return
  }
}

#map = affine_map<(d0, d1) -> (0)>
#map1 = affine_map<(d0, d1) -> (0, 0)>
#map2 = affine_map<(d0, d1) -> (0, 0, 0)>
module attributes {stable_mosaic.version = 14 : i64} {
  func.func @deg_kernel(%arg0: i32, %arg1: i32, %arg2: memref<640000xi32, #tpu.memory_space<hbm>>, %arg3: memref<128x128xf32, #tpu.memory_space<hbm>>, %arg4: memref<632x128xf32, #tpu.memory_space<hbm>>, %arg5: memref<2x10112x128xf32, #tpu.memory_space<hbm>>, %arg6: memref<79x128xi32, #tpu.memory_space<vmem>>, %arg7: memref<128x128xf32, #tpu.memory_space<vmem>>, %arg8: memref<10112x128xf32, #tpu.memory_space<vmem_shared>>, %arg9: memref<!tpu.dma_semaphore, #tpu.memory_space<semaphore_mem>>, %arg10: memref<!tpu.dma_semaphore, #tpu.memory_space<semaphore_mem>>) attributes {dimension_semantics = [#tpu.dimension_semantics<core_parallel>, #tpu.dimension_semantics<subcore_parallel>], iteration_bounds = array<i64: 2, 16>, scalar_prefetch = 0 : i64, scratch_operands = 5 : i64, tpu.core_type = #tpu.core_type<sc_vector_subcore>, window_params = [{transform_indices = #map}, {transform_indices = #map1}, {transform_indices = #map1}, {transform_indices = #map2}]} {
    %mul3A = arith.constant 16 : i32
    %mul3A_0 = arith.muli %arg0, %mul3A : i32
    %add3A = arith.addi %mul3A_0, %arg1 : i32
    %lt3A = arith.constant 4 : i32
    %lt3A_1 = arith.cmpi slt, %add3A, %lt3A : i32
    %jit3A = arith.constant 1 : i32
    %jit3A_2 = arith.constant 0 : i32
    %select_n3A = arith.select %lt3A_1, %jit3A, %jit3A_2 : i32
    %add3A_3 = arith.constant 78 : i32
    %add3A_4 = arith.addi %add3A_3, %select_n3A : i32
    %mul3A_5 = arith.constant 78 : i32
    %mul3A_6 = arith.muli %mul3A_5, %add3A : i32
    %min3A = arith.constant 4 : i32
    %min3A_7 = arith.minsi %add3A, %min3A : i32
    %add3A_8 = arith.addi %mul3A_6, %min3A_7 : i32
    "tpu.region"() ({
      %run_scoped3A = tpu.sem_alloc : memref<!tpu.dma_semaphore, #tpu.memory_space<semaphore_mem>>
      tpu.enqueue_dma source(%arg3 : memref<128x128xf32, #tpu.memory_space<hbm>>) target(%arg7 : memref<128x128xf32, #tpu.memory_space<vmem>>) target_semaphore(%run_scoped3A : memref<!tpu.dma_semaphore, #tpu.memory_space<semaphore_mem>>)
      tpu.wait_dma2 semaphore(%run_scoped3A : memref<!tpu.dma_semaphore, #tpu.memory_space<semaphore_mem>>) src(%arg3 : memref<128x128xf32, #tpu.memory_space<hbm>>) dst(%arg7 : memref<128x128xf32, #tpu.memory_space<vmem>>)
      tpu.yield
    }) : () -> ()
    %mul3A_9 = arith.constant 632 : i32
    %mul3A_10 = arith.muli %arg1, %mul3A_9 : i32
    "tpu.region"() ({
      %run_scoped3A = tpu.sem_alloc : memref<!tpu.dma_semaphore, #tpu.memory_space<semaphore_mem>>
      %dma_start3A = arith.constant 0 : i32
      %dma_start3A_55 = tpu.memref_slice %arg8[%mul3A_10, %dma_start3A] : memref<10112x128xf32, #tpu.memory_space<vmem_shared>> -> memref<632x128xf32, #tpu.memory_space<vmem_shared>>
      tpu.enqueue_dma source(%arg4 : memref<632x128xf32, #tpu.memory_space<hbm>>) target(%dma_start3A_55 : memref<632x128xf32, #tpu.memory_space<vmem_shared>>) target_semaphore(%run_scoped3A : memref<!tpu.dma_semaphore, #tpu.memory_space<semaphore_mem>>)
      %dma_wait3A = arith.constant 0 : i32
      %dma_wait3A_56 = tpu.memref_slice %arg8[%mul3A_10, %dma_wait3A] : memref<10112x128xf32, #tpu.memory_space<vmem_shared>> -> memref<632x128xf32, #tpu.memory_space<vmem_shared>>
      tpu.wait_dma2 semaphore(%run_scoped3A : memref<!tpu.dma_semaphore, #tpu.memory_space<semaphore_mem>>) src(%arg4 : memref<632x128xf32, #tpu.memory_space<hbm>>) dst(%dma_wait3A_56 : memref<632x128xf32, #tpu.memory_space<vmem_shared>>)
      tpu.yield
    }) : () -> ()
    %while3A = arith.constant 0 : i32
    %while3A_11 = arith.constant 0 : i32
    %while3A_12 = arith.subi %add3A_4, %while3A_11 : i32
    %while3A_13 = arith.addi %while3A_11, %while3A_12 : i32
    %while3A_14 = arith.constant 1 : i32
    %while3A_15 = arith.divsi %while3A_12, %while3A_14 : i32
    %while3A_16 = arith.muli %while3A_15, %while3A_14 : i32
    %while3A_17 = arith.addi %while3A_11, %while3A_16 : i32
    %while3A_18 = arith.constant 1 : i32
    scf.for %while3A_55 = %while3A_11 to %while3A_17 step %while3A_18  : i32 {
      %add3A_56 = arith.addi %add3A_8, %while3A_55 : i32
      %mul3A_57 = arith.constant 128 : i32
      %mul3A_58 = arith.muli %add3A_56, %mul3A_57 : i32
      %add3A_59 = arith.constant 320000 : i32
      %add3A_60 = arith.addi %add3A_59, %mul3A_58 : i32
      %dma_start3A = arith.constant 0 : i32
      %dma_start3A_61 = tpu.memref_slice %arg6[%while3A_55, %dma_start3A] : memref<79x128xi32, #tpu.memory_space<vmem>> -> memref<1x128xi32, #tpu.memory_space<vmem>>
      %dma_start3A_62 = tpu.memref_squeeze %dma_start3A_61 : memref<1x128xi32, #tpu.memory_space<vmem>> -> memref<128xi32, #tpu.memory_space<vmem>>
      %dma_start3A_63 = tpu.memref_slice %arg2[%add3A_60] : memref<640000xi32, #tpu.memory_space<hbm>> -> memref<128xi32, #tpu.memory_space<hbm>>
      %dma_start3A_64 = arith.constant 0 : i32
      %dma_start3A_65 = tpu.memref_slice %arg6[%while3A_55, %dma_start3A_64] : memref<79x128xi32, #tpu.memory_space<vmem>> -> memref<1x128xi32, #tpu.memory_space<vmem>>
      %dma_start3A_66 = tpu.memref_squeeze %dma_start3A_65 : memref<1x128xi32, #tpu.memory_space<vmem>> -> memref<128xi32, #tpu.memory_space<vmem>>
      %dma_start3A_67 = tpu.memref_slice %arg2[%add3A_60] : memref<640000xi32, #tpu.memory_space<hbm>> -> memref<128xi32, #tpu.memory_space<hbm>>
      tpu.enqueue_dma source(%dma_start3A_67 : memref<128xi32, #tpu.memory_space<hbm>>) target(%dma_start3A_66 : memref<128xi32, #tpu.memory_space<vmem>>) target_semaphore(%arg9 : memref<!tpu.dma_semaphore, #tpu.memory_space<semaphore_mem>>)
    }
    %while3A_19 = arith.constant 1 : i32
    scf.for %while3A_55 = %while3A_17 to %while3A_13 step %while3A_19  : i32 {
      %add3A_56 = arith.addi %add3A_8, %while3A_55 : i32
      %mul3A_57 = arith.constant 128 : i32
      %mul3A_58 = arith.muli %add3A_56, %mul3A_57 : i32
      %add3A_59 = arith.constant 320000 : i32
      %add3A_60 = arith.addi %add3A_59, %mul3A_58 : i32
      %dma_start3A = arith.constant 0 : i32
      %dma_start3A_61 = tpu.memref_slice %arg6[%while3A_55, %dma_start3A] : memref<79x128xi32, #tpu.memory_space<vmem>> -> memref<1x128xi32, #tpu.memory_space<vmem>>
      %dma_start3A_62 = tpu.memref_squeeze %dma_start3A_61 : memref<1x128xi32, #tpu.memory_space<vmem>> -> memref<128xi32, #tpu.memory_space<vmem>>
      %dma_start3A_63 = tpu.memref_slice %arg2[%add3A_60] : memref<640000xi32, #tpu.memory_space<hbm>> -> memref<128xi32, #tpu.memory_space<hbm>>
      %dma_start3A_64 = arith.constant 0 : i32
      %dma_start3A_65 = tpu.memref_slice %arg6[%while3A_55, %dma_start3A_64] : memref<79x128xi32, #tpu.memory_space<vmem>> -> memref<1x128xi32, #tpu.memory_space<vmem>>
      %dma_start3A_66 = tpu.memref_squeeze %dma_start3A_65 : memref<1x128xi32, #tpu.memory_space<vmem>> -> memref<128xi32, #tpu.memory_space<vmem>>
      %dma_start3A_67 = tpu.memref_slice %arg2[%add3A_60] : memref<640000xi32, #tpu.memory_space<hbm>> -> memref<128xi32, #tpu.memory_space<hbm>>
      tpu.enqueue_dma source(%dma_start3A_67 : memref<128xi32, #tpu.memory_space<hbm>>) target(%dma_start3A_66 : memref<128xi32, #tpu.memory_space<vmem>>) target_semaphore(%arg9 : memref<!tpu.dma_semaphore, #tpu.memory_space<semaphore_mem>>)
    }
    %while3A_20 = arith.constant 0 : i32
    %while3A_21 = arith.constant 0 : i32
    %while3A_22 = arith.subi %add3A_4, %while3A_21 : i32
    %while3A_23 = arith.addi %while3A_21, %while3A_22 : i32
    %while3A_24 = arith.constant 1 : i32
    %while3A_25 = arith.divsi %while3A_22, %while3A_24 : i32
    %while3A_26 = arith.muli %while3A_25, %while3A_24 : i32
    %while3A_27 = arith.addi %while3A_21, %while3A_26 : i32
    %while3A_28 = arith.constant 1 : i32
    scf.for %while3A_55 = %while3A_21 to %while3A_27 step %while3A_28  : i32 {
      %dma_wait3A = arith.constant 0 : i32
      %dma_wait3A_56 = arith.constant 0 : i32
      %dma_wait3A_57 = tpu.memref_slice %arg6[%dma_wait3A, %dma_wait3A_56] : memref<79x128xi32, #tpu.memory_space<vmem>> -> memref<1x128xi32, #tpu.memory_space<vmem>>
      %dma_wait3A_58 = tpu.memref_squeeze %dma_wait3A_57 : memref<1x128xi32, #tpu.memory_space<vmem>> -> memref<128xi32, #tpu.memory_space<vmem>>
      %dma_wait3A_59 = arith.constant 320000 : i32
      %dma_wait3A_60 = tpu.memref_slice %arg2[%dma_wait3A_59] : memref<640000xi32, #tpu.memory_space<hbm>> -> memref<128xi32, #tpu.memory_space<hbm>>
      %dma_wait3A_61 = arith.constant 0 : i32
      %dma_wait3A_62 = tpu.memref_slice %arg6[%dma_wait3A, %dma_wait3A_61] : memref<79x128xi32, #tpu.memory_space<vmem>> -> memref<1x128xi32, #tpu.memory_space<vmem>>
      %dma_wait3A_63 = tpu.memref_squeeze %dma_wait3A_62 : memref<1x128xi32, #tpu.memory_space<vmem>> -> memref<128xi32, #tpu.memory_space<vmem>>
      %dma_wait3A_64 = arith.constant 320000 : i32
      %dma_wait3A_65 = tpu.memref_slice %arg2[%dma_wait3A_64] : memref<640000xi32, #tpu.memory_space<hbm>> -> memref<128xi32, #tpu.memory_space<hbm>>
      tpu.wait_dma2 semaphore(%arg9 : memref<!tpu.dma_semaphore, #tpu.memory_space<semaphore_mem>>) src(%dma_wait3A_65 : memref<128xi32, #tpu.memory_space<hbm>>) dst(%dma_wait3A_63 : memref<128xi32, #tpu.memory_space<vmem>>)
    }
    %while3A_29 = arith.constant 1 : i32
    scf.for %while3A_55 = %while3A_27 to %while3A_23 step %while3A_29  : i32 {
      %dma_wait3A = arith.constant 0 : i32
      %dma_wait3A_56 = arith.constant 0 : i32
      %dma_wait3A_57 = tpu.memref_slice %arg6[%dma_wait3A, %dma_wait3A_56] : memref<79x128xi32, #tpu.memory_space<vmem>> -> memref<1x128xi32, #tpu.memory_space<vmem>>
      %dma_wait3A_58 = tpu.memref_squeeze %dma_wait3A_57 : memref<1x128xi32, #tpu.memory_space<vmem>> -> memref<128xi32, #tpu.memory_space<vmem>>
      %dma_wait3A_59 = arith.constant 320000 : i32
      %dma_wait3A_60 = tpu.memref_slice %arg2[%dma_wait3A_59] : memref<640000xi32, #tpu.memory_space<hbm>> -> memref<128xi32, #tpu.memory_space<hbm>>
      %dma_wait3A_61 = arith.constant 0 : i32
      %dma_wait3A_62 = tpu.memref_slice %arg6[%dma_wait3A, %dma_wait3A_61] : memref<79x128xi32, #tpu.memory_space<vmem>> -> memref<1x128xi32, #tpu.memory_space<vmem>>
      %dma_wait3A_63 = tpu.memref_squeeze %dma_wait3A_62 : memref<1x128xi32, #tpu.memory_space<vmem>> -> memref<128xi32, #tpu.memory_space<vmem>>
      %dma_wait3A_64 = arith.constant 320000 : i32
      %dma_wait3A_65 = tpu.memref_slice %arg2[%dma_wait3A_64] : memref<640000xi32, #tpu.memory_space<hbm>> -> memref<128xi32, #tpu.memory_space<hbm>>
      tpu.wait_dma2 semaphore(%arg9 : memref<!tpu.dma_semaphore, #tpu.memory_space<semaphore_mem>>) src(%dma_wait3A_65 : memref<128xi32, #tpu.memory_space<hbm>>) dst(%dma_wait3A_63 : memref<128xi32, #tpu.memory_space<vmem>>)
    }
    %barrier3A = arith.constant 0 : index
    tpu.barrier barrier_id(%barrier3A)
    %while3A_30 = arith.constant 0 : i32
    %while3A_31 = arith.constant 0 : i32
    %while3A_32 = arith.subi %add3A_4, %while3A_31 : i32
    %while3A_33 = arith.addi %while3A_31, %while3A_32 : i32
    %while3A_34 = arith.constant 1 : i32
    %while3A_35 = arith.divsi %while3A_32, %while3A_34 : i32
    %while3A_36 = arith.muli %while3A_35, %while3A_34 : i32
    %while3A_37 = arith.addi %while3A_31, %while3A_36 : i32
    %while3A_38 = arith.constant 1 : i32
    scf.for %while3A_55 = %while3A_31 to %while3A_37 step %while3A_38  : i32 {
      %dma_start3A = arith.constant 0 : i32
      %dma_start3A_56 = tpu.memref_slice %arg6[%while3A_55, %dma_start3A] : memref<79x128xi32, #tpu.memory_space<vmem>> -> memref<1x128xi32, #tpu.memory_space<vmem>>
      %dma_start3A_57 = tpu.memref_squeeze %dma_start3A_56 : memref<1x128xi32, #tpu.memory_space<vmem>> -> memref<128xi32, #tpu.memory_space<vmem>>
      %dma_start3A_58 = arith.constant 0 : i32
      %dma_start3A_59 = arith.constant 0 : i32
      %dma_start3A_60 = tpu.memref_slice %arg8[%dma_start3A_58, %dma_start3A_59] : memref<10112x128xf32, #tpu.memory_space<vmem_shared>> -> memref<10112x128xf32, #tpu.memory_space<vmem_shared>>
      tpu.enqueue_indirect_dma source(%arg7 : memref<128x128xf32, #tpu.memory_space<vmem>>) target(%dma_start3A_60 : memref<10112x128xf32, #tpu.memory_space<vmem_shared>>) offsets(%dma_start3A_57 : memref<128xi32, #tpu.memory_space<vmem>>) semaphore(%arg10 : memref<!tpu.dma_semaphore, #tpu.memory_space<semaphore_mem>>) {add = true}
    }
    %while3A_39 = arith.constant 1 : i32
    scf.for %while3A_55 = %while3A_37 to %while3A_33 step %while3A_39  : i32 {
      %dma_start3A = arith.constant 0 : i32
      %dma_start3A_56 = tpu.memref_slice %arg6[%while3A_55, %dma_start3A] : memref<79x128xi32, #tpu.memory_space<vmem>> -> memref<1x128xi32, #tpu.memory_space<vmem>>
      %dma_start3A_57 = tpu.memref_squeeze %dma_start3A_56 : memref<1x128xi32, #tpu.memory_space<vmem>> -> memref<128xi32, #tpu.memory_space<vmem>>
      %dma_start3A_58 = arith.constant 0 : i32
      %dma_start3A_59 = arith.constant 0 : i32
      %dma_start3A_60 = tpu.memref_slice %arg8[%dma_start3A_58, %dma_start3A_59] : memref<10112x128xf32, #tpu.memory_space<vmem_shared>> -> memref<10112x128xf32, #tpu.memory_space<vmem_shared>>
      tpu.enqueue_indirect_dma source(%arg7 : memref<128x128xf32, #tpu.memory_space<vmem>>) target(%dma_start3A_60 : memref<10112x128xf32, #tpu.memory_space<vmem_shared>>) offsets(%dma_start3A_57 : memref<128xi32, #tpu.memory_space<vmem>>) semaphore(%arg10 : memref<!tpu.dma_semaphore, #tpu.memory_space<semaphore_mem>>) {add = true}
    }
    %while3A_40 = arith.constant 0 : i32
    %while3A_41 = arith.constant 0 : i32
    %while3A_42 = arith.subi %add3A_4, %while3A_41 : i32
    %while3A_43 = arith.addi %while3A_41, %while3A_42 : i32
    %while3A_44 = arith.constant 1 : i32
    %while3A_45 = arith.divsi %while3A_42, %while3A_44 : i32
    %while3A_46 = arith.muli %while3A_45, %while3A_44 : i32
    %while3A_47 = arith.addi %while3A_41, %while3A_46 : i32
    %while3A_48 = arith.constant 1 : i32
    scf.for %while3A_55 = %while3A_41 to %while3A_47 step %while3A_48  : i32 {
      %dma_wait3A = arith.constant 0 : i32
      %dma_wait3A_56 = arith.constant 0 : i32
      %dma_wait3A_57 = tpu.memref_slice %arg6[%dma_wait3A, %dma_wait3A_56] : memref<79x128xi32, #tpu.memory_space<vmem>> -> memref<1x128xi32, #tpu.memory_space<vmem>>
      %dma_wait3A_58 = tpu.memref_squeeze %dma_wait3A_57 : memref<1x128xi32, #tpu.memory_space<vmem>> -> memref<128xi32, #tpu.memory_space<vmem>>
      %dma_wait3A_59 = arith.constant 0 : i32
      %dma_wait3A_60 = arith.constant 0 : i32
      %dma_wait3A_61 = tpu.memref_slice %arg8[%dma_wait3A_59, %dma_wait3A_60] : memref<10112x128xf32, #tpu.memory_space<vmem_shared>> -> memref<10112x128xf32, #tpu.memory_space<vmem_shared>>
      tpu.wait_indirect_dma semaphore(%arg10 : memref<!tpu.dma_semaphore, #tpu.memory_space<semaphore_mem>>) src(%arg7 : memref<128x128xf32, #tpu.memory_space<vmem>>) dst(%dma_wait3A_61 : memref<10112x128xf32, #tpu.memory_space<vmem_shared>>)
    }
    %while3A_49 = arith.constant 1 : i32
    scf.for %while3A_55 = %while3A_47 to %while3A_43 step %while3A_49  : i32 {
      %dma_wait3A = arith.constant 0 : i32
      %dma_wait3A_56 = arith.constant 0 : i32
      %dma_wait3A_57 = tpu.memref_slice %arg6[%dma_wait3A, %dma_wait3A_56] : memref<79x128xi32, #tpu.memory_space<vmem>> -> memref<1x128xi32, #tpu.memory_space<vmem>>
      %dma_wait3A_58 = tpu.memref_squeeze %dma_wait3A_57 : memref<1x128xi32, #tpu.memory_space<vmem>> -> memref<128xi32, #tpu.memory_space<vmem>>
      %dma_wait3A_59 = arith.constant 0 : i32
      %dma_wait3A_60 = arith.constant 0 : i32
      %dma_wait3A_61 = tpu.memref_slice %arg8[%dma_wait3A_59, %dma_wait3A_60] : memref<10112x128xf32, #tpu.memory_space<vmem_shared>> -> memref<10112x128xf32, #tpu.memory_space<vmem_shared>>
      tpu.wait_indirect_dma semaphore(%arg10 : memref<!tpu.dma_semaphore, #tpu.memory_space<semaphore_mem>>) src(%arg7 : memref<128x128xf32, #tpu.memory_space<vmem>>) dst(%dma_wait3A_61 : memref<10112x128xf32, #tpu.memory_space<vmem_shared>>)
    }
    %barrier3A_50 = arith.constant 0 : index
    tpu.barrier barrier_id(%barrier3A_50)
    %mul3A_51 = arith.constant 632 : i32
    %mul3A_52 = arith.muli %arg1, %mul3A_51 : i32
    %mul3A_53 = arith.constant 632 : i32
    %mul3A_54 = arith.muli %arg1, %mul3A_53 : i32
    "tpu.region"() ({
      %run_scoped3A = tpu.sem_alloc : memref<!tpu.dma_semaphore, #tpu.memory_space<semaphore_mem>>
      %dma_start3A = arith.constant 0 : i32
      %dma_start3A_55 = tpu.memref_slice %arg5[%arg0, %mul3A_54, %dma_start3A] : memref<2x10112x128xf32, #tpu.memory_space<hbm>> -> memref<1x632x128xf32, #tpu.memory_space<hbm>>
      %dma_start3A_56 = tpu.memref_squeeze %dma_start3A_55 : memref<1x632x128xf32, #tpu.memory_space<hbm>> -> memref<632x128xf32, #tpu.memory_space<hbm>>
      %dma_start3A_57 = arith.constant 0 : i32
      %dma_start3A_58 = tpu.memref_slice %arg8[%mul3A_52, %dma_start3A_57] : memref<10112x128xf32, #tpu.memory_space<vmem_shared>> -> memref<632x128xf32, #tpu.memory_space<vmem_shared>>
      tpu.enqueue_dma source(%dma_start3A_58 : memref<632x128xf32, #tpu.memory_space<vmem_shared>>) target(%dma_start3A_56 : memref<632x128xf32, #tpu.memory_space<hbm>>) target_semaphore(%run_scoped3A : memref<!tpu.dma_semaphore, #tpu.memory_space<semaphore_mem>>)
      %dma_wait3A = arith.constant 0 : i32
      %dma_wait3A_59 = tpu.memref_slice %arg5[%arg0, %mul3A_54, %dma_wait3A] : memref<2x10112x128xf32, #tpu.memory_space<hbm>> -> memref<1x632x128xf32, #tpu.memory_space<hbm>>
      %dma_wait3A_60 = tpu.memref_squeeze %dma_wait3A_59 : memref<1x632x128xf32, #tpu.memory_space<hbm>> -> memref<632x128xf32, #tpu.memory_space<hbm>>
      %dma_wait3A_61 = arith.constant 0 : i32
      %dma_wait3A_62 = tpu.memref_slice %arg8[%mul3A_52, %dma_wait3A_61] : memref<10112x128xf32, #tpu.memory_space<vmem_shared>> -> memref<632x128xf32, #tpu.memory_space<vmem_shared>>
      tpu.wait_dma2 semaphore(%run_scoped3A : memref<!tpu.dma_semaphore, #tpu.memory_space<semaphore_mem>>) src(%dma_wait3A_62 : memref<632x128xf32, #tpu.memory_space<vmem_shared>>) dst(%dma_wait3A_60 : memref<632x128xf32, #tpu.memory_space<hbm>>)
      tpu.yield
    }) : () -> ()
    return
  }
}

#map = affine_map<(d0, d1) -> (0, 0)>
#map1 = affine_map<(d0, d1) -> (0)>
#map2 = affine_map<(d0, d1) -> (0, 0, 0)>
module attributes {stable_mosaic.version = 14 : i64} {
  func.func @seg_kernel(%arg0: i32, %arg1: i32, %arg2: memref<10000x128xf32, #tpu.memory_space<hbm>>, %arg3: memref<640000xi32, #tpu.memory_space<hbm>>, %arg4: memref<632x128xf32, #tpu.memory_space<hbm>>, %arg5: memref<2x10112x128xf32, #tpu.memory_space<hbm>>, %arg6: memref<4x128xi32, #tpu.memory_space<vmem>>, %arg7: memref<3x128xi32, #tpu.memory_space<vmem>>, %arg8: memref<3x128x128xf32, #tpu.memory_space<vmem>>, %arg9: memref<10112x128xf32, #tpu.memory_space<vmem_shared>>, %arg10: memref<!tpu.dma_semaphore, #tpu.memory_space<semaphore_mem>>, %arg11: memref<!tpu.dma_semaphore, #tpu.memory_space<semaphore_mem>>, %arg12: memref<!tpu.dma_semaphore, #tpu.memory_space<semaphore_mem>>, %arg13: memref<!tpu.dma_semaphore, #tpu.memory_space<semaphore_mem>>) attributes {dimension_semantics = [#tpu.dimension_semantics<core_parallel>, #tpu.dimension_semantics<subcore_parallel>], iteration_bounds = array<i64: 2, 16>, scalar_prefetch = 0 : i64, scratch_operands = 8 : i64, tpu.core_type = #tpu.core_type<sc_vector_subcore>, window_params = [{transform_indices = #map}, {transform_indices = #map1}, {transform_indices = #map}, {transform_indices = #map2}]} {
    %mul3A = arith.constant 16 : i32
    %mul3A_0 = arith.muli %arg0, %mul3A : i32
    %add3A = arith.addi %mul3A_0, %arg1 : i32
    %lt3A = arith.constant 4 : i32
    %lt3A_1 = arith.cmpi slt, %add3A, %lt3A : i32
    %jit3A = arith.constant 1 : i32
    %jit3A_2 = arith.constant 0 : i32
    %select_n3A = arith.select %lt3A_1, %jit3A, %jit3A_2 : i32
    %add3A_3 = arith.constant 78 : i32
    %add3A_4 = arith.addi %add3A_3, %select_n3A : i32
    %mul3A_5 = arith.constant 78 : i32
    %mul3A_6 = arith.muli %mul3A_5, %add3A : i32
    %min3A = arith.constant 4 : i32
    %min3A_7 = arith.minsi %add3A, %min3A : i32
    %add3A_8 = arith.addi %mul3A_6, %min3A_7 : i32
    %mul3A_9 = arith.constant 632 : i32
    %mul3A_10 = arith.muli %arg1, %mul3A_9 : i32
    "tpu.region"() ({
      %run_scoped3A = tpu.sem_alloc : memref<!tpu.dma_semaphore, #tpu.memory_space<semaphore_mem>>
      %dma_start3A_194 = arith.constant 0 : i32
      %dma_start3A_195 = tpu.memref_slice %arg9[%mul3A_10, %dma_start3A_194] : memref<10112x128xf32, #tpu.memory_space<vmem_shared>> -> memref<632x128xf32, #tpu.memory_space<vmem_shared>>
      tpu.enqueue_dma source(%arg4 : memref<632x128xf32, #tpu.memory_space<hbm>>) target(%dma_start3A_195 : memref<632x128xf32, #tpu.memory_space<vmem_shared>>) target_semaphore(%run_scoped3A : memref<!tpu.dma_semaphore, #tpu.memory_space<semaphore_mem>>)
      %dma_wait3A_196 = arith.constant 0 : i32
      %dma_wait3A_197 = tpu.memref_slice %arg9[%mul3A_10, %dma_wait3A_196] : memref<10112x128xf32, #tpu.memory_space<vmem_shared>> -> memref<632x128xf32, #tpu.memory_space<vmem_shared>>
      tpu.wait_dma2 semaphore(%run_scoped3A : memref<!tpu.dma_semaphore, #tpu.memory_space<semaphore_mem>>) src(%arg4 : memref<632x128xf32, #tpu.memory_space<hbm>>) dst(%dma_wait3A_197 : memref<632x128xf32, #tpu.memory_space<vmem_shared>>)
      tpu.yield
    }) : () -> ()
    %barrier3A = arith.constant 0 : index
    tpu.barrier barrier_id(%barrier3A)
    %add3A_11 = arith.constant 0 : i32
    %add3A_12 = arith.addi %add3A_8, %add3A_11 : i32
    %mul3A_13 = arith.constant 128 : i32
    %mul3A_14 = arith.muli %add3A_12, %mul3A_13 : i32
    %dma_start3A = arith.constant 0 : i32
    %dma_start3A_15 = arith.constant 0 : i32
    %dma_start3A_16 = tpu.memref_slice %arg6[%dma_start3A, %dma_start3A_15] : memref<4x128xi32, #tpu.memory_space<vmem>> -> memref<1x128xi32, #tpu.memory_space<vmem>>
    %dma_start3A_17 = tpu.memref_squeeze %dma_start3A_16 : memref<1x128xi32, #tpu.memory_space<vmem>> -> memref<128xi32, #tpu.memory_space<vmem>>
    %dma_start3A_18 = tpu.memref_slice %arg3[%mul3A_14] : memref<640000xi32, #tpu.memory_space<hbm>> -> memref<128xi32, #tpu.memory_space<hbm>>
    %dma_start3A_19 = arith.constant 0 : i32
    %dma_start3A_20 = tpu.memref_slice %arg6[%dma_start3A, %dma_start3A_19] : memref<4x128xi32, #tpu.memory_space<vmem>> -> memref<1x128xi32, #tpu.memory_space<vmem>>
    %dma_start3A_21 = tpu.memref_squeeze %dma_start3A_20 : memref<1x128xi32, #tpu.memory_space<vmem>> -> memref<128xi32, #tpu.memory_space<vmem>>
    %dma_start3A_22 = tpu.memref_slice %arg3[%mul3A_14] : memref<640000xi32, #tpu.memory_space<hbm>> -> memref<128xi32, #tpu.memory_space<hbm>>
    tpu.enqueue_dma source(%dma_start3A_22 : memref<128xi32, #tpu.memory_space<hbm>>) target(%dma_start3A_21 : memref<128xi32, #tpu.memory_space<vmem>>) target_semaphore(%arg12 : memref<!tpu.dma_semaphore, #tpu.memory_space<semaphore_mem>>)
    %add3A_23 = arith.constant 1 : i32
    %add3A_24 = arith.addi %add3A_8, %add3A_23 : i32
    %mul3A_25 = arith.constant 128 : i32
    %mul3A_26 = arith.muli %add3A_24, %mul3A_25 : i32
    %dma_start3A_27 = arith.constant 1 : i32
    %dma_start3A_28 = arith.constant 0 : i32
    %dma_start3A_29 = tpu.memref_slice %arg6[%dma_start3A_27, %dma_start3A_28] : memref<4x128xi32, #tpu.memory_space<vmem>> -> memref<1x128xi32, #tpu.memory_space<vmem>>
    %dma_start3A_30 = tpu.memref_squeeze %dma_start3A_29 : memref<1x128xi32, #tpu.memory_space<vmem>> -> memref<128xi32, #tpu.memory_space<vmem>>
    %dma_start3A_31 = tpu.memref_slice %arg3[%mul3A_26] : memref<640000xi32, #tpu.memory_space<hbm>> -> memref<128xi32, #tpu.memory_space<hbm>>
    %dma_start3A_32 = arith.constant 0 : i32
    %dma_start3A_33 = tpu.memref_slice %arg6[%dma_start3A_27, %dma_start3A_32] : memref<4x128xi32, #tpu.memory_space<vmem>> -> memref<1x128xi32, #tpu.memory_space<vmem>>
    %dma_start3A_34 = tpu.memref_squeeze %dma_start3A_33 : memref<1x128xi32, #tpu.memory_space<vmem>> -> memref<128xi32, #tpu.memory_space<vmem>>
    %dma_start3A_35 = tpu.memref_slice %arg3[%mul3A_26] : memref<640000xi32, #tpu.memory_space<hbm>> -> memref<128xi32, #tpu.memory_space<hbm>>
    tpu.enqueue_dma source(%dma_start3A_35 : memref<128xi32, #tpu.memory_space<hbm>>) target(%dma_start3A_34 : memref<128xi32, #tpu.memory_space<vmem>>) target_semaphore(%arg12 : memref<!tpu.dma_semaphore, #tpu.memory_space<semaphore_mem>>)
    %add3A_36 = arith.constant 2 : i32
    %add3A_37 = arith.addi %add3A_8, %add3A_36 : i32
    %mul3A_38 = arith.constant 128 : i32
    %mul3A_39 = arith.muli %add3A_37, %mul3A_38 : i32
    %dma_start3A_40 = arith.constant 2 : i32
    %dma_start3A_41 = arith.constant 0 : i32
    %dma_start3A_42 = tpu.memref_slice %arg6[%dma_start3A_40, %dma_start3A_41] : memref<4x128xi32, #tpu.memory_space<vmem>> -> memref<1x128xi32, #tpu.memory_space<vmem>>
    %dma_start3A_43 = tpu.memref_squeeze %dma_start3A_42 : memref<1x128xi32, #tpu.memory_space<vmem>> -> memref<128xi32, #tpu.memory_space<vmem>>
    %dma_start3A_44 = tpu.memref_slice %arg3[%mul3A_39] : memref<640000xi32, #tpu.memory_space<hbm>> -> memref<128xi32, #tpu.memory_space<hbm>>
    %dma_start3A_45 = arith.constant 0 : i32
    %dma_start3A_46 = tpu.memref_slice %arg6[%dma_start3A_40, %dma_start3A_45] : memref<4x128xi32, #tpu.memory_space<vmem>> -> memref<1x128xi32, #tpu.memory_space<vmem>>
    %dma_start3A_47 = tpu.memref_squeeze %dma_start3A_46 : memref<1x128xi32, #tpu.memory_space<vmem>> -> memref<128xi32, #tpu.memory_space<vmem>>
    %dma_start3A_48 = tpu.memref_slice %arg3[%mul3A_39] : memref<640000xi32, #tpu.memory_space<hbm>> -> memref<128xi32, #tpu.memory_space<hbm>>
    tpu.enqueue_dma source(%dma_start3A_48 : memref<128xi32, #tpu.memory_space<hbm>>) target(%dma_start3A_47 : memref<128xi32, #tpu.memory_space<vmem>>) target_semaphore(%arg12 : memref<!tpu.dma_semaphore, #tpu.memory_space<semaphore_mem>>)
    %add3A_49 = arith.constant 3 : i32
    %add3A_50 = arith.addi %add3A_8, %add3A_49 : i32
    %mul3A_51 = arith.constant 128 : i32
    %mul3A_52 = arith.muli %add3A_50, %mul3A_51 : i32
    %dma_start3A_53 = arith.constant 3 : i32
    %dma_start3A_54 = arith.constant 0 : i32
    %dma_start3A_55 = tpu.memref_slice %arg6[%dma_start3A_53, %dma_start3A_54] : memref<4x128xi32, #tpu.memory_space<vmem>> -> memref<1x128xi32, #tpu.memory_space<vmem>>
    %dma_start3A_56 = tpu.memref_squeeze %dma_start3A_55 : memref<1x128xi32, #tpu.memory_space<vmem>> -> memref<128xi32, #tpu.memory_space<vmem>>
    %dma_start3A_57 = tpu.memref_slice %arg3[%mul3A_52] : memref<640000xi32, #tpu.memory_space<hbm>> -> memref<128xi32, #tpu.memory_space<hbm>>
    %dma_start3A_58 = arith.constant 0 : i32
    %dma_start3A_59 = tpu.memref_slice %arg6[%dma_start3A_53, %dma_start3A_58] : memref<4x128xi32, #tpu.memory_space<vmem>> -> memref<1x128xi32, #tpu.memory_space<vmem>>
    %dma_start3A_60 = tpu.memref_squeeze %dma_start3A_59 : memref<1x128xi32, #tpu.memory_space<vmem>> -> memref<128xi32, #tpu.memory_space<vmem>>
    %dma_start3A_61 = tpu.memref_slice %arg3[%mul3A_52] : memref<640000xi32, #tpu.memory_space<hbm>> -> memref<128xi32, #tpu.memory_space<hbm>>
    tpu.enqueue_dma source(%dma_start3A_61 : memref<128xi32, #tpu.memory_space<hbm>>) target(%dma_start3A_60 : memref<128xi32, #tpu.memory_space<vmem>>) target_semaphore(%arg12 : memref<!tpu.dma_semaphore, #tpu.memory_space<semaphore_mem>>)
    %add3A_62 = arith.constant 0 : i32
    %add3A_63 = arith.addi %add3A_8, %add3A_62 : i32
    %mul3A_64 = arith.constant 128 : i32
    %mul3A_65 = arith.muli %add3A_63, %mul3A_64 : i32
    %add3A_66 = arith.constant 320000 : i32
    %add3A_67 = arith.addi %add3A_66, %mul3A_65 : i32
    %dma_start3A_68 = arith.constant 0 : i32
    %dma_start3A_69 = arith.constant 0 : i32
    %dma_start3A_70 = tpu.memref_slice %arg7[%dma_start3A_68, %dma_start3A_69] : memref<3x128xi32, #tpu.memory_space<vmem>> -> memref<1x128xi32, #tpu.memory_space<vmem>>
    %dma_start3A_71 = tpu.memref_squeeze %dma_start3A_70 : memref<1x128xi32, #tpu.memory_space<vmem>> -> memref<128xi32, #tpu.memory_space<vmem>>
    %dma_start3A_72 = tpu.memref_slice %arg3[%add3A_67] : memref<640000xi32, #tpu.memory_space<hbm>> -> memref<128xi32, #tpu.memory_space<hbm>>
    %dma_start3A_73 = arith.constant 0 : i32
    %dma_start3A_74 = tpu.memref_slice %arg7[%dma_start3A_68, %dma_start3A_73] : memref<3x128xi32, #tpu.memory_space<vmem>> -> memref<1x128xi32, #tpu.memory_space<vmem>>
    %dma_start3A_75 = tpu.memref_squeeze %dma_start3A_74 : memref<1x128xi32, #tpu.memory_space<vmem>> -> memref<128xi32, #tpu.memory_space<vmem>>
    %dma_start3A_76 = tpu.memref_slice %arg3[%add3A_67] : memref<640000xi32, #tpu.memory_space<hbm>> -> memref<128xi32, #tpu.memory_space<hbm>>
    tpu.enqueue_dma source(%dma_start3A_76 : memref<128xi32, #tpu.memory_space<hbm>>) target(%dma_start3A_75 : memref<128xi32, #tpu.memory_space<vmem>>) target_semaphore(%arg13 : memref<!tpu.dma_semaphore, #tpu.memory_space<semaphore_mem>>)
    %add3A_77 = arith.constant 1 : i32
    %add3A_78 = arith.addi %add3A_8, %add3A_77 : i32
    %mul3A_79 = arith.constant 128 : i32
    %mul3A_80 = arith.muli %add3A_78, %mul3A_79 : i32
    %add3A_81 = arith.constant 320000 : i32
    %add3A_82 = arith.addi %add3A_81, %mul3A_80 : i32
    %dma_start3A_83 = arith.constant 1 : i32
    %dma_start3A_84 = arith.constant 0 : i32
    %dma_start3A_85 = tpu.memref_slice %arg7[%dma_start3A_83, %dma_start3A_84] : memref<3x128xi32, #tpu.memory_space<vmem>> -> memref<1x128xi32, #tpu.memory_space<vmem>>
    %dma_start3A_86 = tpu.memref_squeeze %dma_start3A_85 : memref<1x128xi32, #tpu.memory_space<vmem>> -> memref<128xi32, #tpu.memory_space<vmem>>
    %dma_start3A_87 = tpu.memref_slice %arg3[%add3A_82] : memref<640000xi32, #tpu.memory_space<hbm>> -> memref<128xi32, #tpu.memory_space<hbm>>
    %dma_start3A_88 = arith.constant 0 : i32
    %dma_start3A_89 = tpu.memref_slice %arg7[%dma_start3A_83, %dma_start3A_88] : memref<3x128xi32, #tpu.memory_space<vmem>> -> memref<1x128xi32, #tpu.memory_space<vmem>>
    %dma_start3A_90 = tpu.memref_squeeze %dma_start3A_89 : memref<1x128xi32, #tpu.memory_space<vmem>> -> memref<128xi32, #tpu.memory_space<vmem>>
    %dma_start3A_91 = tpu.memref_slice %arg3[%add3A_82] : memref<640000xi32, #tpu.memory_space<hbm>> -> memref<128xi32, #tpu.memory_space<hbm>>
    tpu.enqueue_dma source(%dma_start3A_91 : memref<128xi32, #tpu.memory_space<hbm>>) target(%dma_start3A_90 : memref<128xi32, #tpu.memory_space<vmem>>) target_semaphore(%arg13 : memref<!tpu.dma_semaphore, #tpu.memory_space<semaphore_mem>>)
    %add3A_92 = arith.constant 0 : i32
    %add3A_93 = arith.addi %add3A_8, %add3A_92 : i32
    %mul3A_94 = arith.constant 128 : i32
    %mul3A_95 = arith.muli %add3A_93, %mul3A_94 : i32
    %dma_wait3A = arith.constant 0 : i32
    %dma_wait3A_96 = arith.constant 0 : i32
    %dma_wait3A_97 = tpu.memref_slice %arg6[%dma_wait3A, %dma_wait3A_96] : memref<4x128xi32, #tpu.memory_space<vmem>> -> memref<1x128xi32, #tpu.memory_space<vmem>>
    %dma_wait3A_98 = tpu.memref_squeeze %dma_wait3A_97 : memref<1x128xi32, #tpu.memory_space<vmem>> -> memref<128xi32, #tpu.memory_space<vmem>>
    %dma_wait3A_99 = tpu.memref_slice %arg3[%mul3A_95] : memref<640000xi32, #tpu.memory_space<hbm>> -> memref<128xi32, #tpu.memory_space<hbm>>
    %dma_wait3A_100 = arith.constant 0 : i32
    %dma_wait3A_101 = tpu.memref_slice %arg6[%dma_wait3A, %dma_wait3A_100] : memref<4x128xi32, #tpu.memory_space<vmem>> -> memref<1x128xi32, #tpu.memory_space<vmem>>
    %dma_wait3A_102 = tpu.memref_squeeze %dma_wait3A_101 : memref<1x128xi32, #tpu.memory_space<vmem>> -> memref<128xi32, #tpu.memory_space<vmem>>
    %dma_wait3A_103 = tpu.memref_slice %arg3[%mul3A_95] : memref<640000xi32, #tpu.memory_space<hbm>> -> memref<128xi32, #tpu.memory_space<hbm>>
    tpu.wait_dma2 semaphore(%arg12 : memref<!tpu.dma_semaphore, #tpu.memory_space<semaphore_mem>>) src(%dma_wait3A_103 : memref<128xi32, #tpu.memory_space<hbm>>) dst(%dma_wait3A_102 : memref<128xi32, #tpu.memory_space<vmem>>)
    %dma_start3A_104 = arith.constant 0 : i32
    %dma_start3A_105 = arith.constant 0 : i32
    %dma_start3A_106 = arith.constant 0 : i32
    %dma_start3A_107 = arith.constant 0 : i32
    %dma_start3A_108 = tpu.memref_slice %arg8[%dma_start3A_105, %dma_start3A_106, %dma_start3A_107] : memref<3x128x128xf32, #tpu.memory_space<vmem>> -> memref<1x128x128xf32, #tpu.memory_space<vmem>>
    %dma_start3A_109 = tpu.memref_squeeze %dma_start3A_108 : memref<1x128x128xf32, #tpu.memory_space<vmem>> -> memref<128x128xf32, #tpu.memory_space<vmem>>
    %dma_start3A_110 = arith.constant 0 : i32
    %dma_start3A_111 = tpu.memref_slice %arg6[%dma_start3A_104, %dma_start3A_110] : memref<4x128xi32, #tpu.memory_space<vmem>> -> memref<1x128xi32, #tpu.memory_space<vmem>>
    %dma_start3A_112 = tpu.memref_squeeze %dma_start3A_111 : memref<1x128xi32, #tpu.memory_space<vmem>> -> memref<128xi32, #tpu.memory_space<vmem>>
    %dma_start3A_113 = arith.constant 0 : i32
    %dma_start3A_114 = arith.constant 0 : i32
    %dma_start3A_115 = tpu.memref_slice %arg2[%dma_start3A_113, %dma_start3A_114] : memref<10000x128xf32, #tpu.memory_space<hbm>> -> memref<10000x128xf32, #tpu.memory_space<hbm>>
    tpu.enqueue_indirect_dma source(%dma_start3A_115 : memref<10000x128xf32, #tpu.memory_space<hbm>>) target(%dma_start3A_109 : memref<128x128xf32, #tpu.memory_space<vmem>>) offsets(%dma_start3A_112 : memref<128xi32, #tpu.memory_space<vmem>>) semaphore(%arg10 : memref<!tpu.dma_semaphore, #tpu.memory_space<semaphore_mem>>)
    %add3A_116 = arith.constant 0 : i32
    %add3A_117 = arith.addi %add3A_8, %add3A_116 : i32
    %mul3A_118 = arith.constant 128 : i32
    %mul3A_119 = arith.muli %add3A_117, %mul3A_118 : i32
    %dma_wait3A_120 = arith.constant 1 : i32
    %dma_wait3A_121 = arith.constant 0 : i32
    %dma_wait3A_122 = tpu.memref_slice %arg6[%dma_wait3A_120, %dma_wait3A_121] : memref<4x128xi32, #tpu.memory_space<vmem>> -> memref<1x128xi32, #tpu.memory_space<vmem>>
    %dma_wait3A_123 = tpu.memref_squeeze %dma_wait3A_122 : memref<1x128xi32, #tpu.memory_space<vmem>> -> memref<128xi32, #tpu.memory_space<vmem>>
    %dma_wait3A_124 = tpu.memref_slice %arg3[%mul3A_119] : memref<640000xi32, #tpu.memory_space<hbm>> -> memref<128xi32, #tpu.memory_space<hbm>>
    %dma_wait3A_125 = arith.constant 0 : i32
    %dma_wait3A_126 = tpu.memref_slice %arg6[%dma_wait3A_120, %dma_wait3A_125] : memref<4x128xi32, #tpu.memory_space<vmem>> -> memref<1x128xi32, #tpu.memory_space<vmem>>
    %dma_wait3A_127 = tpu.memref_squeeze %dma_wait3A_126 : memref<1x128xi32, #tpu.memory_space<vmem>> -> memref<128xi32, #tpu.memory_space<vmem>>
    %dma_wait3A_128 = tpu.memref_slice %arg3[%mul3A_119] : memref<640000xi32, #tpu.memory_space<hbm>> -> memref<128xi32, #tpu.memory_space<hbm>>
    tpu.wait_dma2 semaphore(%arg12 : memref<!tpu.dma_semaphore, #tpu.memory_space<semaphore_mem>>) src(%dma_wait3A_128 : memref<128xi32, #tpu.memory_space<hbm>>) dst(%dma_wait3A_127 : memref<128xi32, #tpu.memory_space<vmem>>)
    %dma_start3A_129 = arith.constant 1 : i32
    %dma_start3A_130 = arith.constant 1 : i32
    %dma_start3A_131 = arith.constant 0 : i32
    %dma_start3A_132 = arith.constant 0 : i32
    %dma_start3A_133 = tpu.memref_slice %arg8[%dma_start3A_130, %dma_start3A_131, %dma_start3A_132] : memref<3x128x128xf32, #tpu.memory_space<vmem>> -> memref<1x128x128xf32, #tpu.memory_space<vmem>>
    %dma_start3A_134 = tpu.memref_squeeze %dma_start3A_133 : memref<1x128x128xf32, #tpu.memory_space<vmem>> -> memref<128x128xf32, #tpu.memory_space<vmem>>
    %dma_start3A_135 = arith.constant 0 : i32
    %dma_start3A_136 = tpu.memref_slice %arg6[%dma_start3A_129, %dma_start3A_135] : memref<4x128xi32, #tpu.memory_space<vmem>> -> memref<1x128xi32, #tpu.memory_space<vmem>>
    %dma_start3A_137 = tpu.memref_squeeze %dma_start3A_136 : memref<1x128xi32, #tpu.memory_space<vmem>> -> memref<128xi32, #tpu.memory_space<vmem>>
    %dma_start3A_138 = arith.constant 0 : i32
    %dma_start3A_139 = arith.constant 0 : i32
    %dma_start3A_140 = tpu.memref_slice %arg2[%dma_start3A_138, %dma_start3A_139] : memref<10000x128xf32, #tpu.memory_space<hbm>> -> memref<10000x128xf32, #tpu.memory_space<hbm>>
    tpu.enqueue_indirect_dma source(%dma_start3A_140 : memref<10000x128xf32, #tpu.memory_space<hbm>>) target(%dma_start3A_134 : memref<128x128xf32, #tpu.memory_space<vmem>>) offsets(%dma_start3A_137 : memref<128xi32, #tpu.memory_space<vmem>>) semaphore(%arg10 : memref<!tpu.dma_semaphore, #tpu.memory_space<semaphore_mem>>)
    %while3A = arith.constant 0 : i32
    %while3A_141 = arith.constant 0 : i32
    %while3A_142 = arith.subi %add3A_4, %while3A_141 : i32
    %while3A_143 = arith.addi %while3A_141, %while3A_142 : i32
    %while3A_144 = arith.constant 1 : i32
    %while3A_145 = arith.divsi %while3A_142, %while3A_144 : i32
    %while3A_146 = arith.muli %while3A_145, %while3A_144 : i32
    %while3A_147 = arith.addi %while3A_141, %while3A_146 : i32
    %while3A_148 = arith.constant 1 : i32
    scf.for %while3A_194 = %while3A_141 to %while3A_147 step %while3A_148  : i32 {
      %add3A_195 = arith.constant 0 : i32
      %add3A_196 = arith.addi %add3A_8, %add3A_195 : i32
      %mul3A_197 = arith.constant 128 : i32
      %mul3A_198 = arith.muli %add3A_196, %mul3A_197 : i32
      %add3A_199 = arith.constant 320000 : i32
      %add3A_200 = arith.addi %add3A_199, %mul3A_198 : i32
      %jit3A_201 = arith.constant 3 : i32
      %eq3A_202 = arith.constant 0 : i32
      %eq3A_203 = arith.cmpi eq, %jit3A_201, %eq3A_202 : i32
      %jit3A_204 = arith.constant 1 : i32
      %select_n3A_205 = arith.select %eq3A_203, %jit3A_204, %jit3A_201 : i32
      %rem3A_206 = arith.remsi %while3A_194, %select_n3A_205 : i32
      %ne3A_207 = arith.constant 0 : i32
      %ne3A_208 = arith.cmpi ne, %rem3A_206, %ne3A_207 : i32
      %lt3A_209 = arith.constant 0 : i32
      %lt3A_210 = arith.cmpi slt, %rem3A_206, %lt3A_209 : i32
      %lt3A_211 = arith.constant 0 : i32
      %lt3A_212 = arith.cmpi slt, %select_n3A_205, %lt3A_211 : i32
      %ne3A_213 = arith.xori %lt3A_210, %lt3A_212 : i1
      %and3A_214 = arith.andi %ne3A_213, %ne3A_208 : i1
      %add3A_215 = arith.addi %rem3A_206, %select_n3A_205 : i32
      %select_n3A_216 = arith.select %and3A_214, %add3A_215, %rem3A_206 : i32
      %dma_wait3A_217 = arith.constant 0 : i32
      %dma_wait3A_218 = tpu.memref_slice %arg7[%select_n3A_216, %dma_wait3A_217] : memref<3x128xi32, #tpu.memory_space<vmem>> -> memref<1x128xi32, #tpu.memory_space<vmem>>
      %dma_wait3A_219 = tpu.memref_squeeze %dma_wait3A_218 : memref<1x128xi32, #tpu.memory_space<vmem>> -> memref<128xi32, #tpu.memory_space<vmem>>
      %dma_wait3A_220 = tpu.memref_slice %arg3[%add3A_200] : memref<640000xi32, #tpu.memory_space<hbm>> -> memref<128xi32, #tpu.memory_space<hbm>>
      %dma_wait3A_221 = arith.constant 0 : i32
      %dma_wait3A_222 = tpu.memref_slice %arg7[%select_n3A_216, %dma_wait3A_221] : memref<3x128xi32, #tpu.memory_space<vmem>> -> memref<1x128xi32, #tpu.memory_space<vmem>>
      %dma_wait3A_223 = tpu.memref_squeeze %dma_wait3A_222 : memref<1x128xi32, #tpu.memory_space<vmem>> -> memref<128xi32, #tpu.memory_space<vmem>>
      %dma_wait3A_224 = tpu.memref_slice %arg3[%add3A_200] : memref<640000xi32, #tpu.memory_space<hbm>> -> memref<128xi32, #tpu.memory_space<hbm>>
      tpu.wait_dma2 semaphore(%arg13 : memref<!tpu.dma_semaphore, #tpu.memory_space<semaphore_mem>>) src(%dma_wait3A_224 : memref<128xi32, #tpu.memory_space<hbm>>) dst(%dma_wait3A_223 : memref<128xi32, #tpu.memory_space<vmem>>)
      %jit3A_225 = arith.constant 4 : i32
      %eq3A_226 = arith.constant 0 : i32
      %eq3A_227 = arith.cmpi eq, %jit3A_225, %eq3A_226 : i32
      %jit3A_228 = arith.constant 1 : i32
      %select_n3A_229 = arith.select %eq3A_227, %jit3A_228, %jit3A_225 : i32
      %rem3A_230 = arith.remsi %while3A_194, %select_n3A_229 : i32
      %ne3A_231 = arith.constant 0 : i32
      %ne3A_232 = arith.cmpi ne, %rem3A_230, %ne3A_231 : i32
      %lt3A_233 = arith.constant 0 : i32
      %lt3A_234 = arith.cmpi slt, %rem3A_230, %lt3A_233 : i32
      %lt3A_235 = arith.constant 0 : i32
      %lt3A_236 = arith.cmpi slt, %select_n3A_229, %lt3A_235 : i32
      %ne3A_237 = arith.xori %lt3A_234, %lt3A_236 : i1
      %and3A_238 = arith.andi %ne3A_237, %ne3A_232 : i1
      %add3A_239 = arith.addi %rem3A_230, %select_n3A_229 : i32
      %select_n3A_240 = arith.select %and3A_238, %add3A_239, %rem3A_230 : i32
      %jit3A_241 = arith.constant 3 : i32
      %eq3A_242 = arith.constant 0 : i32
      %eq3A_243 = arith.cmpi eq, %jit3A_241, %eq3A_242 : i32
      %jit3A_244 = arith.constant 1 : i32
      %select_n3A_245 = arith.select %eq3A_243, %jit3A_244, %jit3A_241 : i32
      %rem3A_246 = arith.remsi %while3A_194, %select_n3A_245 : i32
      %ne3A_247 = arith.constant 0 : i32
      %ne3A_248 = arith.cmpi ne, %rem3A_246, %ne3A_247 : i32
      %lt3A_249 = arith.constant 0 : i32
      %lt3A_250 = arith.cmpi slt, %rem3A_246, %lt3A_249 : i32
      %lt3A_251 = arith.constant 0 : i32
      %lt3A_252 = arith.cmpi slt, %select_n3A_245, %lt3A_251 : i32
      %ne3A_253 = arith.xori %lt3A_250, %lt3A_252 : i1
      %and3A_254 = arith.andi %ne3A_253, %ne3A_248 : i1
      %add3A_255 = arith.addi %rem3A_246, %select_n3A_245 : i32
      %select_n3A_256 = arith.select %and3A_254, %add3A_255, %rem3A_246 : i32
      %dma_wait3A_257 = arith.constant 0 : i32
      %dma_wait3A_258 = arith.constant 0 : i32
      %dma_wait3A_259 = tpu.memref_slice %arg8[%select_n3A_256, %dma_wait3A_257, %dma_wait3A_258] : memref<3x128x128xf32, #tpu.memory_space<vmem>> -> memref<1x128x128xf32, #tpu.memory_space<vmem>>
      %dma_wait3A_260 = tpu.memref_squeeze %dma_wait3A_259 : memref<1x128x128xf32, #tpu.memory_space<vmem>> -> memref<128x128xf32, #tpu.memory_space<vmem>>
      %dma_wait3A_261 = arith.constant 0 : i32
      %dma_wait3A_262 = tpu.memref_slice %arg6[%select_n3A_240, %dma_wait3A_261] : memref<4x128xi32, #tpu.memory_space<vmem>> -> memref<1x128xi32, #tpu.memory_space<vmem>>
      %dma_wait3A_263 = tpu.memref_squeeze %dma_wait3A_262 : memref<1x128xi32, #tpu.memory_space<vmem>> -> memref<128xi32, #tpu.memory_space<vmem>>
      %dma_wait3A_264 = arith.constant 0 : i32
      %dma_wait3A_265 = arith.constant 0 : i32
      %dma_wait3A_266 = tpu.memref_slice %arg2[%dma_wait3A_264, %dma_wait3A_265] : memref<10000x128xf32, #tpu.memory_space<hbm>> -> memref<10000x128xf32, #tpu.memory_space<hbm>>
      tpu.wait_indirect_dma semaphore(%arg10 : memref<!tpu.dma_semaphore, #tpu.memory_space<semaphore_mem>>) src(%dma_wait3A_266 : memref<10000x128xf32, #tpu.memory_space<hbm>>) dst(%dma_wait3A_260 : memref<128x128xf32, #tpu.memory_space<vmem>>)
      %jit3A_267 = arith.constant 3 : i32
      %eq3A_268 = arith.constant 0 : i32
      %eq3A_269 = arith.cmpi eq, %jit3A_267, %eq3A_268 : i32
      %jit3A_270 = arith.constant 1 : i32
      %select_n3A_271 = arith.select %eq3A_269, %jit3A_270, %jit3A_267 : i32
      %rem3A_272 = arith.remsi %while3A_194, %select_n3A_271 : i32
      %ne3A_273 = arith.constant 0 : i32
      %ne3A_274 = arith.cmpi ne, %rem3A_272, %ne3A_273 : i32
      %lt3A_275 = arith.constant 0 : i32
      %lt3A_276 = arith.cmpi slt, %rem3A_272, %lt3A_275 : i32
      %lt3A_277 = arith.constant 0 : i32
      %lt3A_278 = arith.cmpi slt, %select_n3A_271, %lt3A_277 : i32
      %ne3A_279 = arith.xori %lt3A_276, %lt3A_278 : i1
      %and3A_280 = arith.andi %ne3A_279, %ne3A_274 : i1
      %add3A_281 = arith.addi %rem3A_272, %select_n3A_271 : i32
      %select_n3A_282 = arith.select %and3A_280, %add3A_281, %rem3A_272 : i32
      %jit3A_283 = arith.constant 3 : i32
      %eq3A_284 = arith.constant 0 : i32
      %eq3A_285 = arith.cmpi eq, %jit3A_283, %eq3A_284 : i32
      %jit3A_286 = arith.constant 1 : i32
      %select_n3A_287 = arith.select %eq3A_285, %jit3A_286, %jit3A_283 : i32
      %rem3A_288 = arith.remsi %while3A_194, %select_n3A_287 : i32
      %ne3A_289 = arith.constant 0 : i32
      %ne3A_290 = arith.cmpi ne, %rem3A_288, %ne3A_289 : i32
      %lt3A_291 = arith.constant 0 : i32
      %lt3A_292 = arith.cmpi slt, %rem3A_288, %lt3A_291 : i32
      %lt3A_293 = arith.constant 0 : i32
      %lt3A_294 = arith.cmpi slt, %select_n3A_287, %lt3A_293 : i32
      %ne3A_295 = arith.xori %lt3A_292, %lt3A_294 : i1
      %and3A_296 = arith.andi %ne3A_295, %ne3A_290 : i1
      %add3A_297 = arith.addi %rem3A_288, %select_n3A_287 : i32
      %select_n3A_298 = arith.select %and3A_296, %add3A_297, %rem3A_288 : i32
      %dma_start3A_299 = arith.constant 0 : i32
      %dma_start3A_300 = arith.constant 0 : i32
      %dma_start3A_301 = tpu.memref_slice %arg8[%select_n3A_282, %dma_start3A_299, %dma_start3A_300] : memref<3x128x128xf32, #tpu.memory_space<vmem>> -> memref<1x128x128xf32, #tpu.memory_space<vmem>>
      %dma_start3A_302 = tpu.memref_squeeze %dma_start3A_301 : memref<1x128x128xf32, #tpu.memory_space<vmem>> -> memref<128x128xf32, #tpu.memory_space<vmem>>
      %dma_start3A_303 = arith.constant 0 : i32
      %dma_start3A_304 = tpu.memref_slice %arg7[%select_n3A_298, %dma_start3A_303] : memref<3x128xi32, #tpu.memory_space<vmem>> -> memref<1x128xi32, #tpu.memory_space<vmem>>
      %dma_start3A_305 = tpu.memref_squeeze %dma_start3A_304 : memref<1x128xi32, #tpu.memory_space<vmem>> -> memref<128xi32, #tpu.memory_space<vmem>>
      %dma_start3A_306 = arith.constant 0 : i32
      %dma_start3A_307 = arith.constant 0 : i32
      %dma_start3A_308 = tpu.memref_slice %arg9[%dma_start3A_306, %dma_start3A_307] : memref<10112x128xf32, #tpu.memory_space<vmem_shared>> -> memref<10112x128xf32, #tpu.memory_space<vmem_shared>>
      tpu.enqueue_indirect_dma source(%dma_start3A_302 : memref<128x128xf32, #tpu.memory_space<vmem>>) target(%dma_start3A_308 : memref<10112x128xf32, #tpu.memory_space<vmem_shared>>) offsets(%dma_start3A_305 : memref<128xi32, #tpu.memory_space<vmem>>) semaphore(%arg11 : memref<!tpu.dma_semaphore, #tpu.memory_space<semaphore_mem>>) {add = true}
      %add3A_309 = arith.constant 4 : i32
      %add3A_310 = arith.addi %while3A_194, %add3A_309 : i32
      %lt3A_311 = arith.cmpi slt, %add3A_310, %add3A_4 : i32
      %convert_element_type3A = arith.extui %lt3A_311 : i1 to i32
      %cond3A = arith.constant 0 : i32
      %cond3A_312 = arith.cmpi ne, %convert_element_type3A, %cond3A : i32
      scf.if %cond3A_312 {
        %add3A_323 = arith.constant 4 : i32
        %add3A_324 = arith.addi %while3A_194, %add3A_323 : i32
        %add3A_325 = arith.addi %add3A_8, %add3A_324 : i32
        %mul3A_326 = arith.constant 128 : i32
        %mul3A_327 = arith.muli %add3A_325, %mul3A_326 : i32
        %jit3A_328 = arith.constant 4 : i32
        %eq3A_329 = arith.constant 0 : i32
        %eq3A_330 = arith.cmpi eq, %jit3A_328, %eq3A_329 : i32
        %jit3A_331 = arith.constant 1 : i32
        %select_n3A_332 = arith.select %eq3A_330, %jit3A_331, %jit3A_328 : i32
        %rem3A_333 = arith.remsi %while3A_194, %select_n3A_332 : i32
        %ne3A_334 = arith.constant 0 : i32
        %ne3A_335 = arith.cmpi ne, %rem3A_333, %ne3A_334 : i32
        %lt3A_336 = arith.constant 0 : i32
        %lt3A_337 = arith.cmpi slt, %rem3A_333, %lt3A_336 : i32
        %lt3A_338 = arith.constant 0 : i32
        %lt3A_339 = arith.cmpi slt, %select_n3A_332, %lt3A_338 : i32
        %ne3A_340 = arith.xori %lt3A_337, %lt3A_339 : i1
        %and3A_341 = arith.andi %ne3A_340, %ne3A_335 : i1
        %add3A_342 = arith.addi %rem3A_333, %select_n3A_332 : i32
        %select_n3A_343 = arith.select %and3A_341, %add3A_342, %rem3A_333 : i32
        %dma_start3A_344 = arith.constant 0 : i32
        %dma_start3A_345 = tpu.memref_slice %arg6[%select_n3A_343, %dma_start3A_344] : memref<4x128xi32, #tpu.memory_space<vmem>> -> memref<1x128xi32, #tpu.memory_space<vmem>>
        %dma_start3A_346 = tpu.memref_squeeze %dma_start3A_345 : memref<1x128xi32, #tpu.memory_space<vmem>> -> memref<128xi32, #tpu.memory_space<vmem>>
        %dma_start3A_347 = tpu.memref_slice %arg3[%mul3A_327] : memref<640000xi32, #tpu.memory_space<hbm>> -> memref<128xi32, #tpu.memory_space<hbm>>
        %dma_start3A_348 = arith.constant 0 : i32
        %dma_start3A_349 = tpu.memref_slice %arg6[%select_n3A_343, %dma_start3A_348] : memref<4x128xi32, #tpu.memory_space<vmem>> -> memref<1x128xi32, #tpu.memory_space<vmem>>
        %dma_start3A_350 = tpu.memref_squeeze %dma_start3A_349 : memref<1x128xi32, #tpu.memory_space<vmem>> -> memref<128xi32, #tpu.memory_space<vmem>>
        %dma_start3A_351 = tpu.memref_slice %arg3[%mul3A_327] : memref<640000xi32, #tpu.memory_space<hbm>> -> memref<128xi32, #tpu.memory_space<hbm>>
        tpu.enqueue_dma source(%dma_start3A_351 : memref<128xi32, #tpu.memory_space<hbm>>) target(%dma_start3A_350 : memref<128xi32, #tpu.memory_space<vmem>>) target_semaphore(%arg12 : memref<!tpu.dma_semaphore, #tpu.memory_space<semaphore_mem>>)
      } else {
      }
      %ge3A = arith.constant 1 : i32
      %ge3A_313 = arith.cmpi sge, %while3A_194, %ge3A : i32
      %convert_element_type3A_314 = arith.extui %ge3A_313 : i1 to i32
      %cond3A_315 = arith.constant 0 : i32
      %cond3A_316 = arith.cmpi ne, %convert_element_type3A_314, %cond3A_315 : i32
      scf.if %cond3A_316 {
        %sub3A_323 = arith.constant 1 : i32
        %sub3A_324 = arith.subi %while3A_194, %sub3A_323 : i32
        %jit3A_325 = arith.constant 3 : i32
        %eq3A_326 = arith.constant 0 : i32
        %eq3A_327 = arith.cmpi eq, %jit3A_325, %eq3A_326 : i32
        %jit3A_328 = arith.constant 1 : i32
        %select_n3A_329 = arith.select %eq3A_327, %jit3A_328, %jit3A_325 : i32
        %rem3A_330 = arith.remsi %sub3A_324, %select_n3A_329 : i32
        %ne3A_331 = arith.constant 0 : i32
        %ne3A_332 = arith.cmpi ne, %rem3A_330, %ne3A_331 : i32
        %lt3A_333 = arith.constant 0 : i32
        %lt3A_334 = arith.cmpi slt, %rem3A_330, %lt3A_333 : i32
        %lt3A_335 = arith.constant 0 : i32
        %lt3A_336 = arith.cmpi slt, %select_n3A_329, %lt3A_335 : i32
        %ne3A_337 = arith.xori %lt3A_334, %lt3A_336 : i1
        %and3A_338 = arith.andi %ne3A_337, %ne3A_332 : i1
        %add3A_339 = arith.addi %rem3A_330, %select_n3A_329 : i32
        %select_n3A_340 = arith.select %and3A_338, %add3A_339, %rem3A_330 : i32
        %jit3A_341 = arith.constant 3 : i32
        %eq3A_342 = arith.constant 0 : i32
        %eq3A_343 = arith.cmpi eq, %jit3A_341, %eq3A_342 : i32
        %jit3A_344 = arith.constant 1 : i32
        %select_n3A_345 = arith.select %eq3A_343, %jit3A_344, %jit3A_341 : i32
        %rem3A_346 = arith.remsi %sub3A_324, %select_n3A_345 : i32
        %ne3A_347 = arith.constant 0 : i32
        %ne3A_348 = arith.cmpi ne, %rem3A_346, %ne3A_347 : i32
        %lt3A_349 = arith.constant 0 : i32
        %lt3A_350 = arith.cmpi slt, %rem3A_346, %lt3A_349 : i32
        %lt3A_351 = arith.constant 0 : i32
        %lt3A_352 = arith.cmpi slt, %select_n3A_345, %lt3A_351 : i32
        %ne3A_353 = arith.xori %lt3A_350, %lt3A_352 : i1
        %and3A_354 = arith.andi %ne3A_353, %ne3A_348 : i1
        %add3A_355 = arith.addi %rem3A_346, %select_n3A_345 : i32
        %select_n3A_356 = arith.select %and3A_354, %add3A_355, %rem3A_346 : i32
        %dma_wait3A_357 = arith.constant 0 : i32
        %dma_wait3A_358 = arith.constant 0 : i32
        %dma_wait3A_359 = tpu.memref_slice %arg8[%select_n3A_340, %dma_wait3A_357, %dma_wait3A_358] : memref<3x128x128xf32, #tpu.memory_space<vmem>> -> memref<1x128x128xf32, #tpu.memory_space<vmem>>
        %dma_wait3A_360 = tpu.memref_squeeze %dma_wait3A_359 : memref<1x128x128xf32, #tpu.memory_space<vmem>> -> memref<128x128xf32, #tpu.memory_space<vmem>>
        %dma_wait3A_361 = arith.constant 0 : i32
        %dma_wait3A_362 = tpu.memref_slice %arg7[%select_n3A_356, %dma_wait3A_361] : memref<3x128xi32, #tpu.memory_space<vmem>> -> memref<1x128xi32, #tpu.memory_space<vmem>>
        %dma_wait3A_363 = tpu.memref_squeeze %dma_wait3A_362 : memref<1x128xi32, #tpu.memory_space<vmem>> -> memref<128xi32, #tpu.memory_space<vmem>>
        %dma_wait3A_364 = arith.constant 0 : i32
        %dma_wait3A_365 = arith.constant 0 : i32
        %dma_wait3A_366 = tpu.memref_slice %arg9[%dma_wait3A_364, %dma_wait3A_365] : memref<10112x128xf32, #tpu.memory_space<vmem_shared>> -> memref<10112x128xf32, #tpu.memory_space<vmem_shared>>
        tpu.wait_indirect_dma semaphore(%arg11 : memref<!tpu.dma_semaphore, #tpu.memory_space<semaphore_mem>>) src(%dma_wait3A_360 : memref<128x128xf32, #tpu.memory_space<vmem>>) dst(%dma_wait3A_366 : memref<10112x128xf32, #tpu.memory_space<vmem_shared>>)
      } else {
      }
      %add3A_317 = arith.constant 2 : i32
      %add3A_318 = arith.addi %while3A_194, %add3A_317 : i32
      %lt3A_319 = arith.cmpi slt, %add3A_318, %add3A_4 : i32
      %convert_element_type3A_320 = arith.extui %lt3A_319 : i1 to i32
      %cond3A_321 = arith.constant 0 : i32
      %cond3A_322 = arith.cmpi ne, %convert_element_type3A_320, %cond3A_321 : i32
      scf.if %cond3A_322 {
        %add3A_323 = arith.constant 2 : i32
        %add3A_324 = arith.addi %while3A_194, %add3A_323 : i32
        %add3A_325 = arith.addi %add3A_8, %add3A_324 : i32
        %mul3A_326 = arith.constant 128 : i32
        %mul3A_327 = arith.muli %add3A_325, %mul3A_326 : i32
        %add3A_328 = arith.constant 320000 : i32
        %add3A_329 = arith.addi %add3A_328, %mul3A_327 : i32
        %add3A_330 = arith.constant 2 : i32
        %add3A_331 = arith.addi %while3A_194, %add3A_330 : i32
        %jit3A_332 = arith.constant 3 : i32
        %eq3A_333 = arith.constant 0 : i32
        %eq3A_334 = arith.cmpi eq, %jit3A_332, %eq3A_333 : i32
        %jit3A_335 = arith.constant 1 : i32
        %select_n3A_336 = arith.select %eq3A_334, %jit3A_335, %jit3A_332 : i32
        %rem3A_337 = arith.remsi %add3A_331, %select_n3A_336 : i32
        %ne3A_338 = arith.constant 0 : i32
        %ne3A_339 = arith.cmpi ne, %rem3A_337, %ne3A_338 : i32
        %lt3A_340 = arith.constant 0 : i32
        %lt3A_341 = arith.cmpi slt, %rem3A_337, %lt3A_340 : i32
        %lt3A_342 = arith.constant 0 : i32
        %lt3A_343 = arith.cmpi slt, %select_n3A_336, %lt3A_342 : i32
        %ne3A_344 = arith.xori %lt3A_341, %lt3A_343 : i1
        %and3A_345 = arith.andi %ne3A_344, %ne3A_339 : i1
        %add3A_346 = arith.addi %rem3A_337, %select_n3A_336 : i32
        %select_n3A_347 = arith.select %and3A_345, %add3A_346, %rem3A_337 : i32
        %dma_start3A_348 = arith.constant 0 : i32
        %dma_start3A_349 = tpu.memref_slice %arg7[%select_n3A_347, %dma_start3A_348] : memref<3x128xi32, #tpu.memory_space<vmem>> -> memref<1x128xi32, #tpu.memory_space<vmem>>
        %dma_start3A_350 = tpu.memref_squeeze %dma_start3A_349 : memref<1x128xi32, #tpu.memory_space<vmem>> -> memref<128xi32, #tpu.memory_space<vmem>>
        %dma_start3A_351 = tpu.memref_slice %arg3[%add3A_329] : memref<640000xi32, #tpu.memory_space<hbm>> -> memref<128xi32, #tpu.memory_space<hbm>>
        %dma_start3A_352 = arith.constant 0 : i32
        %dma_start3A_353 = tpu.memref_slice %arg7[%select_n3A_347, %dma_start3A_352] : memref<3x128xi32, #tpu.memory_space<vmem>> -> memref<1x128xi32, #tpu.memory_space<vmem>>
        %dma_start3A_354 = tpu.memref_squeeze %dma_start3A_353 : memref<1x128xi32, #tpu.memory_space<vmem>> -> memref<128xi32, #tpu.memory_space<vmem>>
        %dma_start3A_355 = tpu.memref_slice %arg3[%add3A_329] : memref<640000xi32, #tpu.memory_space<hbm>> -> memref<128xi32, #tpu.memory_space<hbm>>
        tpu.enqueue_dma source(%dma_start3A_355 : memref<128xi32, #tpu.memory_space<hbm>>) target(%dma_start3A_354 : memref<128xi32, #tpu.memory_space<vmem>>) target_semaphore(%arg13 : memref<!tpu.dma_semaphore, #tpu.memory_space<semaphore_mem>>)
        %add3A_356 = arith.constant 0 : i32
        %add3A_357 = arith.addi %add3A_8, %add3A_356 : i32
        %mul3A_358 = arith.constant 128 : i32
        %mul3A_359 = arith.muli %add3A_357, %mul3A_358 : i32
        %add3A_360 = arith.constant 2 : i32
        %add3A_361 = arith.addi %while3A_194, %add3A_360 : i32
        %jit3A_362 = arith.constant 4 : i32
        %eq3A_363 = arith.constant 0 : i32
        %eq3A_364 = arith.cmpi eq, %jit3A_362, %eq3A_363 : i32
        %jit3A_365 = arith.constant 1 : i32
        %select_n3A_366 = arith.select %eq3A_364, %jit3A_365, %jit3A_362 : i32
        %rem3A_367 = arith.remsi %add3A_361, %select_n3A_366 : i32
        %ne3A_368 = arith.constant 0 : i32
        %ne3A_369 = arith.cmpi ne, %rem3A_367, %ne3A_368 : i32
        %lt3A_370 = arith.constant 0 : i32
        %lt3A_371 = arith.cmpi slt, %rem3A_367, %lt3A_370 : i32
        %lt3A_372 = arith.constant 0 : i32
        %lt3A_373 = arith.cmpi slt, %select_n3A_366, %lt3A_372 : i32
        %ne3A_374 = arith.xori %lt3A_371, %lt3A_373 : i1
        %and3A_375 = arith.andi %ne3A_374, %ne3A_369 : i1
        %add3A_376 = arith.addi %rem3A_367, %select_n3A_366 : i32
        %select_n3A_377 = arith.select %and3A_375, %add3A_376, %rem3A_367 : i32
        %dma_wait3A_378 = arith.constant 0 : i32
        %dma_wait3A_379 = tpu.memref_slice %arg6[%select_n3A_377, %dma_wait3A_378] : memref<4x128xi32, #tpu.memory_space<vmem>> -> memref<1x128xi32, #tpu.memory_space<vmem>>
        %dma_wait3A_380 = tpu.memref_squeeze %dma_wait3A_379 : memref<1x128xi32, #tpu.memory_space<vmem>> -> memref<128xi32, #tpu.memory_space<vmem>>
        %dma_wait3A_381 = tpu.memref_slice %arg3[%mul3A_359] : memref<640000xi32, #tpu.memory_space<hbm>> -> memref<128xi32, #tpu.memory_space<hbm>>
        %dma_wait3A_382 = arith.constant 0 : i32
        %dma_wait3A_383 = tpu.memref_slice %arg6[%select_n3A_377, %dma_wait3A_382] : memref<4x128xi32, #tpu.memory_space<vmem>> -> memref<1x128xi32, #tpu.memory_space<vmem>>
        %dma_wait3A_384 = tpu.memref_squeeze %dma_wait3A_383 : memref<1x128xi32, #tpu.memory_space<vmem>> -> memref<128xi32, #tpu.memory_space<vmem>>
        %dma_wait3A_385 = tpu.memref_slice %arg3[%mul3A_359] : memref<640000xi32, #tpu.memory_space<hbm>> -> memref<128xi32, #tpu.memory_space<hbm>>
        tpu.wait_dma2 semaphore(%arg12 : memref<!tpu.dma_semaphore, #tpu.memory_space<semaphore_mem>>) src(%dma_wait3A_385 : memref<128xi32, #tpu.memory_space<hbm>>) dst(%dma_wait3A_384 : memref<128xi32, #tpu.memory_space<vmem>>)
        %add3A_386 = arith.constant 2 : i32
        %add3A_387 = arith.addi %while3A_194, %add3A_386 : i32
        %jit3A_388 = arith.constant 4 : i32
        %eq3A_389 = arith.constant 0 : i32
        %eq3A_390 = arith.cmpi eq, %jit3A_388, %eq3A_389 : i32
        %jit3A_391 = arith.constant 1 : i32
        %select_n3A_392 = arith.select %eq3A_390, %jit3A_391, %jit3A_388 : i32
        %rem3A_393 = arith.remsi %add3A_387, %select_n3A_392 : i32
        %ne3A_394 = arith.constant 0 : i32
        %ne3A_395 = arith.cmpi ne, %rem3A_393, %ne3A_394 : i32
        %lt3A_396 = arith.constant 0 : i32
        %lt3A_397 = arith.cmpi slt, %rem3A_393, %lt3A_396 : i32
        %lt3A_398 = arith.constant 0 : i32
        %lt3A_399 = arith.cmpi slt, %select_n3A_392, %lt3A_398 : i32
        %ne3A_400 = arith.xori %lt3A_397, %lt3A_399 : i1
        %and3A_401 = arith.andi %ne3A_400, %ne3A_395 : i1
        %add3A_402 = arith.addi %rem3A_393, %select_n3A_392 : i32
        %select_n3A_403 = arith.select %and3A_401, %add3A_402, %rem3A_393 : i32
        %add3A_404 = arith.constant 2 : i32
        %add3A_405 = arith.addi %while3A_194, %add3A_404 : i32
        %jit3A_406 = arith.constant 3 : i32
        %eq3A_407 = arith.constant 0 : i32
        %eq3A_408 = arith.cmpi eq, %jit3A_406, %eq3A_407 : i32
        %jit3A_409 = arith.constant 1 : i32
        %select_n3A_410 = arith.select %eq3A_408, %jit3A_409, %jit3A_406 : i32
        %rem3A_411 = arith.remsi %add3A_405, %select_n3A_410 : i32
        %ne3A_412 = arith.constant 0 : i32
        %ne3A_413 = arith.cmpi ne, %rem3A_411, %ne3A_412 : i32
        %lt3A_414 = arith.constant 0 : i32
        %lt3A_415 = arith.cmpi slt, %rem3A_411, %lt3A_414 : i32
        %lt3A_416 = arith.constant 0 : i32
        %lt3A_417 = arith.cmpi slt, %select_n3A_410, %lt3A_416 : i32
        %ne3A_418 = arith.xori %lt3A_415, %lt3A_417 : i1
        %and3A_419 = arith.andi %ne3A_418, %ne3A_413 : i1
        %add3A_420 = arith.addi %rem3A_411, %select_n3A_410 : i32
        %select_n3A_421 = arith.select %and3A_419, %add3A_420, %rem3A_411 : i32
        %dma_start3A_422 = arith.constant 0 : i32
        %dma_start3A_423 = arith.constant 0 : i32
        %dma_start3A_424 = tpu.memref_slice %arg8[%select_n3A_421, %dma_start3A_422, %dma_start3A_423] : memref<3x128x128xf32, #tpu.memory_space<vmem>> -> memref<1x128x128xf32, #tpu.memory_space<vmem>>
        %dma_start3A_425 = tpu.memref_squeeze %dma_start3A_424 : memref<1x128x128xf32, #tpu.memory_space<vmem>> -> memref<128x128xf32, #tpu.memory_space<vmem>>
        %dma_start3A_426 = arith.constant 0 : i32
        %dma_start3A_427 = tpu.memref_slice %arg6[%select_n3A_403, %dma_start3A_426] : memref<4x128xi32, #tpu.memory_space<vmem>> -> memref<1x128xi32, #tpu.memory_space<vmem>>
        %dma_start3A_428 = tpu.memref_squeeze %dma_start3A_427 : memref<1x128xi32, #tpu.memory_space<vmem>> -> memref<128xi32, #tpu.memory_space<vmem>>
        %dma_start3A_429 = arith.constant 0 : i32
        %dma_start3A_430 = arith.constant 0 : i32
        %dma_start3A_431 = tpu.memref_slice %arg2[%dma_start3A_429, %dma_start3A_430] : memref<10000x128xf32, #tpu.memory_space<hbm>> -> memref<10000x128xf32, #tpu.memory_space<hbm>>
        tpu.enqueue_indirect_dma source(%dma_start3A_431 : memref<10000x128xf32, #tpu.memory_space<hbm>>) target(%dma_start3A_425 : memref<128x128xf32, #tpu.memory_space<vmem>>) offsets(%dma_start3A_428 : memref<128xi32, #tpu.memory_space<vmem>>) semaphore(%arg10 : memref<!tpu.dma_semaphore, #tpu.memory_space<semaphore_mem>>)
      } else {
      }
    }
    %while3A_149 = arith.constant 1 : i32
    scf.for %while3A_194 = %while3A_147 to %while3A_143 step %while3A_149  : i32 {
      %add3A_195 = arith.constant 0 : i32
      %add3A_196 = arith.addi %add3A_8, %add3A_195 : i32
      %mul3A_197 = arith.constant 128 : i32
      %mul3A_198 = arith.muli %add3A_196, %mul3A_197 : i32
      %add3A_199 = arith.constant 320000 : i32
      %add3A_200 = arith.addi %add3A_199, %mul3A_198 : i32
      %jit3A_201 = arith.constant 3 : i32
      %eq3A_202 = arith.constant 0 : i32
      %eq3A_203 = arith.cmpi eq, %jit3A_201, %eq3A_202 : i32
      %jit3A_204 = arith.constant 1 : i32
      %select_n3A_205 = arith.select %eq3A_203, %jit3A_204, %jit3A_201 : i32
      %rem3A_206 = arith.remsi %while3A_194, %select_n3A_205 : i32
      %ne3A_207 = arith.constant 0 : i32
      %ne3A_208 = arith.cmpi ne, %rem3A_206, %ne3A_207 : i32
      %lt3A_209 = arith.constant 0 : i32
      %lt3A_210 = arith.cmpi slt, %rem3A_206, %lt3A_209 : i32
      %lt3A_211 = arith.constant 0 : i32
      %lt3A_212 = arith.cmpi slt, %select_n3A_205, %lt3A_211 : i32
      %ne3A_213 = arith.xori %lt3A_210, %lt3A_212 : i1
      %and3A_214 = arith.andi %ne3A_213, %ne3A_208 : i1
      %add3A_215 = arith.addi %rem3A_206, %select_n3A_205 : i32
      %select_n3A_216 = arith.select %and3A_214, %add3A_215, %rem3A_206 : i32
      %dma_wait3A_217 = arith.constant 0 : i32
      %dma_wait3A_218 = tpu.memref_slice %arg7[%select_n3A_216, %dma_wait3A_217] : memref<3x128xi32, #tpu.memory_space<vmem>> -> memref<1x128xi32, #tpu.memory_space<vmem>>
      %dma_wait3A_219 = tpu.memref_squeeze %dma_wait3A_218 : memref<1x128xi32, #tpu.memory_space<vmem>> -> memref<128xi32, #tpu.memory_space<vmem>>
      %dma_wait3A_220 = tpu.memref_slice %arg3[%add3A_200] : memref<640000xi32, #tpu.memory_space<hbm>> -> memref<128xi32, #tpu.memory_space<hbm>>
      %dma_wait3A_221 = arith.constant 0 : i32
      %dma_wait3A_222 = tpu.memref_slice %arg7[%select_n3A_216, %dma_wait3A_221] : memref<3x128xi32, #tpu.memory_space<vmem>> -> memref<1x128xi32, #tpu.memory_space<vmem>>
      %dma_wait3A_223 = tpu.memref_squeeze %dma_wait3A_222 : memref<1x128xi32, #tpu.memory_space<vmem>> -> memref<128xi32, #tpu.memory_space<vmem>>
      %dma_wait3A_224 = tpu.memref_slice %arg3[%add3A_200] : memref<640000xi32, #tpu.memory_space<hbm>> -> memref<128xi32, #tpu.memory_space<hbm>>
      tpu.wait_dma2 semaphore(%arg13 : memref<!tpu.dma_semaphore, #tpu.memory_space<semaphore_mem>>) src(%dma_wait3A_224 : memref<128xi32, #tpu.memory_space<hbm>>) dst(%dma_wait3A_223 : memref<128xi32, #tpu.memory_space<vmem>>)
      %jit3A_225 = arith.constant 4 : i32
      %eq3A_226 = arith.constant 0 : i32
      %eq3A_227 = arith.cmpi eq, %jit3A_225, %eq3A_226 : i32
      %jit3A_228 = arith.constant 1 : i32
      %select_n3A_229 = arith.select %eq3A_227, %jit3A_228, %jit3A_225 : i32
      %rem3A_230 = arith.remsi %while3A_194, %select_n3A_229 : i32
      %ne3A_231 = arith.constant 0 : i32
      %ne3A_232 = arith.cmpi ne, %rem3A_230, %ne3A_231 : i32
      %lt3A_233 = arith.constant 0 : i32
      %lt3A_234 = arith.cmpi slt, %rem3A_230, %lt3A_233 : i32
      %lt3A_235 = arith.constant 0 : i32
      %lt3A_236 = arith.cmpi slt, %select_n3A_229, %lt3A_235 : i32
      %ne3A_237 = arith.xori %lt3A_234, %lt3A_236 : i1
      %and3A_238 = arith.andi %ne3A_237, %ne3A_232 : i1
      %add3A_239 = arith.addi %rem3A_230, %select_n3A_229 : i32
      %select_n3A_240 = arith.select %and3A_238, %add3A_239, %rem3A_230 : i32
      %jit3A_241 = arith.constant 3 : i32
      %eq3A_242 = arith.constant 0 : i32
      %eq3A_243 = arith.cmpi eq, %jit3A_241, %eq3A_242 : i32
      %jit3A_244 = arith.constant 1 : i32
      %select_n3A_245 = arith.select %eq3A_243, %jit3A_244, %jit3A_241 : i32
      %rem3A_246 = arith.remsi %while3A_194, %select_n3A_245 : i32
      %ne3A_247 = arith.constant 0 : i32
      %ne3A_248 = arith.cmpi ne, %rem3A_246, %ne3A_247 : i32
      %lt3A_249 = arith.constant 0 : i32
      %lt3A_250 = arith.cmpi slt, %rem3A_246, %lt3A_249 : i32
      %lt3A_251 = arith.constant 0 : i32
      %lt3A_252 = arith.cmpi slt, %select_n3A_245, %lt3A_251 : i32
      %ne3A_253 = arith.xori %lt3A_250, %lt3A_252 : i1
      %and3A_254 = arith.andi %ne3A_253, %ne3A_248 : i1
      %add3A_255 = arith.addi %rem3A_246, %select_n3A_245 : i32
      %select_n3A_256 = arith.select %and3A_254, %add3A_255, %rem3A_246 : i32
      %dma_wait3A_257 = arith.constant 0 : i32
      %dma_wait3A_258 = arith.constant 0 : i32
      %dma_wait3A_259 = tpu.memref_slice %arg8[%select_n3A_256, %dma_wait3A_257, %dma_wait3A_258] : memref<3x128x128xf32, #tpu.memory_space<vmem>> -> memref<1x128x128xf32, #tpu.memory_space<vmem>>
      %dma_wait3A_260 = tpu.memref_squeeze %dma_wait3A_259 : memref<1x128x128xf32, #tpu.memory_space<vmem>> -> memref<128x128xf32, #tpu.memory_space<vmem>>
      %dma_wait3A_261 = arith.constant 0 : i32
      %dma_wait3A_262 = tpu.memref_slice %arg6[%select_n3A_240, %dma_wait3A_261] : memref<4x128xi32, #tpu.memory_space<vmem>> -> memref<1x128xi32, #tpu.memory_space<vmem>>
      %dma_wait3A_263 = tpu.memref_squeeze %dma_wait3A_262 : memref<1x128xi32, #tpu.memory_space<vmem>> -> memref<128xi32, #tpu.memory_space<vmem>>
      %dma_wait3A_264 = arith.constant 0 : i32
      %dma_wait3A_265 = arith.constant 0 : i32
      %dma_wait3A_266 = tpu.memref_slice %arg2[%dma_wait3A_264, %dma_wait3A_265] : memref<10000x128xf32, #tpu.memory_space<hbm>> -> memref<10000x128xf32, #tpu.memory_space<hbm>>
      tpu.wait_indirect_dma semaphore(%arg10 : memref<!tpu.dma_semaphore, #tpu.memory_space<semaphore_mem>>) src(%dma_wait3A_266 : memref<10000x128xf32, #tpu.memory_space<hbm>>) dst(%dma_wait3A_260 : memref<128x128xf32, #tpu.memory_space<vmem>>)
      %jit3A_267 = arith.constant 3 : i32
      %eq3A_268 = arith.constant 0 : i32
      %eq3A_269 = arith.cmpi eq, %jit3A_267, %eq3A_268 : i32
      %jit3A_270 = arith.constant 1 : i32
      %select_n3A_271 = arith.select %eq3A_269, %jit3A_270, %jit3A_267 : i32
      %rem3A_272 = arith.remsi %while3A_194, %select_n3A_271 : i32
      %ne3A_273 = arith.constant 0 : i32
      %ne3A_274 = arith.cmpi ne, %rem3A_272, %ne3A_273 : i32
      %lt3A_275 = arith.constant 0 : i32
      %lt3A_276 = arith.cmpi slt, %rem3A_272, %lt3A_275 : i32
      %lt3A_277 = arith.constant 0 : i32
      %lt3A_278 = arith.cmpi slt, %select_n3A_271, %lt3A_277 : i32
      %ne3A_279 = arith.xori %lt3A_276, %lt3A_278 : i1
      %and3A_280 = arith.andi %ne3A_279, %ne3A_274 : i1
      %add3A_281 = arith.addi %rem3A_272, %select_n3A_271 : i32
      %select_n3A_282 = arith.select %and3A_280, %add3A_281, %rem3A_272 : i32
      %jit3A_283 = arith.constant 3 : i32
      %eq3A_284 = arith.constant 0 : i32
      %eq3A_285 = arith.cmpi eq, %jit3A_283, %eq3A_284 : i32
      %jit3A_286 = arith.constant 1 : i32
      %select_n3A_287 = arith.select %eq3A_285, %jit3A_286, %jit3A_283 : i32
      %rem3A_288 = arith.remsi %while3A_194, %select_n3A_287 : i32
      %ne3A_289 = arith.constant 0 : i32
      %ne3A_290 = arith.cmpi ne, %rem3A_288, %ne3A_289 : i32
      %lt3A_291 = arith.constant 0 : i32
      %lt3A_292 = arith.cmpi slt, %rem3A_288, %lt3A_291 : i32
      %lt3A_293 = arith.constant 0 : i32
      %lt3A_294 = arith.cmpi slt, %select_n3A_287, %lt3A_293 : i32
      %ne3A_295 = arith.xori %lt3A_292, %lt3A_294 : i1
      %and3A_296 = arith.andi %ne3A_295, %ne3A_290 : i1
      %add3A_297 = arith.addi %rem3A_288, %select_n3A_287 : i32
      %select_n3A_298 = arith.select %and3A_296, %add3A_297, %rem3A_288 : i32
      %dma_start3A_299 = arith.constant 0 : i32
      %dma_start3A_300 = arith.constant 0 : i32
      %dma_start3A_301 = tpu.memref_slice %arg8[%select_n3A_282, %dma_start3A_299, %dma_start3A_300] : memref<3x128x128xf32, #tpu.memory_space<vmem>> -> memref<1x128x128xf32, #tpu.memory_space<vmem>>
      %dma_start3A_302 = tpu.memref_squeeze %dma_start3A_301 : memref<1x128x128xf32, #tpu.memory_space<vmem>> -> memref<128x128xf32, #tpu.memory_space<vmem>>
      %dma_start3A_303 = arith.constant 0 : i32
      %dma_start3A_304 = tpu.memref_slice %arg7[%select_n3A_298, %dma_start3A_303] : memref<3x128xi32, #tpu.memory_space<vmem>> -> memref<1x128xi32, #tpu.memory_space<vmem>>
      %dma_start3A_305 = tpu.memref_squeeze %dma_start3A_304 : memref<1x128xi32, #tpu.memory_space<vmem>> -> memref<128xi32, #tpu.memory_space<vmem>>
      %dma_start3A_306 = arith.constant 0 : i32
      %dma_start3A_307 = arith.constant 0 : i32
      %dma_start3A_308 = tpu.memref_slice %arg9[%dma_start3A_306, %dma_start3A_307] : memref<10112x128xf32, #tpu.memory_space<vmem_shared>> -> memref<10112x128xf32, #tpu.memory_space<vmem_shared>>
      tpu.enqueue_indirect_dma source(%dma_start3A_302 : memref<128x128xf32, #tpu.memory_space<vmem>>) target(%dma_start3A_308 : memref<10112x128xf32, #tpu.memory_space<vmem_shared>>) offsets(%dma_start3A_305 : memref<128xi32, #tpu.memory_space<vmem>>) semaphore(%arg11 : memref<!tpu.dma_semaphore, #tpu.memory_space<semaphore_mem>>) {add = true}
      %add3A_309 = arith.constant 4 : i32
      %add3A_310 = arith.addi %while3A_194, %add3A_309 : i32
      %lt3A_311 = arith.cmpi slt, %add3A_310, %add3A_4 : i32
      %convert_element_type3A = arith.extui %lt3A_311 : i1 to i32
      %cond3A = arith.constant 0 : i32
      %cond3A_312 = arith.cmpi ne, %convert_element_type3A, %cond3A : i32
      scf.if %cond3A_312 {
        %add3A_323 = arith.constant 4 : i32
        %add3A_324 = arith.addi %while3A_194, %add3A_323 : i32
        %add3A_325 = arith.addi %add3A_8, %add3A_324 : i32
        %mul3A_326 = arith.constant 128 : i32
        %mul3A_327 = arith.muli %add3A_325, %mul3A_326 : i32
        %jit3A_328 = arith.constant 4 : i32
        %eq3A_329 = arith.constant 0 : i32
        %eq3A_330 = arith.cmpi eq, %jit3A_328, %eq3A_329 : i32
        %jit3A_331 = arith.constant 1 : i32
        %select_n3A_332 = arith.select %eq3A_330, %jit3A_331, %jit3A_328 : i32
        %rem3A_333 = arith.remsi %while3A_194, %select_n3A_332 : i32
        %ne3A_334 = arith.constant 0 : i32
        %ne3A_335 = arith.cmpi ne, %rem3A_333, %ne3A_334 : i32
        %lt3A_336 = arith.constant 0 : i32
        %lt3A_337 = arith.cmpi slt, %rem3A_333, %lt3A_336 : i32
        %lt3A_338 = arith.constant 0 : i32
        %lt3A_339 = arith.cmpi slt, %select_n3A_332, %lt3A_338 : i32
        %ne3A_340 = arith.xori %lt3A_337, %lt3A_339 : i1
        %and3A_341 = arith.andi %ne3A_340, %ne3A_335 : i1
        %add3A_342 = arith.addi %rem3A_333, %select_n3A_332 : i32
        %select_n3A_343 = arith.select %and3A_341, %add3A_342, %rem3A_333 : i32
        %dma_start3A_344 = arith.constant 0 : i32
        %dma_start3A_345 = tpu.memref_slice %arg6[%select_n3A_343, %dma_start3A_344] : memref<4x128xi32, #tpu.memory_space<vmem>> -> memref<1x128xi32, #tpu.memory_space<vmem>>
        %dma_start3A_346 = tpu.memref_squeeze %dma_start3A_345 : memref<1x128xi32, #tpu.memory_space<vmem>> -> memref<128xi32, #tpu.memory_space<vmem>>
        %dma_start3A_347 = tpu.memref_slice %arg3[%mul3A_327] : memref<640000xi32, #tpu.memory_space<hbm>> -> memref<128xi32, #tpu.memory_space<hbm>>
        %dma_start3A_348 = arith.constant 0 : i32
        %dma_start3A_349 = tpu.memref_slice %arg6[%select_n3A_343, %dma_start3A_348] : memref<4x128xi32, #tpu.memory_space<vmem>> -> memref<1x128xi32, #tpu.memory_space<vmem>>
        %dma_start3A_350 = tpu.memref_squeeze %dma_start3A_349 : memref<1x128xi32, #tpu.memory_space<vmem>> -> memref<128xi32, #tpu.memory_space<vmem>>
        %dma_start3A_351 = tpu.memref_slice %arg3[%mul3A_327] : memref<640000xi32, #tpu.memory_space<hbm>> -> memref<128xi32, #tpu.memory_space<hbm>>
        tpu.enqueue_dma source(%dma_start3A_351 : memref<128xi32, #tpu.memory_space<hbm>>) target(%dma_start3A_350 : memref<128xi32, #tpu.memory_space<vmem>>) target_semaphore(%arg12 : memref<!tpu.dma_semaphore, #tpu.memory_space<semaphore_mem>>)
      } else {
      }
      %ge3A = arith.constant 1 : i32
      %ge3A_313 = arith.cmpi sge, %while3A_194, %ge3A : i32
      %convert_element_type3A_314 = arith.extui %ge3A_313 : i1 to i32
      %cond3A_315 = arith.constant 0 : i32
      %cond3A_316 = arith.cmpi ne, %convert_element_type3A_314, %cond3A_315 : i32
      scf.if %cond3A_316 {
        %sub3A_323 = arith.constant 1 : i32
        %sub3A_324 = arith.subi %while3A_194, %sub3A_323 : i32
        %jit3A_325 = arith.constant 3 : i32
        %eq3A_326 = arith.constant 0 : i32
        %eq3A_327 = arith.cmpi eq, %jit3A_325, %eq3A_326 : i32
        %jit3A_328 = arith.constant 1 : i32
        %select_n3A_329 = arith.select %eq3A_327, %jit3A_328, %jit3A_325 : i32
        %rem3A_330 = arith.remsi %sub3A_324, %select_n3A_329 : i32
        %ne3A_331 = arith.constant 0 : i32
        %ne3A_332 = arith.cmpi ne, %rem3A_330, %ne3A_331 : i32
        %lt3A_333 = arith.constant 0 : i32
        %lt3A_334 = arith.cmpi slt, %rem3A_330, %lt3A_333 : i32
        %lt3A_335 = arith.constant 0 : i32
        %lt3A_336 = arith.cmpi slt, %select_n3A_329, %lt3A_335 : i32
        %ne3A_337 = arith.xori %lt3A_334, %lt3A_336 : i1
        %and3A_338 = arith.andi %ne3A_337, %ne3A_332 : i1
        %add3A_339 = arith.addi %rem3A_330, %select_n3A_329 : i32
        %select_n3A_340 = arith.select %and3A_338, %add3A_339, %rem3A_330 : i32
        %jit3A_341 = arith.constant 3 : i32
        %eq3A_342 = arith.constant 0 : i32
        %eq3A_343 = arith.cmpi eq, %jit3A_341, %eq3A_342 : i32
        %jit3A_344 = arith.constant 1 : i32
        %select_n3A_345 = arith.select %eq3A_343, %jit3A_344, %jit3A_341 : i32
        %rem3A_346 = arith.remsi %sub3A_324, %select_n3A_345 : i32
        %ne3A_347 = arith.constant 0 : i32
        %ne3A_348 = arith.cmpi ne, %rem3A_346, %ne3A_347 : i32
        %lt3A_349 = arith.constant 0 : i32
        %lt3A_350 = arith.cmpi slt, %rem3A_346, %lt3A_349 : i32
        %lt3A_351 = arith.constant 0 : i32
        %lt3A_352 = arith.cmpi slt, %select_n3A_345, %lt3A_351 : i32
        %ne3A_353 = arith.xori %lt3A_350, %lt3A_352 : i1
        %and3A_354 = arith.andi %ne3A_353, %ne3A_348 : i1
        %add3A_355 = arith.addi %rem3A_346, %select_n3A_345 : i32
        %select_n3A_356 = arith.select %and3A_354, %add3A_355, %rem3A_346 : i32
        %dma_wait3A_357 = arith.constant 0 : i32
        %dma_wait3A_358 = arith.constant 0 : i32
        %dma_wait3A_359 = tpu.memref_slice %arg8[%select_n3A_340, %dma_wait3A_357, %dma_wait3A_358] : memref<3x128x128xf32, #tpu.memory_space<vmem>> -> memref<1x128x128xf32, #tpu.memory_space<vmem>>
        %dma_wait3A_360 = tpu.memref_squeeze %dma_wait3A_359 : memref<1x128x128xf32, #tpu.memory_space<vmem>> -> memref<128x128xf32, #tpu.memory_space<vmem>>
        %dma_wait3A_361 = arith.constant 0 : i32
        %dma_wait3A_362 = tpu.memref_slice %arg7[%select_n3A_356, %dma_wait3A_361] : memref<3x128xi32, #tpu.memory_space<vmem>> -> memref<1x128xi32, #tpu.memory_space<vmem>>
        %dma_wait3A_363 = tpu.memref_squeeze %dma_wait3A_362 : memref<1x128xi32, #tpu.memory_space<vmem>> -> memref<128xi32, #tpu.memory_space<vmem>>
        %dma_wait3A_364 = arith.constant 0 : i32
        %dma_wait3A_365 = arith.constant 0 : i32
        %dma_wait3A_366 = tpu.memref_slice %arg9[%dma_wait3A_364, %dma_wait3A_365] : memref<10112x128xf32, #tpu.memory_space<vmem_shared>> -> memref<10112x128xf32, #tpu.memory_space<vmem_shared>>
        tpu.wait_indirect_dma semaphore(%arg11 : memref<!tpu.dma_semaphore, #tpu.memory_space<semaphore_mem>>) src(%dma_wait3A_360 : memref<128x128xf32, #tpu.memory_space<vmem>>) dst(%dma_wait3A_366 : memref<10112x128xf32, #tpu.memory_space<vmem_shared>>)
      } else {
      }
      %add3A_317 = arith.constant 2 : i32
      %add3A_318 = arith.addi %while3A_194, %add3A_317 : i32
      %lt3A_319 = arith.cmpi slt, %add3A_318, %add3A_4 : i32
      %convert_element_type3A_320 = arith.extui %lt3A_319 : i1 to i32
      %cond3A_321 = arith.constant 0 : i32
      %cond3A_322 = arith.cmpi ne, %convert_element_type3A_320, %cond3A_321 : i32
      scf.if %cond3A_322 {
        %add3A_323 = arith.constant 2 : i32
        %add3A_324 = arith.addi %while3A_194, %add3A_323 : i32
        %add3A_325 = arith.addi %add3A_8, %add3A_324 : i32
        %mul3A_326 = arith.constant 128 : i32
        %mul3A_327 = arith.muli %add3A_325, %mul3A_326 : i32
        %add3A_328 = arith.constant 320000 : i32
        %add3A_329 = arith.addi %add3A_328, %mul3A_327 : i32
        %add3A_330 = arith.constant 2 : i32
        %add3A_331 = arith.addi %while3A_194, %add3A_330 : i32
        %jit3A_332 = arith.constant 3 : i32
        %eq3A_333 = arith.constant 0 : i32
        %eq3A_334 = arith.cmpi eq, %jit3A_332, %eq3A_333 : i32
        %jit3A_335 = arith.constant 1 : i32
        %select_n3A_336 = arith.select %eq3A_334, %jit3A_335, %jit3A_332 : i32
        %rem3A_337 = arith.remsi %add3A_331, %select_n3A_336 : i32
        %ne3A_338 = arith.constant 0 : i32
        %ne3A_339 = arith.cmpi ne, %rem3A_337, %ne3A_338 : i32
        %lt3A_340 = arith.constant 0 : i32
        %lt3A_341 = arith.cmpi slt, %rem3A_337, %lt3A_340 : i32
        %lt3A_342 = arith.constant 0 : i32
        %lt3A_343 = arith.cmpi slt, %select_n3A_336, %lt3A_342 : i32
        %ne3A_344 = arith.xori %lt3A_341, %lt3A_343 : i1
        %and3A_345 = arith.andi %ne3A_344, %ne3A_339 : i1
        %add3A_346 = arith.addi %rem3A_337, %select_n3A_336 : i32
        %select_n3A_347 = arith.select %and3A_345, %add3A_346, %rem3A_337 : i32
        %dma_start3A_348 = arith.constant 0 : i32
        %dma_start3A_349 = tpu.memref_slice %arg7[%select_n3A_347, %dma_start3A_348] : memref<3x128xi32, #tpu.memory_space<vmem>> -> memref<1x128xi32, #tpu.memory_space<vmem>>
        %dma_start3A_350 = tpu.memref_squeeze %dma_start3A_349 : memref<1x128xi32, #tpu.memory_space<vmem>> -> memref<128xi32, #tpu.memory_space<vmem>>
        %dma_start3A_351 = tpu.memref_slice %arg3[%add3A_329] : memref<640000xi32, #tpu.memory_space<hbm>> -> memref<128xi32, #tpu.memory_space<hbm>>
        %dma_start3A_352 = arith.constant 0 : i32
        %dma_start3A_353 = tpu.memref_slice %arg7[%select_n3A_347, %dma_start3A_352] : memref<3x128xi32, #tpu.memory_space<vmem>> -> memref<1x128xi32, #tpu.memory_space<vmem>>
        %dma_start3A_354 = tpu.memref_squeeze %dma_start3A_353 : memref<1x128xi32, #tpu.memory_space<vmem>> -> memref<128xi32, #tpu.memory_space<vmem>>
        %dma_start3A_355 = tpu.memref_slice %arg3[%add3A_329] : memref<640000xi32, #tpu.memory_space<hbm>> -> memref<128xi32, #tpu.memory_space<hbm>>
        tpu.enqueue_dma source(%dma_start3A_355 : memref<128xi32, #tpu.memory_space<hbm>>) target(%dma_start3A_354 : memref<128xi32, #tpu.memory_space<vmem>>) target_semaphore(%arg13 : memref<!tpu.dma_semaphore, #tpu.memory_space<semaphore_mem>>)
        %add3A_356 = arith.constant 0 : i32
        %add3A_357 = arith.addi %add3A_8, %add3A_356 : i32
        %mul3A_358 = arith.constant 128 : i32
        %mul3A_359 = arith.muli %add3A_357, %mul3A_358 : i32
        %add3A_360 = arith.constant 2 : i32
        %add3A_361 = arith.addi %while3A_194, %add3A_360 : i32
        %jit3A_362 = arith.constant 4 : i32
        %eq3A_363 = arith.constant 0 : i32
        %eq3A_364 = arith.cmpi eq, %jit3A_362, %eq3A_363 : i32
        %jit3A_365 = arith.constant 1 : i32
        %select_n3A_366 = arith.select %eq3A_364, %jit3A_365, %jit3A_362 : i32
        %rem3A_367 = arith.remsi %add3A_361, %select_n3A_366 : i32
        %ne3A_368 = arith.constant 0 : i32
        %ne3A_369 = arith.cmpi ne, %rem3A_367, %ne3A_368 : i32
        %lt3A_370 = arith.constant 0 : i32
        %lt3A_371 = arith.cmpi slt, %rem3A_367, %lt3A_370 : i32
        %lt3A_372 = arith.constant 0 : i32
        %lt3A_373 = arith.cmpi slt, %select_n3A_366, %lt3A_372 : i32
        %ne3A_374 = arith.xori %lt3A_371, %lt3A_373 : i1
        %and3A_375 = arith.andi %ne3A_374, %ne3A_369 : i1
        %add3A_376 = arith.addi %rem3A_367, %select_n3A_366 : i32
        %select_n3A_377 = arith.select %and3A_375, %add3A_376, %rem3A_367 : i32
        %dma_wait3A_378 = arith.constant 0 : i32
        %dma_wait3A_379 = tpu.memref_slice %arg6[%select_n3A_377, %dma_wait3A_378] : memref<4x128xi32, #tpu.memory_space<vmem>> -> memref<1x128xi32, #tpu.memory_space<vmem>>
        %dma_wait3A_380 = tpu.memref_squeeze %dma_wait3A_379 : memref<1x128xi32, #tpu.memory_space<vmem>> -> memref<128xi32, #tpu.memory_space<vmem>>
        %dma_wait3A_381 = tpu.memref_slice %arg3[%mul3A_359] : memref<640000xi32, #tpu.memory_space<hbm>> -> memref<128xi32, #tpu.memory_space<hbm>>
        %dma_wait3A_382 = arith.constant 0 : i32
        %dma_wait3A_383 = tpu.memref_slice %arg6[%select_n3A_377, %dma_wait3A_382] : memref<4x128xi32, #tpu.memory_space<vmem>> -> memref<1x128xi32, #tpu.memory_space<vmem>>
        %dma_wait3A_384 = tpu.memref_squeeze %dma_wait3A_383 : memref<1x128xi32, #tpu.memory_space<vmem>> -> memref<128xi32, #tpu.memory_space<vmem>>
        %dma_wait3A_385 = tpu.memref_slice %arg3[%mul3A_359] : memref<640000xi32, #tpu.memory_space<hbm>> -> memref<128xi32, #tpu.memory_space<hbm>>
        tpu.wait_dma2 semaphore(%arg12 : memref<!tpu.dma_semaphore, #tpu.memory_space<semaphore_mem>>) src(%dma_wait3A_385 : memref<128xi32, #tpu.memory_space<hbm>>) dst(%dma_wait3A_384 : memref<128xi32, #tpu.memory_space<vmem>>)
        %add3A_386 = arith.constant 2 : i32
        %add3A_387 = arith.addi %while3A_194, %add3A_386 : i32
        %jit3A_388 = arith.constant 4 : i32
        %eq3A_389 = arith.constant 0 : i32
        %eq3A_390 = arith.cmpi eq, %jit3A_388, %eq3A_389 : i32
        %jit3A_391 = arith.constant 1 : i32
        %select_n3A_392 = arith.select %eq3A_390, %jit3A_391, %jit3A_388 : i32
        %rem3A_393 = arith.remsi %add3A_387, %select_n3A_392 : i32
        %ne3A_394 = arith.constant 0 : i32
        %ne3A_395 = arith.cmpi ne, %rem3A_393, %ne3A_394 : i32
        %lt3A_396 = arith.constant 0 : i32
        %lt3A_397 = arith.cmpi slt, %rem3A_393, %lt3A_396 : i32
        %lt3A_398 = arith.constant 0 : i32
        %lt3A_399 = arith.cmpi slt, %select_n3A_392, %lt3A_398 : i32
        %ne3A_400 = arith.xori %lt3A_397, %lt3A_399 : i1
        %and3A_401 = arith.andi %ne3A_400, %ne3A_395 : i1
        %add3A_402 = arith.addi %rem3A_393, %select_n3A_392 : i32
        %select_n3A_403 = arith.select %and3A_401, %add3A_402, %rem3A_393 : i32
        %add3A_404 = arith.constant 2 : i32
        %add3A_405 = arith.addi %while3A_194, %add3A_404 : i32
        %jit3A_406 = arith.constant 3 : i32
        %eq3A_407 = arith.constant 0 : i32
        %eq3A_408 = arith.cmpi eq, %jit3A_406, %eq3A_407 : i32
        %jit3A_409 = arith.constant 1 : i32
        %select_n3A_410 = arith.select %eq3A_408, %jit3A_409, %jit3A_406 : i32
        %rem3A_411 = arith.remsi %add3A_405, %select_n3A_410 : i32
        %ne3A_412 = arith.constant 0 : i32
        %ne3A_413 = arith.cmpi ne, %rem3A_411, %ne3A_412 : i32
        %lt3A_414 = arith.constant 0 : i32
        %lt3A_415 = arith.cmpi slt, %rem3A_411, %lt3A_414 : i32
        %lt3A_416 = arith.constant 0 : i32
        %lt3A_417 = arith.cmpi slt, %select_n3A_410, %lt3A_416 : i32
        %ne3A_418 = arith.xori %lt3A_415, %lt3A_417 : i1
        %and3A_419 = arith.andi %ne3A_418, %ne3A_413 : i1
        %add3A_420 = arith.addi %rem3A_411, %select_n3A_410 : i32
        %select_n3A_421 = arith.select %and3A_419, %add3A_420, %rem3A_411 : i32
        %dma_start3A_422 = arith.constant 0 : i32
        %dma_start3A_423 = arith.constant 0 : i32
        %dma_start3A_424 = tpu.memref_slice %arg8[%select_n3A_421, %dma_start3A_422, %dma_start3A_423] : memref<3x128x128xf32, #tpu.memory_space<vmem>> -> memref<1x128x128xf32, #tpu.memory_space<vmem>>
        %dma_start3A_425 = tpu.memref_squeeze %dma_start3A_424 : memref<1x128x128xf32, #tpu.memory_space<vmem>> -> memref<128x128xf32, #tpu.memory_space<vmem>>
        %dma_start3A_426 = arith.constant 0 : i32
        %dma_start3A_427 = tpu.memref_slice %arg6[%select_n3A_403, %dma_start3A_426] : memref<4x128xi32, #tpu.memory_space<vmem>> -> memref<1x128xi32, #tpu.memory_space<vmem>>
        %dma_start3A_428 = tpu.memref_squeeze %dma_start3A_427 : memref<1x128xi32, #tpu.memory_space<vmem>> -> memref<128xi32, #tpu.memory_space<vmem>>
        %dma_start3A_429 = arith.constant 0 : i32
        %dma_start3A_430 = arith.constant 0 : i32
        %dma_start3A_431 = tpu.memref_slice %arg2[%dma_start3A_429, %dma_start3A_430] : memref<10000x128xf32, #tpu.memory_space<hbm>> -> memref<10000x128xf32, #tpu.memory_space<hbm>>
        tpu.enqueue_indirect_dma source(%dma_start3A_431 : memref<10000x128xf32, #tpu.memory_space<hbm>>) target(%dma_start3A_425 : memref<128x128xf32, #tpu.memory_space<vmem>>) offsets(%dma_start3A_428 : memref<128xi32, #tpu.memory_space<vmem>>) semaphore(%arg10 : memref<!tpu.dma_semaphore, #tpu.memory_space<semaphore_mem>>)
      } else {
      }
    }
    %sub3A = arith.constant 1 : i32
    %sub3A_150 = arith.subi %add3A_4, %sub3A : i32
    %jit3A_151 = arith.constant 3 : i32
    %eq3A = arith.constant 0 : i32
    %eq3A_152 = arith.cmpi eq, %jit3A_151, %eq3A : i32
    %jit3A_153 = arith.constant 1 : i32
    %select_n3A_154 = arith.select %eq3A_152, %jit3A_153, %jit3A_151 : i32
    %rem3A = arith.remsi %sub3A_150, %select_n3A_154 : i32
    %ne3A = arith.constant 0 : i32
    %ne3A_155 = arith.cmpi ne, %rem3A, %ne3A : i32
    %lt3A_156 = arith.constant 0 : i32
    %lt3A_157 = arith.cmpi slt, %rem3A, %lt3A_156 : i32
    %lt3A_158 = arith.constant 0 : i32
    %lt3A_159 = arith.cmpi slt, %select_n3A_154, %lt3A_158 : i32
    %ne3A_160 = arith.xori %lt3A_157, %lt3A_159 : i1
    %and3A = arith.andi %ne3A_160, %ne3A_155 : i1
    %add3A_161 = arith.addi %rem3A, %select_n3A_154 : i32
    %select_n3A_162 = arith.select %and3A, %add3A_161, %rem3A : i32
    %jit3A_163 = arith.constant 3 : i32
    %eq3A_164 = arith.constant 0 : i32
    %eq3A_165 = arith.cmpi eq, %jit3A_163, %eq3A_164 : i32
    %jit3A_166 = arith.constant 1 : i32
    %select_n3A_167 = arith.select %eq3A_165, %jit3A_166, %jit3A_163 : i32
    %rem3A_168 = arith.remsi %sub3A_150, %select_n3A_167 : i32
    %ne3A_169 = arith.constant 0 : i32
    %ne3A_170 = arith.cmpi ne, %rem3A_168, %ne3A_169 : i32
    %lt3A_171 = arith.constant 0 : i32
    %lt3A_172 = arith.cmpi slt, %rem3A_168, %lt3A_171 : i32
    %lt3A_173 = arith.constant 0 : i32
    %lt3A_174 = arith.cmpi slt, %select_n3A_167, %lt3A_173 : i32
    %ne3A_175 = arith.xori %lt3A_172, %lt3A_174 : i1
    %and3A_176 = arith.andi %ne3A_175, %ne3A_170 : i1
    %add3A_177 = arith.addi %rem3A_168, %select_n3A_167 : i32
    %select_n3A_178 = arith.select %and3A_176, %add3A_177, %rem3A_168 : i32
    %dma_wait3A_179 = arith.constant 0 : i32
    %dma_wait3A_180 = arith.constant 0 : i32
    %dma_wait3A_181 = tpu.memref_slice %arg8[%select_n3A_162, %dma_wait3A_179, %dma_wait3A_180] : memref<3x128x128xf32, #tpu.memory_space<vmem>> -> memref<1x128x128xf32, #tpu.memory_space<vmem>>
    %dma_wait3A_182 = tpu.memref_squeeze %dma_wait3A_181 : memref<1x128x128xf32, #tpu.memory_space<vmem>> -> memref<128x128xf32, #tpu.memory_space<vmem>>
    %dma_wait3A_183 = arith.constant 0 : i32
    %dma_wait3A_184 = tpu.memref_slice %arg7[%select_n3A_178, %dma_wait3A_183] : memref<3x128xi32, #tpu.memory_space<vmem>> -> memref<1x128xi32, #tpu.memory_space<vmem>>
    %dma_wait3A_185 = tpu.memref_squeeze %dma_wait3A_184 : memref<1x128xi32, #tpu.memory_space<vmem>> -> memref<128xi32, #tpu.memory_space<vmem>>
    %dma_wait3A_186 = arith.constant 0 : i32
    %dma_wait3A_187 = arith.constant 0 : i32
    %dma_wait3A_188 = tpu.memref_slice %arg9[%dma_wait3A_186, %dma_wait3A_187] : memref<10112x128xf32, #tpu.memory_space<vmem_shared>> -> memref<10112x128xf32, #tpu.memory_space<vmem_shared>>
    tpu.wait_indirect_dma semaphore(%arg11 : memref<!tpu.dma_semaphore, #tpu.memory_space<semaphore_mem>>) src(%dma_wait3A_182 : memref<128x128xf32, #tpu.memory_space<vmem>>) dst(%dma_wait3A_188 : memref<10112x128xf32, #tpu.memory_space<vmem_shared>>)
    %barrier3A_189 = arith.constant 0 : index
    tpu.barrier barrier_id(%barrier3A_189)
    %mul3A_190 = arith.constant 632 : i32
    %mul3A_191 = arith.muli %arg1, %mul3A_190 : i32
    %mul3A_192 = arith.constant 632 : i32
    %mul3A_193 = arith.muli %arg1, %mul3A_192 : i32
    "tpu.region"() ({
      %run_scoped3A = tpu.sem_alloc : memref<!tpu.dma_semaphore, #tpu.memory_space<semaphore_mem>>
      %dma_start3A_194 = arith.constant 0 : i32
      %dma_start3A_195 = tpu.memref_slice %arg5[%arg0, %mul3A_193, %dma_start3A_194] : memref<2x10112x128xf32, #tpu.memory_space<hbm>> -> memref<1x632x128xf32, #tpu.memory_space<hbm>>
      %dma_start3A_196 = tpu.memref_squeeze %dma_start3A_195 : memref<1x632x128xf32, #tpu.memory_space<hbm>> -> memref<632x128xf32, #tpu.memory_space<hbm>>
      %dma_start3A_197 = arith.constant 0 : i32
      %dma_start3A_198 = tpu.memref_slice %arg9[%mul3A_191, %dma_start3A_197] : memref<10112x128xf32, #tpu.memory_space<vmem_shared>> -> memref<632x128xf32, #tpu.memory_space<vmem_shared>>
      tpu.enqueue_dma source(%dma_start3A_198 : memref<632x128xf32, #tpu.memory_space<vmem_shared>>) target(%dma_start3A_196 : memref<632x128xf32, #tpu.memory_space<hbm>>) target_semaphore(%run_scoped3A : memref<!tpu.dma_semaphore, #tpu.memory_space<semaphore_mem>>)
      %dma_wait3A_199 = arith.constant 0 : i32
      %dma_wait3A_200 = tpu.memref_slice %arg5[%arg0, %mul3A_193, %dma_wait3A_199] : memref<2x10112x128xf32, #tpu.memory_space<hbm>> -> memref<1x632x128xf32, #tpu.memory_space<hbm>>
      %dma_wait3A_201 = tpu.memref_squeeze %dma_wait3A_200 : memref<1x632x128xf32, #tpu.memory_space<hbm>> -> memref<632x128xf32, #tpu.memory_space<hbm>>
      %dma_wait3A_202 = arith.constant 0 : i32
      %dma_wait3A_203 = tpu.memref_slice %arg9[%mul3A_191, %dma_wait3A_202] : memref<10112x128xf32, #tpu.memory_space<vmem_shared>> -> memref<632x128xf32, #tpu.memory_space<vmem_shared>>
      tpu.wait_dma2 semaphore(%run_scoped3A : memref<!tpu.dma_semaphore, #tpu.memory_space<semaphore_mem>>) src(%dma_wait3A_203 : memref<632x128xf32, #tpu.memory_space<vmem_shared>>) dst(%dma_wait3A_201 : memref<632x128xf32, #tpu.memory_space<hbm>>)
      tpu.yield
    }) : () -> ()
    return
  }
}

module attributes {stable_mosaic.version = 14 : i64} {
  func.func @_stage1_body(%arg0: i32, %arg1: memref<2000x128xf32, #tpu.memory_space<vmem>>, %arg2: memref<128x128xf32, #tpu.memory_space<vmem>>, %arg3: memref<128xf32, #tpu.memory_space<vmem>>, %arg4: memref<128x128xf32, #tpu.memory_space<vmem>>, %arg5: memref<2x2000x128xf32, #tpu.memory_space<vmem>>, %arg6: memref<2000x128xf32, #tpu.memory_space<vmem>>) attributes {dimension_semantics = [#tpu.dimension_semantics<arbitrary>], iteration_bounds = array<i64: 5>, scalar_prefetch = 0 : i64, scratch_operands = 0 : i64, tpu.core_type = #tpu.core_type<tc>, window_params = [{transform_indices = @transform_0, window_bounds = array<i64: 2000, 128>}, {pipeline_mode = #tpu.pipeline_mode<synchronous>, transform_indices = @transform_1, window_bounds = array<i64: 128, 128>}, {pipeline_mode = #tpu.pipeline_mode<synchronous>, transform_indices = @transform_2, window_bounds = array<i64: 128>}, {pipeline_mode = #tpu.pipeline_mode<synchronous>, transform_indices = @transform_3, window_bounds = array<i64: 128, 128>}, {transform_indices = @transform_4, window_bounds = array<i64: 2, 2000, 128>}, {transform_indices = @transform_5, window_bounds = array<i64: 2000, 128>}]} {
    %get3A = arith.constant 0 : index
    %get3A_0 = arith.constant 0 : index
    %get3A_1 = arith.constant 0 : index
    %get3A_2 = vector.load %arg5[%get3A, %get3A_0, %get3A_1] : memref<2x2000x128xf32, #tpu.memory_space<vmem>>, vector<2x2000x128xf32>
    %slice3A = vector.extract_strided_slice %get3A_2 {offsets = [0, 0, 0], sizes = [1, 2000, 1], strides = [1, 1, 1]} : vector<2x2000x128xf32> to vector<1x2000x1xf32>
    %squeeze3A = vector.shape_cast %slice3A : vector<1x2000x1xf32> to vector<2000xf32>
    %slice3A_3 = vector.extract_strided_slice %get3A_2 {offsets = [1, 0, 0], sizes = [1, 2000, 1], strides = [1, 1, 1]} : vector<2x2000x128xf32> to vector<1x2000x1xf32>
    %squeeze3A_4 = vector.shape_cast %slice3A_3 : vector<1x2000x1xf32> to vector<2000xf32>
    %add3A = arith.addf %squeeze3A, %squeeze3A_4 : vector<2000xf32>
    %add3A_5 = arith.constant 1.000000e+00 : f32
    %add3A_6 = vector.broadcast %add3A_5 : f32 to vector<2000xf32>
    %add3A_7 = arith.addf %add3A, %add3A_6 : vector<2000xf32>
    %rsqrt3A = math.rsqrt %add3A_7 : vector<2000xf32>
    %get3A_8 = arith.constant 0 : index
    %get3A_9 = arith.constant 0 : index
    %get3A_10 = vector.load %arg1[%get3A_8, %get3A_9] : memref<2000x128xf32, #tpu.memory_space<vmem>>, vector<2000x128xf32>
    %get3A_11 = arith.constant 0 : index
    %get3A_12 = arith.constant 0 : index
    %get3A_13 = vector.load %arg2[%get3A_11, %get3A_12] : memref<128x128xf32, #tpu.memory_space<vmem>>, vector<128x128xf32>
    %dot_general3A = arith.constant dense<0.000000e+00> : vector<2000x128xf32>
    %dot_general3A_14 = tpu.matmul %get3A_10, %get3A_13, %dot_general3A {dimension_numbers = #tpu.dot_dimension_numbers<[1], [0], [0], [1], [0, 0, 1, 1], [], []>, transpose_lhs_hint = false} : vector<2000x128xf32>, vector<128x128xf32>, vector<2000x128xf32> -> vector<2000x128xf32>
    %get3A_15 = arith.constant 0 : index
    %get3A_16 = vector.load %arg3[%get3A_15] : memref<128xf32, #tpu.memory_space<vmem>>, vector<128xf32>
    %broadcast_in_dim3A = vector.shape_cast %get3A_16 : vector<128xf32> to vector<1x128xf32>
    %add3A_17 = vector.broadcast %broadcast_in_dim3A : vector<1x128xf32> to vector<2000x128xf32>
    %add3A_18 = arith.addf %dot_general3A_14, %add3A_17 : vector<2000x128xf32>
    %max3A = arith.constant 0.000000e+00 : f32
    %max3A_19 = vector.broadcast %max3A : f32 to vector<2000x128xf32>
    %max3A_20 = arith.maximumf %add3A_18, %max3A_19 : vector<2000x128xf32>
    %get3A_21 = arith.constant 0 : index
    %get3A_22 = arith.constant 0 : index
    %get3A_23 = vector.load %arg4[%get3A_21, %get3A_22] : memref<128x128xf32, #tpu.memory_space<vmem>>, vector<128x128xf32>
    %dot_general3A_24 = arith.constant dense<0.000000e+00> : vector<2000x128xf32>
    %dot_general3A_25 = tpu.matmul %max3A_20, %get3A_23, %dot_general3A_24 {dimension_numbers = #tpu.dot_dimension_numbers<[1], [0], [0], [1], [0, 0, 1, 1], [], []>, transpose_lhs_hint = false} : vector<2000x128xf32>, vector<128x128xf32>, vector<2000x128xf32> -> vector<2000x128xf32>
    %broadcast_in_dim3A_26 = vector.shape_cast %rsqrt3A : vector<2000xf32> to vector<2000x1xf32>
    %mul3A = vector.broadcast %broadcast_in_dim3A_26 : vector<2000x1xf32> to vector<2000x128xf32>
    %mul3A_27 = arith.mulf %mul3A, %dot_general3A_25 : vector<2000x128xf32>
    %swap3A = arith.constant 0 : index
    %swap3A_28 = arith.constant 0 : index
    %swap3A_29 = vector.load %arg6[%swap3A, %swap3A_28] : memref<2000x128xf32, #tpu.memory_space<vmem>>, vector<2000x128xf32>
    tpu.vector_store %arg6[%swap3A, %swap3A_28], %mul3A_27 {strides = array<i32>} : memref<2000x128xf32, #tpu.memory_space<vmem>>, vector<2000x128xf32>,
    return
  }
  func.func @transform_0(%arg0: i32) -> (i32, i32) {
    %c0_i32 = arith.constant 0 : i32
    %c0_i32_0 = arith.constant 0 : i32
    return %arg0, %c0_i32 : i32, i32
  }
  func.func @transform_1(%arg0: i32) -> (i32, i32) {
    %c0_i32 = arith.constant 0 : i32
    %c0_i32_0 = arith.constant 0 : i32
    %c0_i32_1 = arith.constant 0 : i32
    return %c0_i32, %c0_i32_0 : i32, i32
  }
  func.func @transform_2(%arg0: i32) -> i32 {
    %c0_i32 = arith.constant 0 : i32
    %c0_i32_0 = arith.constant 0 : i32
    return %c0_i32 : i32
  }
  func.func @transform_3(%arg0: i32) -> (i32, i32) {
    %c0_i32 = arith.constant 0 : i32
    %c0_i32_0 = arith.constant 0 : i32
    %c0_i32_1 = arith.constant 0 : i32
    return %c0_i32, %c0_i32_0 : i32, i32
  }
  func.func @transform_4(%arg0: i32) -> (i32, i32, i32) {
    %c0_i32 = arith.constant 0 : i32
    %c0_i32_0 = arith.constant 0 : i32
    %c0_i32_1 = arith.constant 0 : i32
    return %c0_i32, %arg0, %c0_i32_0 : i32, i32, i32
  }
  func.func @transform_5(%arg0: i32) -> (i32, i32) {
    %c0_i32 = arith.constant 0 : i32
    %c0_i32_0 = arith.constant 0 : i32
    return %arg0, %c0_i32 : i32, i32
  }
}

module attributes {stable_mosaic.version = 14 : i64} {
  func.func @_mid_body(%arg0: i32, %arg1: memref<2x2000x128xf32, #tpu.memory_space<vmem>>, %arg2: memref<2000x128xf32, #tpu.memory_space<vmem>>, %arg3: memref<2x2000x128xf32, #tpu.memory_space<vmem>>, %arg4: memref<128xf32, #tpu.memory_space<vmem>>, %arg5: memref<128x128xf32, #tpu.memory_space<vmem>>, %arg6: memref<128xf32, #tpu.memory_space<vmem>>, %arg7: memref<128x128xf32, #tpu.memory_space<vmem>>, %arg8: memref<2000x128xf32, #tpu.memory_space<vmem>>) attributes {dimension_semantics = [#tpu.dimension_semantics<arbitrary>], iteration_bounds = array<i64: 5>, scalar_prefetch = 0 : i64, scratch_operands = 0 : i64, tpu.core_type = #tpu.core_type<tc>, window_params = [{transform_indices = @transform_0, window_bounds = array<i64: 2, 2000, 128>}, {transform_indices = @transform_1, window_bounds = array<i64: 2000, 128>}, {transform_indices = @transform_2, window_bounds = array<i64: 2, 2000, 128>}, {pipeline_mode = #tpu.pipeline_mode<synchronous>, transform_indices = @transform_3, window_bounds = array<i64: 128>}, {pipeline_mode = #tpu.pipeline_mode<synchronous>, transform_indices = @transform_4, window_bounds = array<i64: 128, 128>}, {pipeline_mode = #tpu.pipeline_mode<synchronous>, transform_indices = @transform_5, window_bounds = array<i64: 128>}, {pipeline_mode = #tpu.pipeline_mode<synchronous>, transform_indices = @transform_6, window_bounds = array<i64: 128, 128>}, {transform_indices = @transform_7, window_bounds = array<i64: 2000, 128>}]} {
    %get3A = arith.constant 0 : index
    %get3A_0 = arith.constant 0 : index
    %get3A_1 = arith.constant 0 : index
    %get3A_2 = vector.load %arg3[%get3A, %get3A_0, %get3A_1] : memref<2x2000x128xf32, #tpu.memory_space<vmem>>, vector<2x2000x128xf32>
    %slice3A = vector.extract_strided_slice %get3A_2 {offsets = [0, 0, 0], sizes = [1, 2000, 1], strides = [1, 1, 1]} : vector<2x2000x128xf32> to vector<1x2000x1xf32>
    %squeeze3A = vector.shape_cast %slice3A : vector<1x2000x1xf32> to vector<2000xf32>
    %slice3A_3 = vector.extract_strided_slice %get3A_2 {offsets = [1, 0, 0], sizes = [1, 2000, 1], strides = [1, 1, 1]} : vector<2x2000x128xf32> to vector<1x2000x1xf32>
    %squeeze3A_4 = vector.shape_cast %slice3A_3 : vector<1x2000x1xf32> to vector<2000xf32>
    %add3A = arith.addf %squeeze3A, %squeeze3A_4 : vector<2000xf32>
    %add3A_5 = arith.constant 1.000000e+00 : f32
    %add3A_6 = vector.broadcast %add3A_5 : f32 to vector<2000xf32>
    %add3A_7 = arith.addf %add3A, %add3A_6 : vector<2000xf32>
    %rsqrt3A = math.rsqrt %add3A_7 : vector<2000xf32>
    %get3A_8 = arith.constant 0 : index
    %get3A_9 = arith.constant 0 : index
    %get3A_10 = arith.constant 0 : index
    %get3A_11 = vector.load %arg1[%get3A_8, %get3A_9, %get3A_10] : memref<2x2000x128xf32, #tpu.memory_space<vmem>>, vector<2x2000x128xf32>
    %slice3A_12 = vector.extract_strided_slice %get3A_11 {offsets = [0, 0, 0], sizes = [1, 2000, 128], strides = [1, 1, 1]} : vector<2x2000x128xf32> to vector<1x2000x128xf32>
    %squeeze3A_13 = vector.shape_cast %slice3A_12 : vector<1x2000x128xf32> to vector<2000x128xf32>
    %slice3A_14 = vector.extract_strided_slice %get3A_11 {offsets = [1, 0, 0], sizes = [1, 2000, 128], strides = [1, 1, 1]} : vector<2x2000x128xf32> to vector<1x2000x128xf32>
    %squeeze3A_15 = vector.shape_cast %slice3A_14 : vector<1x2000x128xf32> to vector<2000x128xf32>
    %add3A_16 = arith.addf %squeeze3A_13, %squeeze3A_15 : vector<2000x128xf32>
    %get3A_17 = arith.constant 0 : index
    %get3A_18 = arith.constant 0 : index
    %get3A_19 = vector.load %arg2[%get3A_17, %get3A_18] : memref<2000x128xf32, #tpu.memory_space<vmem>>, vector<2000x128xf32>
    %add3A_20 = arith.addf %add3A_16, %get3A_19 : vector<2000x128xf32>
    %broadcast_in_dim3A = vector.shape_cast %rsqrt3A : vector<2000xf32> to vector<2000x1xf32>
    %mul3A = vector.broadcast %broadcast_in_dim3A : vector<2000x1xf32> to vector<2000x128xf32>
    %mul3A_21 = arith.mulf %mul3A, %add3A_20 : vector<2000x128xf32>
    %get3A_22 = arith.constant 0 : index
    %get3A_23 = vector.load %arg4[%get3A_22] : memref<128xf32, #tpu.memory_space<vmem>>, vector<128xf32>
    %broadcast_in_dim3A_24 = vector.shape_cast %get3A_23 : vector<128xf32> to vector<1x128xf32>
    %add3A_25 = vector.broadcast %broadcast_in_dim3A_24 : vector<1x128xf32> to vector<2000x128xf32>
    %add3A_26 = arith.addf %mul3A_21, %add3A_25 : vector<2000x128xf32>
    %max3A = arith.constant 0.000000e+00 : f32
    %max3A_27 = vector.broadcast %max3A : f32 to vector<2000x128xf32>
    %max3A_28 = arith.maximumf %add3A_26, %max3A_27 : vector<2000x128xf32>
    %get3A_29 = arith.constant 0 : index
    %get3A_30 = arith.constant 0 : index
    %get3A_31 = vector.load %arg5[%get3A_29, %get3A_30] : memref<128x128xf32, #tpu.memory_space<vmem>>, vector<128x128xf32>
    %dot_general3A = arith.constant dense<0.000000e+00> : vector<2000x128xf32>
    %dot_general3A_32 = tpu.matmul %max3A_28, %get3A_31, %dot_general3A {dimension_numbers = #tpu.dot_dimension_numbers<[1], [0], [0], [1], [0, 0, 1, 1], [], []>, transpose_lhs_hint = false} : vector<2000x128xf32>, vector<128x128xf32>, vector<2000x128xf32> -> vector<2000x128xf32>
    %get3A_33 = arith.constant 0 : index
    %get3A_34 = vector.load %arg6[%get3A_33] : memref<128xf32, #tpu.memory_space<vmem>>, vector<128xf32>
    %broadcast_in_dim3A_35 = vector.shape_cast %get3A_34 : vector<128xf32> to vector<1x128xf32>
    %add3A_36 = vector.broadcast %broadcast_in_dim3A_35 : vector<1x128xf32> to vector<2000x128xf32>
    %add3A_37 = arith.addf %dot_general3A_32, %add3A_36 : vector<2000x128xf32>
    %max3A_38 = arith.constant 0.000000e+00 : f32
    %max3A_39 = vector.broadcast %max3A_38 : f32 to vector<2000x128xf32>
    %max3A_40 = arith.maximumf %add3A_37, %max3A_39 : vector<2000x128xf32>
    %broadcast_in_dim3A_41 = vector.shape_cast %rsqrt3A : vector<2000xf32> to vector<2000x1xf32>
    %get3A_42 = arith.constant 0 : index
    %get3A_43 = arith.constant 0 : index
    %get3A_44 = vector.load %arg7[%get3A_42, %get3A_43] : memref<128x128xf32, #tpu.memory_space<vmem>>, vector<128x128xf32>
    %dot_general3A_45 = arith.constant dense<0.000000e+00> : vector<2000x128xf32>
    %dot_general3A_46 = tpu.matmul %max3A_40, %get3A_44, %dot_general3A_45 {dimension_numbers = #tpu.dot_dimension_numbers<[1], [0], [0], [1], [0, 0, 1, 1], [], []>, transpose_lhs_hint = false} : vector<2000x128xf32>, vector<128x128xf32>, vector<2000x128xf32> -> vector<2000x128xf32>
    %mul3A_47 = vector.broadcast %broadcast_in_dim3A_41 : vector<2000x1xf32> to vector<2000x128xf32>
    %mul3A_48 = arith.mulf %mul3A_47, %dot_general3A_46 : vector<2000x128xf32>
    %swap3A = arith.constant 0 : index
    %swap3A_49 = arith.constant 0 : index
    %swap3A_50 = vector.load %arg8[%swap3A, %swap3A_49] : memref<2000x128xf32, #tpu.memory_space<vmem>>, vector<2000x128xf32>
    tpu.vector_store %arg8[%swap3A, %swap3A_49], %mul3A_48 {strides = array<i32>} : memref<2000x128xf32, #tpu.memory_space<vmem>>, vector<2000x128xf32>,
    return
  }
  func.func @transform_0(%arg0: i32) -> (i32, i32, i32) {
    %c0_i32 = arith.constant 0 : i32
    %c0_i32_0 = arith.constant 0 : i32
    %c0_i32_1 = arith.constant 0 : i32
    return %c0_i32, %arg0, %c0_i32_0 : i32, i32, i32
  }
  func.func @transform_1(%arg0: i32) -> (i32, i32) {
    %c0_i32 = arith.constant 0 : i32
    %c0_i32_0 = arith.constant 0 : i32
    return %arg0, %c0_i32 : i32, i32
  }
  func.func @transform_2(%arg0: i32) -> (i32, i32, i32) {
    %c0_i32 = arith.constant 0 : i32
    %c0_i32_0 = arith.constant 0 : i32
    %c0_i32_1 = arith.constant 0 : i32
    return %c0_i32, %arg0, %c0_i32_0 : i32, i32, i32
  }
  func.func @transform_3(%arg0: i32) -> i32 {
    %c0_i32 = arith.constant 0 : i32
    %c0_i32_0 = arith.constant 0 : i32
    return %c0_i32 : i32
  }
  func.func @transform_4(%arg0: i32) -> (i32, i32) {
    %c0_i32 = arith.constant 0 : i32
    %c0_i32_0 = arith.constant 0 : i32
    %c0_i32_1 = arith.constant 0 : i32
    return %c0_i32, %c0_i32_0 : i32, i32
  }
  func.func @transform_5(%arg0: i32) -> i32 {
    %c0_i32 = arith.constant 0 : i32
    %c0_i32_0 = arith.constant 0 : i32
    return %c0_i32 : i32
  }
  func.func @transform_6(%arg0: i32) -> (i32, i32) {
    %c0_i32 = arith.constant 0 : i32
    %c0_i32_0 = arith.constant 0 : i32
    %c0_i32_1 = arith.constant 0 : i32
    return %c0_i32, %c0_i32_0 : i32, i32
  }
  func.func @transform_7(%arg0: i32) -> (i32, i32) {
    %c0_i32 = arith.constant 0 : i32
    %c0_i32_0 = arith.constant 0 : i32
    return %arg0, %c0_i32 : i32, i32
  }
}

module attributes {stable_mosaic.version = 14 : i64} {
  func.func @_fin_body(%arg0: i32, %arg1: memref<2x2000x128xf32, #tpu.memory_space<vmem>>, %arg2: memref<2000x128xf32, #tpu.memory_space<vmem>>, %arg3: memref<2x2000x128xf32, #tpu.memory_space<vmem>>, %arg4: memref<128xf32, #tpu.memory_space<vmem>>, %arg5: memref<2000x128xf32, #tpu.memory_space<vmem>>) attributes {dimension_semantics = [#tpu.dimension_semantics<arbitrary>], iteration_bounds = array<i64: 5>, scalar_prefetch = 0 : i64, scratch_operands = 0 : i64, tpu.core_type = #tpu.core_type<tc>, window_params = [{transform_indices = @transform_0, window_bounds = array<i64: 2, 2000, 128>}, {transform_indices = @transform_1, window_bounds = array<i64: 2000, 128>}, {transform_indices = @transform_2, window_bounds = array<i64: 2, 2000, 128>}, {pipeline_mode = #tpu.pipeline_mode<synchronous>, transform_indices = @transform_3, window_bounds = array<i64: 128>}, {transform_indices = @transform_4, window_bounds = array<i64: 2000, 128>}]} {
    %get3A = arith.constant 0 : index
    %get3A_0 = arith.constant 0 : index
    %get3A_1 = arith.constant 0 : index
    %get3A_2 = vector.load %arg3[%get3A, %get3A_0, %get3A_1] : memref<2x2000x128xf32, #tpu.memory_space<vmem>>, vector<2x2000x128xf32>
    %slice3A = vector.extract_strided_slice %get3A_2 {offsets = [0, 0, 0], sizes = [1, 2000, 1], strides = [1, 1, 1]} : vector<2x2000x128xf32> to vector<1x2000x1xf32>
    %squeeze3A = vector.shape_cast %slice3A : vector<1x2000x1xf32> to vector<2000xf32>
    %slice3A_3 = vector.extract_strided_slice %get3A_2 {offsets = [1, 0, 0], sizes = [1, 2000, 1], strides = [1, 1, 1]} : vector<2x2000x128xf32> to vector<1x2000x1xf32>
    %squeeze3A_4 = vector.shape_cast %slice3A_3 : vector<1x2000x1xf32> to vector<2000xf32>
    %add3A = arith.addf %squeeze3A, %squeeze3A_4 : vector<2000xf32>
    %add3A_5 = arith.constant 1.000000e+00 : f32
    %add3A_6 = vector.broadcast %add3A_5 : f32 to vector<2000xf32>
    %add3A_7 = arith.addf %add3A, %add3A_6 : vector<2000xf32>
    %rsqrt3A = math.rsqrt %add3A_7 : vector<2000xf32>
    %get3A_8 = arith.constant 0 : index
    %get3A_9 = arith.constant 0 : index
    %get3A_10 = arith.constant 0 : index
    %get3A_11 = vector.load %arg1[%get3A_8, %get3A_9, %get3A_10] : memref<2x2000x128xf32, #tpu.memory_space<vmem>>, vector<2x2000x128xf32>
    %slice3A_12 = vector.extract_strided_slice %get3A_11 {offsets = [0, 0, 0], sizes = [1, 2000, 128], strides = [1, 1, 1]} : vector<2x2000x128xf32> to vector<1x2000x128xf32>
    %squeeze3A_13 = vector.shape_cast %slice3A_12 : vector<1x2000x128xf32> to vector<2000x128xf32>
    %slice3A_14 = vector.extract_strided_slice %get3A_11 {offsets = [1, 0, 0], sizes = [1, 2000, 128], strides = [1, 1, 1]} : vector<2x2000x128xf32> to vector<1x2000x128xf32>
    %squeeze3A_15 = vector.shape_cast %slice3A_14 : vector<1x2000x128xf32> to vector<2000x128xf32>
    %add3A_16 = arith.addf %squeeze3A_13, %squeeze3A_15 : vector<2000x128xf32>
    %get3A_17 = arith.constant 0 : index
    %get3A_18 = arith.constant 0 : index
    %get3A_19 = vector.load %arg2[%get3A_17, %get3A_18] : memref<2000x128xf32, #tpu.memory_space<vmem>>, vector<2000x128xf32>
    %add3A_20 = arith.addf %add3A_16, %get3A_19 : vector<2000x128xf32>
    %broadcast_in_dim3A = vector.shape_cast %rsqrt3A : vector<2000xf32> to vector<2000x1xf32>
    %mul3A = vector.broadcast %broadcast_in_dim3A : vector<2000x1xf32> to vector<2000x128xf32>
    %mul3A_21 = arith.mulf %mul3A, %add3A_20 : vector<2000x128xf32>
    %get3A_22 = arith.constant 0 : index
    %get3A_23 = vector.load %arg4[%get3A_22] : memref<128xf32, #tpu.memory_space<vmem>>, vector<128xf32>
    %broadcast_in_dim3A_24 = vector.shape_cast %get3A_23 : vector<128xf32> to vector<1x128xf32>
    %add3A_25 = vector.broadcast %broadcast_in_dim3A_24 : vector<1x128xf32> to vector<2000x128xf32>
    %add3A_26 = arith.addf %mul3A_21, %add3A_25 : vector<2000x128xf32>
    %max3A = arith.constant 0.000000e+00 : f32
    %max3A_27 = vector.broadcast %max3A : f32 to vector<2000x128xf32>
    %max3A_28 = arith.maximumf %add3A_26, %max3A_27 : vector<2000x128xf32>
    %swap3A = arith.constant 0 : index
    %swap3A_29 = arith.constant 0 : index
    %swap3A_30 = vector.load %arg5[%swap3A, %swap3A_29] : memref<2000x128xf32, #tpu.memory_space<vmem>>, vector<2000x128xf32>
    tpu.vector_store %arg5[%swap3A, %swap3A_29], %max3A_28 {strides = array<i32>} : memref<2000x128xf32, #tpu.memory_space<vmem>>, vector<2000x128xf32>,
    return
  }
  func.func @transform_0(%arg0: i32) -> (i32, i32, i32) {
    %c0_i32 = arith.constant 0 : i32
    %c0_i32_0 = arith.constant 0 : i32
    %c0_i32_1 = arith.constant 0 : i32
    return %c0_i32, %arg0, %c0_i32_0 : i32, i32, i32
  }
  func.func @transform_1(%arg0: i32) -> (i32, i32) {
    %c0_i32 = arith.constant 0 : i32
    %c0_i32_0 = arith.constant 0 : i32
    return %arg0, %c0_i32 : i32, i32
  }
  func.func @transform_2(%arg0: i32) -> (i32, i32, i32) {
    %c0_i32 = arith.constant 0 : i32
    %c0_i32_0 = arith.constant 0 : i32
    %c0_i32_1 = arith.constant 0 : i32
    return %c0_i32, %arg0, %c0_i32_0 : i32, i32, i32
  }
  func.func @transform_3(%arg0: i32) -> i32 {
    %c0_i32 = arith.constant 0 : i32
    %c0_i32_0 = arith.constant 0 : i32
    return %c0_i32 : i32
  }
  func.func @transform_4(%arg0: i32) -> (i32, i32) {
    %c0_i32 = arith.constant 0 : i32
    %c0_i32_0 = arith.constant 0 : i32
    return %arg0, %c0_i32 : i32, i32
  }
}

</mosaic_0001>

<sc_bundles>
// kernel: kernel.11.cloned.1.call-start
scs
__scs_entry_jumppad:
0x0: {  	(pc) =	sbr.rel $0x88, $3  }
0x1: {  	(tag) =	ssettag $0x0;
	lr =	simm.s32 $0x1  }
0x2: {  	[smem:$0x3F97] =	sst lr;
	_ =	strace $0xD0000000  }
0x3: {  	_ = 	snop  }
0x4: {  	_ = 	snop  }
0x5: {  	_ = 	snop  }
0x6: {  	_ = 	snop  }
0x7: {  	_ = 	snop  }
__scs_overlays_trampoline_lowered:
0x8: {  	[smem:$0x3FA6] =	sst s0  }
0x9: {  	[smem:$0x3FA7] =	sst s1  }
0xa: {  	[smem:$0x3FA8] =	sst s2  }
0xb: {  	[smem:$0x3FA9] =	sst s3  }
0xc: {  	[smem:$0x3FAA] =	sst s4  }
0xd: {  	[smem:$0x3FAB] =	sst s5  }
0xe: {  	[smem:$0x3FAC] =	sst s6  }
0xf: {  	[smem:$0x3FAD] =	sst s7  }
0x10: {  	[smem:$0x3FAE] =	sst s8  }
0x11: {  	[smem:$0x3FAF] =	sst s9;
	s0 =	simm.s32 @!p0 $0x0  }
0x12: {  	s1 =	sld [smem:$0x3F95];
	s0 =	simm.s32 @p0 $0x1  }
0x13: {  	[smem:$0x3FB0] =	sst s0;
	s0 =	simm.s32 @!p1 $0x0  }
0x14: {  	s2 =	sld [smem:$0x3F94];
	s0 =	simm.s32 @p1 $0x1  }
0x15: {  	[smem:$0x3FB1] =	sst s0;
	s0 =	simm.s32 @!p2 $0x0  }
0x16: {  	s3 =	sld [smem:$0x3FDB];
	s0 =	simm.s32 @p2 $0x1  }
0x17: {  	s4 =	simm.s32 $0x1BF5;
	[smem:$0x3FB3] =	sst s0  }
0x18: {  	s0 =	sld [smem:$0x3F96];
	_ =	swait.ge [sflag:s4], $0x0  }
0x19: {  	s7 =	sld [smem:$0x3F97]  }
0x1a: {  	s8 =	sadd.s32 $0xFFFFE003, lr  }
0x1b: {  	s9 =	sadd.s32 $0xFFFFFEF7, lr;
	s5 =	simm.s32 $0xFFFFFFFF;
	p2 =	slt.u32 s8, $0xFFFFF086  }
0x1c: {  	p1 =	slt.u32 s9, $0xF7A;
	s5 =	simm.s32 @!p2 $0x0  }
0x1d: {  	s5 =	simm.s32 @p1 $0x1;
	p0 =	seq.s32 s7, s2  }
0x1e: {  	s7 =	smul.u32 @!p0 $0xF7A, s2;
	p2 =	seq.s32 @!p0 s5, $0x0  }
0x1f: {  	s9 =	smul.u32 $0xF7A, s1;
	s8 =	simm.s32 @!p0 $0x1BF5;
	p2 =	por !p2, p0  }
0x20: {  	[sflag:s8] =	ssyncset.s32 @!p0 $0xFFFFF086;
	s6 =	sadd.s32 @!p0 s3, s7;
	s7 =	simm.s32 @!p0 $0x108  }
0x21: {  	s3 =	sadd.s32 s3, s9;
	s6 =	sadd.s32 @!p0 $0x88, s6;
	s7 =	simm.s32 @p2 $0x1082  }
0x22: {  	[simem:s7], [sflag:s8] =	dma.local @!p0 [hbm:s6], $0xF7A  }
0x23: {  	s9 =	sor.u32 $0xD0000000, s2;
	s6 =	simm.s32 $0x108;
	_ =	swait.ge @!p0 [sflag:s8], $0x0  }
0x24: {  	s3 =	sadd.s32 $0x88, s3;
	s6 =	simm.s32 @!p1 $0x1082;
	[sflag:s4] =	ssyncset.s32 $0xFFFFF086  }
0x25: {  	[simem:s6], [sflag:s4] =	dma.local [hbm:s3], $0xF7A  }
0x26: {  	[smem:$0x3F97] =	sst s1;
	(tag) =	ssettag s2;
	_ =	strace s9  }
0x27: {  	s1 =	sld [smem:$0x3FA7]  }
0x28: {  	s2 =	sld [smem:$0x3FA8]  }
0x29: {  	s4 =	sld [smem:$0x3FAA]  }
0x2a: {  	p0 =	seq.s32 s5, $0x0;
	s5 =	sld [smem:$0x3FAB]  }
0x2b: {  	s6 =	sld [smem:$0x3FAC]  }
0x2c: {  	s7 =	sld [smem:$0x3FAD]  }
0x2d: {  	s3 =	simm.s32 $0x108;
	s8 =	sld [smem:$0x3FAE]  }
0x2e: {  	s3 =	simm.s32 @!p0 $0x1082;
	s9 =	sld [smem:$0x3FAF]  }
0x2f: {  	lr =	sadd.s32 s0, s3;
	s0 =	sld [smem:$0x3FA6]  }
0x30: {  	s3 =	sld [smem:$0x3FA9]  }
0x31: {  	[smem:$0x3FB2] =	sst s10  }
0x32: {  	s10 =	sld [smem:$0x3FB0];
	_ =	sdelay $0x3  }
0x33: {  	p0 =	seq.s32 s10, $0x1;
	s10 =	sld [smem:$0x3FB2];
	_ =	sdelay $0x3  }
0x34: {  	[smem:$0x3FB2] =	sst s10  }
0x35: {  	s10 =	sld [smem:$0x3FB1];
	_ =	sdelay $0x3  }
0x36: {  	p1 =	seq.s32 s10, $0x1;
	s10 =	sld [smem:$0x3FB2];
	_ =	sdelay $0x3  }
0x37: {  	[smem:$0x3FB2] =	sst s10  }
0x38: {  	s10 =	sld [smem:$0x3FB3]  }
0x39: {  	_ = 	snop;
	(pc) =	sbr.ind lr, $3  }
0x3a: {  	_ = 	snop  }
0x3b: {  	_ = 	snop  }
0x3c: {  	p2 =	seq.s32 s10, $0x1;
	s10 =	sld [smem:$0x3FB2]  }
0x3d: {  	_ =	shalt  }
0x3e: {  	_ =	shalt  }
0x3f: {  	_ =	shalt  }
0x40: {  	_ =	shalt  }
0x41: {  	_ =	shalt  }
0x42: {  	_ =	shalt  }
0x43: {  	_ =	shalt  }
0x44: {  	_ =	shalt  }
0x45: {  	_ =	shalt  }
0x46: {  	_ =	shalt  }
0x47: {  	_ =	shalt  }
0x48: {  	_ =	shalt  }
0x49: {  	_ =	shalt  }
0x4a: {  	_ =	shalt  }
0x4b: {  	_ =	shalt  }
0x4c: {  	_ =	shalt  }
0x4d: {  	_ =	shalt  }
0x4e: {  	_ =	shalt  }
0x4f: {  	_ =	shalt  }
0x50: {  	_ =	shalt  }
0x51: {  	_ =	shalt  }
0x52: {  	_ =	shalt  }
0x53: {  	_ =	shalt  }
0x54: {  	_ =	shalt  }
0x55: {  	_ =	shalt  }
0x56: {  	_ =	shalt  }
0x57: {  	_ =	shalt  }
0x58: {  	_ =	shalt  }
0x59: {  	_ =	shalt  }
0x5a: {  	_ =	shalt  }
0x5b: {  	_ =	shalt  }
0x5c: {  	_ =	shalt  }
0x5d: {  	_ =	shalt  }
0x5e: {  	_ =	shalt  }
0x5f: {  	_ =	shalt  }
0x60: {  	_ =	shalt  }
0x61: {  	_ =	shalt  }
0x62: {  	_ =	shalt  }
0x63: {  	_ =	shalt  }
0x64: {  	_ =	shalt  }
0x65: {  	_ =	shalt  }
0x66: {  	_ =	shalt  }
0x67: {  	_ =	shalt  }
0x68: {  	_ =	shalt  }
0x69: {  	_ =	shalt  }
0x6a: {  	_ =	shalt  }
0x6b: {  	_ =	shalt  }
0x6c: {  	_ =	shalt  }
0x6d: {  	_ =	shalt  }
0x6e: {  	_ =	shalt  }
0x6f: {  	_ =	shalt  }
0x70: {  	_ =	shalt  }
0x71: {  	_ =	shalt  }
0x72: {  	_ =	shalt  }
0x73: {  	_ =	shalt  }
0x74: {  	_ =	shalt  }
0x75: {  	_ =	shalt  }
0x76: {  	_ =	shalt  }
0x77: {  	_ =	shalt  }
0x78: {  	_ =	shalt  }
0x79: {  	_ =	shalt  }
0x7a: {  	_ =	shalt  }
0x7b: {  	_ =	shalt  }
0x7c: {  	_ =	shalt  }
0x7d: {  	_ =	shalt  }
0x7e: {  	_ =	shalt  }
0x7f: {  	_ =	shalt  }
0x80: {  	_ =	shalt  }
0x81: {  	_ =	shalt  }
0x82: {  	_ =	shalt  }
0x83: {  	_ =	shalt  }
0x84: {  	_ =	shalt  }
0x85: {  	_ =	shalt  }
0x86: {  	_ =	shalt  }
0x87: {  	_ =	shalt  }
.Lfunc_end0:
.L_simem_size_0:
called_computation.1_lowered:
.L_overlay_start_0:
0x88: {  	s2 =	sld [smem:$0x3FD9]  }
0x89: {  	s3 =	sld [smem:$0x3FFE];
	_ =	sdelay $0x1  }
0x8a: {  	s1 =	srdreg.scid  }
0x8b: {  	s0 =	sand.u32 $0x1, s1  }
0x8c: {  	s17 =	sshll.u32 s0, $0xA;
	s2 =	sadd.s32 s3, s2  }
0x8d: {  	s2 =	sadd.s32 s2, s17  }
0x8e: {  	[smem:$0x3FBE] =	sst s2  }
0x8f: {  	_ = 	snop  }
0x90: {  	s2 =	sld [smem:$0x3FD0];
	(tm) =	ssettm $0x1  }
0x91: {  	s18 =	sld [smem:$0x3FFB];
	_ =	sdelay $0x3  }
0x92: {  	_ =	strace s18  }
0x93: {  	s3 =	sld [smem:$0x3FFC];
	_ =	sdelay $0x3  }
0x94: {  	_ =	strace s3  }
0x95: {  	s3 =	sld [smem:$0x3FFD];
	_ =	sdelay $0x3  }
0x96: {  	_ =	strace s3  }
0x97: {  	_ =	strace $0x8FFFFFFF  }
0x98: {  	s19 =	sld [smem:$0x3FDB];
	_ =	sdelay $0x1  }
0x99: {  	s4 =	simm.s32 $_scs_section_size  }
0x9a: {  	s5 =	simm.s32 $_size__tile_overlayer_lowered;
	s6 =	simm.s32 $_tile_overlayer_lowered  }
0x9b: {  	s22 =	simm.s32 $0x1BFF;
	s21 =	sshll.u32 s6, $0x1;
	s3 =	sadd.s32 s4, s19  }
0x9c: {  	s7 =	simm.s32 $0x0;
	s20 =	sshll.u32 s5, $0x1;
	s5 =	sadd.s32 s21, s3  }
0x9d: {  	[timem:s7], [sflag:s22] =	dma.local [hbm:s5], s20  }
0x9e: {  	_ =	swait.ge [sflag:s22], s20  }
0x9f: {  	s4 =	ssub.s32 $0x0, s20;
	[sflag:s22] =	ssyncset.done $0x0  }
0xa0: {  	[sflag:s22] =	ssyncadd.s32 s4;
	_ =	sdelay $0x1  }
0xa1: {  	s23 =	simm.s32 $0x1B8B  }
0xa2: {  	_ =	swait.ge [sflag:s23], $0x1  }
0xa3: {  	[sflag:s23] =	ssyncset.done $0x0  }
0xa4: {  	s25 =	simm.s32 $0x1B8E;
	s24 =	sld [smem:$0x3FFE];
	[sflag:s23] =	ssyncadd.s32 $0xFFFFFFFF  }
0xa5: {  	s26 =	simm.s32 $execute0_lowered;
	[smem:$0x3FD2] =	sst s25  }
0xa6: {  	s5 =	sshll.u32 s26, $0x1;
	_ =	strace $0x80000049;
	[dreg:$0x1] =	wrdreg $0xFFFFFFFF  }
0xa7: {  	s28 =	simm.s32 $_size_execute0_lowered;
	s3 =	sadd.s32 s3, s5;
	[dreg:$0x0] =	wrdreg $0x0  }
0xa8: {  	s5 =	sshll.u32 s28, $0x1;
	[dreg:$0x2] =	wrdreg s3  }
0xa9: {  	[dreg:$0x3] =	wrdreg s5  }
0xaa: {  	[dreg:$0x4] =	wrdreg $0xC0  }
0xab: {  	_ =	task [dreg:s7], $0x5FFFF  }
0xac: {  	[dreg:$0x1] =	wrdreg $0xFFFFFFFF  }
0xad: {  	[dreg:$0x0] =	wrdreg $0x60  }
0xae: {  	[dreg:$0x2] =	wrdreg s2  }
0xaf: {  	[dreg:$0x3] =	wrdreg s24  }
0xb0: {  	[dreg:$0x4] =	wrdreg $0xC4000  }
0xb1: {  	[dreg:$0x5] =	wrdreg $0x9  }
0xb2: {  	_ =	task.clear_ibuf [dreg:s7], $0x6FFFF;
	_ =	strace $0x90000049  }
0xb3: {  	s29 =	simm.s32 $0x9;
	_ =	strace $0x8000004B  }
0xb4: {  	_ =	swait.ge [sflag:s29], $0x1  }
0xb5: {  	[sflag:s29] =	ssyncadd.s32 $0xFFFFFFFF  }
0xb6: {  	_ =	strace $0x9000004B  }
0xb7: {  	_ =	sfence  }
0xb8: {  	s30 =	sld [smem:$0x0];
	_ =	sdelay $0x2  }
0xb9: {  	s31 =	sshll.u32 s1, $0xD;
	s1 =	sshrl.u32 s1, $0x2  }
0xba: {  	s3 =	sand.u32 $0x4000, s31;
	s1 =	sadd.s32 s1, s30  }
0xbb: {  	s0 =	sor.u32 s3, s0;
	s1 =	sshll.u32 s1, $0x11  }
0xbc: {  	s0 =	sor.u32 s1, s0  }
0xbd: {  	s0 =	sadd.s32 $0x8F2B, s0  }
0xbe: {  	[sflag:s0] =	ssyncadd.remote.s32 $0x1  }
0xbf: {  	_ =	sfence.sel $0xFFFF  }
0xc0: {  	[dreg:$0x0] =	wrdreg $0xFFFFFFFF;
	(pc) =	sbr.abs _section_cstart, $3  }
0xc1: {  	[dreg:$0x1] =	wrdreg $0xFFFFFFFF  }
0xc2: {  	_ =	task.clear_ibuf [dreg:s7], $0x2FFFF;
	_ =	strace $0x9FFFFFFF  }
0xc3: {  	(tm) =	ssettm $0x7FFFFFFF  }
tec
execute0_lowered:
.L_overlay_start_1:
0x0: {  	(tag) =	ssettag $0x1  }
0x1: {  	s0 =	rddreg [dreg:$0x0]  }
0x2: {  	s1 =	rddreg [dreg:$0x1];
	s2 =	srdreg.scid  }
0x3: {  	s3 =	rddreg [dreg:$0x2];
	s11 =	stileid.u32;
	s4 =	simm.s32 $0x0  }
0x4: {  	s28 =	simm.s32 $0x2;
	s29 =	simm.s32 $0x0;
	s6 =	smul.u32 $0x13C00, s11  }
0x5: {  	s2 =	sand.u32 $0x1, s2;
	[smem:$0x7FF] =	sst s4;
	s10 =	smul.u32 $0x4F000, s11  }
0x6: {  	s9 =	sadd.s32 $0x3200, s1;
	s15 =	sadd.s32 $0x16C00, s1;
	s5 =	smul.u32 $0x13C000, s2  }
0x7: {  	s20 =	sshll.u32 s11, $0x6;
	_ =	strace $0x8000004A;
	s14 =	smul.u32 $0x27000, s2  }
0x8: {  	[dreg:$0x5] =	wrdreg s15;
	s16 =	ssub.s32 $0x2, s2;
	s15 =	smul.u32 $0x2700, s11  }
0x9: {  	s17 =	sshll.u32 s2, $0x4;
	s2 =	smul.u32 $0x4E0, s2;
	s7 =	sshrl.u32 s16, $0x1  }
0xa: {  	s8 =	sor.u32 s11, s17;
	s19 =	sshrl.u32 s10, $0x2;
	s5 =	sadd.s32 s6, s5  }
0xb: {  	p0 =	slt.u32 s8, $0x4;
	s18 =	smul.u32 $0x4E, s8;
	s6 =	simm.s32 $0x4F  }
0xc: {  	s17 =	sadd.s32 s19, s3;
	s5 =	sshrl.u32 s5, $0x3;
	s6 =	simm.s32 @!p0 $0x4E  }
0xd: {  	s1 =	sadd.s32 s5, s1;
	s5 =	ssub.s32 s16, s7;
	s16 =	smin.u32 s8, $0x4  }
0xe: {  	s15 =	sadd.s32 s15, s14;
	s30 =	ssub.s32 $0x0, s6;
	s7 =	sadd.s32 s16, s18  }
0xf: {  	s18 =	smul.u32 $0x4E, s11;
	s19 =	sshll.u32 s16, $0x7;
	s14 =	sadd.s32 $0x68400, s1  }
0x10: {  	[dreg:$0x4] =	wrdreg s30;
	s21 =	sshll.u32 s7, $0x4;
	s7 =	sor.u32 $0x1C05, s20  }
0x11: {  	s26 =	sadd.s32 s19, s15;
	s15 =	smax.u32 s5, $0x1;
	s19 =	simm.s32 $0x5  }
0x12: {  	s20 =	simm.s32 $0x80;
	s8 =	sadd.s32 s9, s21;
	s2 =	sadd.s32 s18, s2  }
0x13: {  	s1 =	sadd.s32 $0x4E300, s26;
	s18 =	sshrl.u32 s17, $0x3;
	s10 =	sadd.s32 $0x10, s8  }
0x14: {  	s26 =	simm.s32 $0x1;
	s22 =	sadd.s32 $0x20, s8;
	[dreg:$0x6] =	wrdreg s10  }
0x15: {  	s23 =	sadd.s32 $0x30, s8;
	s24 =	sadd.s32 $0x9C40, s8;
	[dreg:$0x7] =	wrdreg s22  }
0x16: {  	s25 =	sadd.s32 $0x9C50, s8;
	s2 =	sadd.s32 s16, s2;
	[dreg:$0x8] =	wrdreg s23  }
0x17: {  	s1 =	sshrl.u32 s1, $0x3;
	[dreg:$0x9] =	wrdreg s24;
	s2 =	sshll.u32 s2, $0x4  }
0x18: {  	[dreg:$0xa] =	wrdreg s25;
	s24 =	sadd.s32 s1, s9;
	s31 =	sadd.s32 s9, s2  }
0x19: {  	s23 =	simm.s32 $0x3;
	s25 =	simm.s32 $0x4;
	s22 =	sadd.s32 $0x40, s31  }
.LBB2_1:
0x1a: {  	s1 =	rddreg [dreg:$0x5]  }
0x1b: {  	[spmem:s18], [sflag:s7] =	dma.local [hbm:s1], $0x2780  }
0x1c: {  	_ =	swait.ge [sflag:s19], $0x2780  }
0x1d: {  	[sflag:s19] =	ssyncset.done $0x0  }
0x1e: {  	[sflag:s19] =	ssyncadd.s32 $0xFFFFD880  }
0x1f: {  	[bflag:$0x0] =	sbarrier.arrive $0xFFFF  }
0x20: {  	[tilespmem:s4], [sflag:$0x3] =	stream.linear.gather [hbm4b:s8+s4], $0x80, $0x38;
	v63 =	vld [tilespmem:$0x0]  }
0x21: {  	s10 =	rddreg [dreg:$0x6]  }
0x22: {  	[tilespmem:s20], [sflag:$0x3] =	stream.linear.gather [hbm4b:s10+s4], $0x80, $0x38;
	v63 =	vld [tilespmem:$0x0]  }
0x23: {  	s30 =	simm.s32 $0x100;
	s11 =	rddreg [dreg:$0x7]  }
0x24: {  	[tilespmem:s30], [sflag:$0x3] =	stream.linear.gather [hbm4b:s11+s4], $0x80, $0x38;
	v63 =	vld [tilespmem:$0x0]  }
0x25: {  	s2 =	simm.s32 $0x180;
	s12 =	rddreg [dreg:$0x8]  }
0x26: {  	[tilespmem:s2], [sflag:$0x3] =	stream.linear.gather [hbm4b:s12+s4], $0x80, $0x38;
	v63 =	vld [tilespmem:$0x0]  }
0x27: {  	s31 =	simm.s32 $0x200;
	s13 =	rddreg [dreg:$0x9]  }
0x28: {  	[tilespmem:s31], [sflag:$0x4] =	stream.linear.gather [hbm4b:s13+s4], $0x80, $0x38;
	v63 =	vld [tilespmem:$0x0]  }
0x29: {  	s17 =	simm.s32 $0x280;
	s16 =	rddreg [dreg:$0xa]  }
0x2a: {  	[tilespmem:s17], [sflag:$0x4] =	stream.linear.gather [hbm4b:s16+s4], $0x80, $0x38;
	v63 =	vld [tilespmem:$0x0]  }
0x2b: {  	_ =	swait.ge [sflag:s23], $0x80  }
0x2c: {  	[sflag:s23] =	ssyncset.done $0x0  }
0x2d: {  	s1 =	simm.s32 $0x400;
	[sflag:s23] =	ssyncadd.s32 $0xFFFFFF80  }
0x2e: {  	[tilespmem:s1], [sflag:$0x1] =	stream.indirect.gather [hbm4b:s0+s20], $0x80, s4, s20, $0xb8;
	v63 =	vld [tilespmem:$0x0]  }
0x2f: {  	_ =	swait.ge [sflag:s23], $0x80  }
0x30: {  	s21 =	simm.s32 $0x4400;
	s5 =	simm.s32 $0x2;
	[sflag:s23] =	ssyncset.done $0x0  }
0x31: {  	s9 =	simm.s32 $0x0;
	s2 =	simm.s32 $0x300;
	[sflag:s23] =	ssyncadd.s32 $0xFFFFFF80  }
0x32: {  	[tilespmem:s21], [sflag:$0x1] =	stream.indirect.gather [hbm4b:s0+s20], $0x80, s20, s20, $0xb8;
	v63 =	vld [tilespmem:$0x0]  }
0x33: {  	s17 =	smov.u32 s22;
	s16 =	smov.u32 s24;
	s21 =	simm.s32 $0x8400  }
.LBB2_2:
0x34: {  	s10 =	smulhi.u32 $0xAAAAAAAB, s9;
	_ =	sdelay $0x1  }
0x35: {  	_ =	swait.ge [sflag:s25], $0x80;
	s10 =	sshrl.u32 s10, $0x1  }
0x36: {  	[sflag:s25] =	ssyncset.done $0x0;
	s11 =	smul.u32 $0xFFFFFA00, s10  }
0x37: {  	s12 =	sadd.s32 $0x2, s5;
	[sflag:s25] =	ssyncadd.s32 $0xFFFFFF80;
	s10 =	smul.u32 $0xFFFD0000, s10  }
0x38: {  	p0 =	sge.u32 s12, s6;
	_ =	swait.ge [sflag:s26], $0x4000  }
0x39: {  	[sflag:s26] =	ssyncset.done $0x0;
	s11 =	sshra.s32 s11, $0x2;
	s10 =	sshra.s32 s10, $0x2  }
0x3a: {  	[sflag:s26] =	ssyncadd.s32 $0xFFFFC000;
	s11 =	sadd.s32 s11, s31;
	s10 =	sadd.s32 s10, s1  }
0x3b: {  	[spmem:s3] =	stream.indirect.scatter.add.f32 [tilespmem:s10], [sflag:$0x2], $0x80, s11, s20, $0xb8;
	v63 =	vld [tilespmem:$0x0]  }
0x3c: {  	s10 =	sadd.s32 @!p0 $0xFFFFFF00, s30  }
0x3d: {  	s13 =	smulhi.u32 $0xAAAAAAAB, s5;
	s12 =	simm.s32 @!p0 $0x0;
	s10 =	sand.u32 @!p0 $0x180, s10  }
0x3e: {  	[tilespmem:s10], [sflag:$0x3] =	stream.linear.gather @!p0 [hbm4b:s17+s12], $0x80, $0x38;
	v63 =	vld [tilespmem:$0x0]  }
0x3f: {  	p0 =	seq.s32 s5, $0x2  }
0x40: {  	s10 =	sshrl.u32 s13, $0x1;
	s11 =	simm.s32 @!p0 $0x2  }
0x41: {  	s13 =	smul.u32 $0xFFFFFA00, s10;
	_ =	swait.ge @!p0 [sflag:s11], $0x4000  }
0x42: {  	[sflag:s11] =	ssyncset.done @!p0 $0x0  }
0x43: {  	s12 =	sshra.s32 s13, $0x2;
	[sflag:s11] =	ssyncadd.s32 @!p0 $0xFFFFC000;
	p0 =	sge.u32 s5, s6  }
0x44: {  	s10 =	smul.u32 $0xFFFD0000, s10;
	s11 =	sadd.s32 s12, s2;
	s12 =	simm.s32 @!p0 $0x0  }
0x45: {  	[tilespmem:s11], [sflag:$0x4] =	stream.linear.gather @!p0 [hbm4b:s16+s12], $0x80, $0x38;
	v63 =	vld [tilespmem:$0x0]  }
0x46: {  	s10 =	sshra.s32 s10, $0x2;
	s11 =	simm.s32 @!p0 $0x3  }
0x47: {  	s10 =	sadd.s32 s10, s21;
	s5 =	sadd.s32 $0x1, s5;
	_ =	swait.ge @!p0 [sflag:s11], $0x80  }
0x48: {  	s12 =	sand.u32 @!p0 $0x180, s30;
	[sflag:s11] =	ssyncset.done @!p0 $0x0;
	s13 =	rddreg [dreg:$0x4]  }
0x49: {  	[sflag:s11] =	ssyncadd.s32 @!p0 $0xFFFFFF80;
	s11 =	simm.s32 @!p0 $0x80;
	s13 =	sadd.s32 s5, s13  }
0x4a: {  	[tilespmem:s10], [sflag:$0x1] =	stream.indirect.gather @!p0 [hbm4b:s0+s11], $0x80, s12, s11, $0xb8;
	v63 =	vld [tilespmem:$0x0]  }
0x4b: {  	p0 =	sne.s32 s13, $0x2  }
.Ltmp0:
0x4c: {  	_ = 	snop;
	(pc) =	sbr.rel @p0 .LBB2_2-.Ltmp0, $4  }
0x4d: {  	_ = 	snop  }
0x4e: {  	s9 =	sadd.s32 $0x1, s9;
	s31 =	sadd.s32 $0x80, s31  }
0x4f: {  	s1 =	sadd.s32 $0x4000, s1;
	s17 =	sadd.s32 $0x10, s17;
	s2 =	sadd.s32 $0x80, s2  }
0x50: {  	s21 =	sadd.s32 $0x4000, s21;
	s16 =	sadd.s32 $0x10, s16;
	s30 =	sadd.s32 $0x80, s30  }
0x51: {  	_ =	swait.ge [sflag:s28], $0x4000  }
0x52: {  	s29 =	sadd.s32 $0x1, s29;
	[sflag:s28] =	ssyncset.done $0x0  }
0x53: {  	p0 =	sne.s32 s29, s15;
	[sflag:s28] =	ssyncadd.s32 $0xFFFFC000  }
.Ltmp1:
0x54: {  	[bflag:$0x0] =	sbarrier.arrive $0xFFFF;
	(pc) =	sbr.rel @p0 .LBB2_1-.Ltmp1, $4  }
0x55: {  	[hbm:s14], [sflag:s7] =	dma.local [spmem:s18], $0x2780  }
0x56: {  	_ =	swait.ge [sflag:s19], $0x2780  }
0x57: {  	[sflag:s19] =	ssyncset.done $0x0  }
0x58: {  	[sflag:s19] =	ssyncadd.s32 $0xFFFFD880  }
0x59: {  	_ =	sfence.sel $0x180000  }
0x5a: {  	[bflag:$0x0] =	sbarrier.arrive $0xFFFF  }
0x5b: {  	_ =	strace $0x9000004A  }
0x5c: {  	s0 =	stileid.u32;
	[bflag:$0x2] =	sbarrier.arrive $0xFFFF  }
0x5d: {  	p0 =	sne.s32 s0, $0x0;
	s0 =	rddreg [dreg:$0x3]  }
0x5e: {  	s0 =	sadd.s32 @!p0 $0x100000, s0  }
0x5f: {  	[sflag:s0] =	ssyncadd.tile.s32 @!p0 $0x1;
	_ =	shalt  }
.Lfunc_end2:
_tile_overlayer_lowered:
.L_overlay_start_2:
0x60: {  	(tag) =	ssettag $0x2  }
0x61: {  	s0 =	rddreg [dreg:$0x0];
	s2 =	stileid.u32  }
0x62: {  	s1 =	rddreg [dreg:$0x1];
	p0 =	sne.s32 s2, $0x0  }
0x63: {  	s3 =	rddreg [dreg:$0x2];
	[bflag:$0x3] =	sbarrier.arrive $0xFFFF;
	s2 =	simm.s32 @!p0 $0x1C05  }
0x64: {  	[timem:s3], [sflag:s2] =	dma.local @!p0 [hbm:s0], s1  }
0x65: {  	s0 =	simm.s32 @!p0 $0x5  }
0x66: {  	_ =	swait.ge @!p0 [sflag:s0], s1  }
0x67: {  	s1 =	ssub.s32 @!p0 $0x0, s1;
	[sflag:s0] =	ssyncset.done @!p0 $0x0  }
0x68: {  	[sflag:s0] =	ssyncadd.s32 @!p0 s1  }
0x69: {  	[bflag:$0x3] =	sbarrier.arrive $0xFFFF  }
0x6a: {  	_ =	shalt  }

// kernel: kernel.14.cloned.1.call-start
scs
__scs_entry_jumppad:
0x0: {  	(pc) =	sbr.rel $0x88, $3  }
0x1: {  	(tag) =	ssettag $0x0;
	lr =	simm.s32 $0x1  }
0x2: {  	[smem:$0x3F97] =	sst lr;
	_ =	strace $0xD0000000  }
0x3: {  	_ = 	snop  }
0x4: {  	_ = 	snop  }
0x5: {  	_ = 	snop  }
0x6: {  	_ = 	snop  }
0x7: {  	_ = 	snop  }
__scs_overlays_trampoline_lowered:
0x8: {  	[smem:$0x3FA6] =	sst s0  }
0x9: {  	[smem:$0x3FA7] =	sst s1  }
0xa: {  	[smem:$0x3FA8] =	sst s2  }
0xb: {  	[smem:$0x3FA9] =	sst s3  }
0xc: {  	[smem:$0x3FAA] =	sst s4  }
0xd: {  	[smem:$0x3FAB] =	sst s5  }
0xe: {  	[smem:$0x3FAC] =	sst s6  }
0xf: {  	[smem:$0x3FAD] =	sst s7  }
0x10: {  	[smem:$0x3FAE] =	sst s8  }
0x11: {  	[smem:$0x3FAF] =	sst s9;
	s0 =	simm.s32 @!p0 $0x0  }
0x12: {  	s1 =	sld [smem:$0x3F95];
	s0 =	simm.s32 @p0 $0x1  }
0x13: {  	[smem:$0x3FB0] =	sst s0;
	s0 =	simm.s32 @!p1 $0x0  }
0x14: {  	s2 =	sld [smem:$0x3F94];
	s0 =	simm.s32 @p1 $0x1  }
0x15: {  	[smem:$0x3FB1] =	sst s0;
	s0 =	simm.s32 @!p2 $0x0  }
0x16: {  	s3 =	sld [smem:$0x3FDB];
	s0 =	simm.s32 @p2 $0x1  }
0x17: {  	s4 =	simm.s32 $0x1BF5;
	[smem:$0x3FB3] =	sst s0  }
0x18: {  	s0 =	sld [smem:$0x3F96];
	_ =	swait.ge [sflag:s4], $0x0  }
0x19: {  	s7 =	sld [smem:$0x3F97]  }
0x1a: {  	s8 =	sadd.s32 $0xFFFFE003, lr  }
0x1b: {  	s9 =	sadd.s32 $0xFFFFFEF7, lr;
	s5 =	simm.s32 $0xFFFFFFFF;
	p2 =	slt.u32 s8, $0xFFFFF086  }
0x1c: {  	p1 =	slt.u32 s9, $0xF7A;
	s5 =	simm.s32 @!p2 $0x0  }
0x1d: {  	s5 =	simm.s32 @p1 $0x1;
	p0 =	seq.s32 s7, s2  }
0x1e: {  	s7 =	smul.u32 @!p0 $0xF7A, s2;
	p2 =	seq.s32 @!p0 s5, $0x0  }
0x1f: {  	s9 =	smul.u32 $0xF7A, s1;
	s8 =	simm.s32 @!p0 $0x1BF5;
	p2 =	por !p2, p0  }
0x20: {  	[sflag:s8] =	ssyncset.s32 @!p0 $0xFFFFF086;
	s6 =	sadd.s32 @!p0 s3, s7;
	s7 =	simm.s32 @!p0 $0x108  }
0x21: {  	s3 =	sadd.s32 s3, s9;
	s6 =	sadd.s32 @!p0 $0x88, s6;
	s7 =	simm.s32 @p2 $0x1082  }
0x22: {  	[simem:s7], [sflag:s8] =	dma.local @!p0 [hbm:s6], $0xF7A  }
0x23: {  	s9 =	sor.u32 $0xD0000000, s2;
	s6 =	simm.s32 $0x108;
	_ =	swait.ge @!p0 [sflag:s8], $0x0  }
0x24: {  	s3 =	sadd.s32 $0x88, s3;
	s6 =	simm.s32 @!p1 $0x1082;
	[sflag:s4] =	ssyncset.s32 $0xFFFFF086  }
0x25: {  	[simem:s6], [sflag:s4] =	dma.local [hbm:s3], $0xF7A  }
0x26: {  	[smem:$0x3F97] =	sst s1;
	(tag) =	ssettag s2;
	_ =	strace s9  }
0x27: {  	s1 =	sld [smem:$0x3FA7]  }
0x28: {  	s2 =	sld [smem:$0x3FA8]  }
0x29: {  	s4 =	sld [smem:$0x3FAA]  }
0x2a: {  	p0 =	seq.s32 s5, $0x0;
	s5 =	sld [smem:$0x3FAB]  }
0x2b: {  	s6 =	sld [smem:$0x3FAC]  }
0x2c: {  	s7 =	sld [smem:$0x3FAD]  }
0x2d: {  	s3 =	simm.s32 $0x108;
	s8 =	sld [smem:$0x3FAE]  }
0x2e: {  	s3 =	simm.s32 @!p0 $0x1082;
	s9 =	sld [smem:$0x3FAF]  }
0x2f: {  	lr =	sadd.s32 s0, s3;
	s0 =	sld [smem:$0x3FA6]  }
0x30: {  	s3 =	sld [smem:$0x3FA9]  }
0x31: {  	[smem:$0x3FB2] =	sst s10  }
0x32: {  	s10 =	sld [smem:$0x3FB0];
	_ =	sdelay $0x3  }
0x33: {  	p0 =	seq.s32 s10, $0x1;
	s10 =	sld [smem:$0x3FB2];
	_ =	sdelay $0x3  }
0x34: {  	[smem:$0x3FB2] =	sst s10  }
0x35: {  	s10 =	sld [smem:$0x3FB1];
	_ =	sdelay $0x3  }
0x36: {  	p1 =	seq.s32 s10, $0x1;
	s10 =	sld [smem:$0x3FB2];
	_ =	sdelay $0x3  }
0x37: {  	[smem:$0x3FB2] =	sst s10  }
0x38: {  	s10 =	sld [smem:$0x3FB3]  }
0x39: {  	_ = 	snop;
	(pc) =	sbr.ind lr, $3  }
0x3a: {  	_ = 	snop  }
0x3b: {  	_ = 	snop  }
0x3c: {  	p2 =	seq.s32 s10, $0x1;
	s10 =	sld [smem:$0x3FB2]  }
0x3d: {  	_ =	shalt  }
0x3e: {  	_ =	shalt  }
0x3f: {  	_ =	shalt  }
0x40: {  	_ =	shalt  }
0x41: {  	_ =	shalt  }
0x42: {  	_ =	shalt  }
0x43: {  	_ =	shalt  }
0x44: {  	_ =	shalt  }
0x45: {  	_ =	shalt  }
0x46: {  	_ =	shalt  }
0x47: {  	_ =	shalt  }
0x48: {  	_ =	shalt  }
0x49: {  	_ =	shalt  }
0x4a: {  	_ =	shalt  }
0x4b: {  	_ =	shalt  }
0x4c: {  	_ =	shalt  }
0x4d: {  	_ =	shalt  }
0x4e: {  	_ =	shalt  }
0x4f: {  	_ =	shalt  }
0x50: {  	_ =	shalt  }
0x51: {  	_ =	shalt  }
0x52: {  	_ =	shalt  }
0x53: {  	_ =	shalt  }
0x54: {  	_ =	shalt  }
0x55: {  	_ =	shalt  }
0x56: {  	_ =	shalt  }
0x57: {  	_ =	shalt  }
0x58: {  	_ =	shalt  }
0x59: {  	_ =	shalt  }
0x5a: {  	_ =	shalt  }
0x5b: {  	_ =	shalt  }
0x5c: {  	_ =	shalt  }
0x5d: {  	_ =	shalt  }
0x5e: {  	_ =	shalt  }
0x5f: {  	_ =	shalt  }
0x60: {  	_ =	shalt  }
0x61: {  	_ =	shalt  }
0x62: {  	_ =	shalt  }
0x63: {  	_ =	shalt  }
0x64: {  	_ =	shalt  }
0x65: {  	_ =	shalt  }
0x66: {  	_ =	shalt  }
0x67: {  	_ =	shalt  }
0x68: {  	_ =	shalt  }
0x69: {  	_ =	shalt  }
0x6a: {  	_ =	shalt  }
0x6b: {  	_ =	shalt  }
0x6c: {  	_ =	shalt  }
0x6d: {  	_ =	shalt  }
0x6e: {  	_ =	shalt  }
0x6f: {  	_ =	shalt  }
0x70: {  	_ =	shalt  }
0x71: {  	_ =	shalt  }
0x72: {  	_ =	shalt  }
0x73: {  	_ =	shalt  }
0x74: {  	_ =	shalt  }
0x75: {  	_ =	shalt  }
0x76: {  	_ =	shalt  }
0x77: {  	_ =	shalt  }
0x78: {  	_ =	shalt  }
0x79: {  	_ =	shalt  }
0x7a: {  	_ =	shalt  }
0x7b: {  	_ =	shalt  }
0x7c: {  	_ =	shalt  }
0x7d: {  	_ =	shalt  }
0x7e: {  	_ =	shalt  }
0x7f: {  	_ =	shalt  }
0x80: {  	_ =	shalt  }
0x81: {  	_ =	shalt  }
0x82: {  	_ =	shalt  }
0x83: {  	_ =	shalt  }
0x84: {  	_ =	shalt  }
0x85: {  	_ =	shalt  }
0x86: {  	_ =	shalt  }
0x87: {  	_ =	shalt  }
.Lfunc_end0:
.L_simem_size_0:
called_computation.2_lowered:
.L_overlay_start_0:
0x88: {  	s2 =	sld [smem:$0x3FD9]  }
0x89: {  	s3 =	sld [smem:$0x3FFE];
	_ =	sdelay $0x1  }
0x8a: {  	s1 =	srdreg.scid  }
0x8b: {  	s0 =	sand.u32 $0x1, s1  }
0x8c: {  	s17 =	sshll.u32 s0, $0xA;
	s2 =	sadd.s32 s3, s2  }
0x8d: {  	s2 =	sadd.s32 s2, s17  }
0x8e: {  	[smem:$0x3FBE] =	sst s2  }
0x8f: {  	_ = 	snop  }
0x90: {  	s2 =	sld [smem:$0x3FD0];
	(tm) =	ssettm $0x1  }
0x91: {  	s18 =	sld [smem:$0x3FFB];
	_ =	sdelay $0x3  }
0x92: {  	_ =	strace s18  }
0x93: {  	s3 =	sld [smem:$0x3FFC];
	_ =	sdelay $0x3  }
0x94: {  	_ =	strace s3  }
0x95: {  	s3 =	sld [smem:$0x3FFD];
	_ =	sdelay $0x3  }
0x96: {  	_ =	strace s3  }
0x97: {  	_ =	strace $0x8FFFFFFF  }
0x98: {  	s19 =	sld [smem:$0x3FDB];
	_ =	sdelay $0x1  }
0x99: {  	s4 =	simm.s32 $_scs_section_size  }
0x9a: {  	s5 =	simm.s32 $_size__tile_overlayer_lowered;
	s6 =	simm.s32 $_tile_overlayer_lowered  }
0x9b: {  	s22 =	simm.s32 $0x1BFF;
	s21 =	sshll.u32 s6, $0x1;
	s3 =	sadd.s32 s4, s19  }
0x9c: {  	s7 =	simm.s32 $0x0;
	s20 =	sshll.u32 s5, $0x1;
	s5 =	sadd.s32 s21, s3  }
0x9d: {  	[timem:s7], [sflag:s22] =	dma.local [hbm:s5], s20  }
0x9e: {  	_ =	swait.ge [sflag:s22], s20  }
0x9f: {  	s4 =	ssub.s32 $0x0, s20;
	[sflag:s22] =	ssyncset.done $0x0  }
0xa0: {  	[sflag:s22] =	ssyncadd.s32 s4;
	_ =	sdelay $0x1  }
0xa1: {  	s23 =	simm.s32 $0x1B8B  }
0xa2: {  	_ =	swait.ge [sflag:s23], $0x1  }
0xa3: {  	[sflag:s23] =	ssyncset.done $0x0  }
0xa4: {  	s25 =	simm.s32 $0x1B8E;
	s24 =	sld [smem:$0x3FFE];
	[sflag:s23] =	ssyncadd.s32 $0xFFFFFFFF  }
0xa5: {  	s26 =	simm.s32 $execute0_lowered;
	[smem:$0x3FD2] =	sst s25  }
0xa6: {  	s5 =	sshll.u32 s26, $0x1;
	_ =	strace $0x8000004C;
	[dreg:$0x1] =	wrdreg $0xFFFFFFFF  }
0xa7: {  	s28 =	simm.s32 $_size_execute0_lowered;
	s3 =	sadd.s32 s3, s5;
	[dreg:$0x0] =	wrdreg $0x0  }
0xa8: {  	s5 =	sshll.u32 s28, $0x1;
	[dreg:$0x2] =	wrdreg s3  }
0xa9: {  	[dreg:$0x3] =	wrdreg s5  }
0xaa: {  	[dreg:$0x4] =	wrdreg $0xC0  }
0xab: {  	_ =	task [dreg:s7], $0x5FFFF  }
0xac: {  	[dreg:$0x1] =	wrdreg $0xFFFFFFFF  }
0xad: {  	[dreg:$0x0] =	wrdreg $0x60  }
0xae: {  	[dreg:$0x2] =	wrdreg s2  }
0xaf: {  	[dreg:$0x3] =	wrdreg s24  }
0xb0: {  	[dreg:$0x4] =	wrdreg $0xC4000  }
0xb1: {  	[dreg:$0x5] =	wrdreg $0x9  }
0xb2: {  	_ =	task.clear_ibuf [dreg:s7], $0x6FFFF;
	_ =	strace $0x9000004C  }
0xb3: {  	s29 =	simm.s32 $0x9;
	_ =	strace $0x8000004E  }
0xb4: {  	_ =	swait.ge [sflag:s29], $0x1  }
0xb5: {  	[sflag:s29] =	ssyncadd.s32 $0xFFFFFFFF  }
0xb6: {  	_ =	strace $0x9000004E  }
0xb7: {  	_ =	sfence  }
0xb8: {  	s30 =	sld [smem:$0x0];
	_ =	sdelay $0x2  }
0xb9: {  	s31 =	sshll.u32 s1, $0xD;
	s1 =	sshrl.u32 s1, $0x2  }
0xba: {  	s3 =	sand.u32 $0x4000, s31;
	s1 =	sadd.s32 s1, s30  }
0xbb: {  	s0 =	sor.u32 s3, s0;
	s1 =	sshll.u32 s1, $0x11  }
0xbc: {  	s0 =	sor.u32 s1, s0  }
0xbd: {  	s0 =	sadd.s32 $0x8F2B, s0  }
0xbe: {  	[sflag:s0] =	ssyncadd.remote.s32 $0x1  }
0xbf: {  	_ =	sfence.sel $0xFFFF  }
0xc0: {  	[dreg:$0x0] =	wrdreg $0xFFFFFFFF;
	(pc) =	sbr.abs _section_cstart, $3  }
0xc1: {  	[dreg:$0x1] =	wrdreg $0xFFFFFFFF  }
0xc2: {  	_ =	task.clear_ibuf [dreg:s7], $0x2FFFF;
	_ =	strace $0x9FFFFFFF  }
0xc3: {  	(tm) =	ssettm $0x7FFFFFFF  }
tec
execute0_lowered:
.L_overlay_start_1:
0x0: {  	(tag) =	ssettag $0x1  }
0x1: {  	s0 =	rddreg [dreg:$0x0]  }
0x2: {  	s1 =	rddreg [dreg:$0x1];
	s2 =	srdreg.scid  }
0x3: {  	s3 =	rddreg [dreg:$0x2];
	s11 =	stileid.u32;
	s4 =	simm.s32 $0x0  }
0x4: {  	s28 =	simm.s32 $0x2;
	s29 =	simm.s32 $0x0;
	s6 =	smul.u32 $0x13C00, s11  }
0x5: {  	s2 =	sand.u32 $0x1, s2;
	[smem:$0x7FF] =	sst s4;
	s10 =	smul.u32 $0x4F000, s11  }
0x6: {  	s9 =	sadd.s32 $0x3200, s1;
	s15 =	sadd.s32 $0x16C00, s1;
	s5 =	smul.u32 $0x13C000, s2  }
0x7: {  	s20 =	sshll.u32 s11, $0x6;
	_ =	strace $0x8000004D;
	s14 =	smul.u32 $0x27000, s2  }
0x8: {  	[dreg:$0x5] =	wrdreg s15;
	s16 =	ssub.s32 $0x2, s2;
	s15 =	smul.u32 $0x2700, s11  }
0x9: {  	s17 =	sshll.u32 s2, $0x4;
	s2 =	smul.u32 $0x4E0, s2;
	s7 =	sshrl.u32 s16, $0x1  }
0xa: {  	s8 =	sor.u32 s11, s17;
	s19 =	sshrl.u32 s10, $0x2;
	s5 =	sadd.s32 s6, s5  }
0xb: {  	p0 =	slt.u32 s8, $0x4;
	s18 =	smul.u32 $0x4E, s8;
	s6 =	simm.s32 $0x4F  }
0xc: {  	s17 =	sadd.s32 s19, s3;
	s5 =	sshrl.u32 s5, $0x3;
	s6 =	simm.s32 @!p0 $0x4E  }
0xd: {  	s1 =	sadd.s32 s5, s1;
	s5 =	ssub.s32 s16, s7;
	s16 =	smin.u32 s8, $0x4  }
0xe: {  	s15 =	sadd.s32 s15, s14;
	s30 =	ssub.s32 $0x0, s6;
	s7 =	sadd.s32 s16, s18  }
0xf: {  	s18 =	smul.u32 $0x4E, s11;
	s19 =	sshll.u32 s16, $0x7;
	s14 =	sadd.s32 $0x68400, s1  }
0x10: {  	[dreg:$0x4] =	wrdreg s30;
	s21 =	sshll.u32 s7, $0x4;
	s7 =	sor.u32 $0x1C05, s20  }
0x11: {  	s26 =	sadd.s32 s19, s15;
	s15 =	smax.u32 s5, $0x1;
	s19 =	simm.s32 $0x5  }
0x12: {  	s20 =	simm.s32 $0x80;
	s8 =	sadd.s32 s9, s21;
	s2 =	sadd.s32 s18, s2  }
0x13: {  	s1 =	sadd.s32 $0x4E300, s26;
	s18 =	sshrl.u32 s17, $0x3;
	s10 =	sadd.s32 $0x10, s8  }
0x14: {  	s26 =	simm.s32 $0x1;
	s22 =	sadd.s32 $0x20, s8;
	[dreg:$0x6] =	wrdreg s10  }
0x15: {  	s23 =	sadd.s32 $0x30, s8;
	s24 =	sadd.s32 $0x9C40, s8;
	[dreg:$0x7] =	wrdreg s22  }
0x16: {  	s25 =	sadd.s32 $0x9C50, s8;
	s2 =	sadd.s32 s16, s2;
	[dreg:$0x8] =	wrdreg s23  }
0x17: {  	s1 =	sshrl.u32 s1, $0x3;
	[dreg:$0x9] =	wrdreg s24;
	s2 =	sshll.u32 s2, $0x4  }
0x18: {  	[dreg:$0xa] =	wrdreg s25;
	s24 =	sadd.s32 s1, s9;
	s31 =	sadd.s32 s9, s2  }
0x19: {  	s23 =	simm.s32 $0x3;
	s25 =	simm.s32 $0x4;
	s22 =	sadd.s32 $0x40, s31  }
.LBB2_1:
0x1a: {  	s1 =	rddreg [dreg:$0x5]  }
0x1b: {  	[spmem:s18], [sflag:s7] =	dma.local [hbm:s1], $0x2780  }
0x1c: {  	_ =	swait.ge [sflag:s19], $0x2780  }
0x1d: {  	[sflag:s19] =	ssyncset.done $0x0  }
0x1e: {  	[sflag:s19] =	ssyncadd.s32 $0xFFFFD880  }
0x1f: {  	[bflag:$0x0] =	sbarrier.arrive $0xFFFF  }
0x20: {  	[tilespmem:s4], [sflag:$0x3] =	stream.linear.gather [hbm4b:s8+s4], $0x80, $0x38;
	v63 =	vld [tilespmem:$0x0]  }
0x21: {  	s10 =	rddreg [dreg:$0x6]  }
0x22: {  	[tilespmem:s20], [sflag:$0x3] =	stream.linear.gather [hbm4b:s10+s4], $0x80, $0x38;
	v63 =	vld [tilespmem:$0x0]  }
0x23: {  	s30 =	simm.s32 $0x100;
	s11 =	rddreg [dreg:$0x7]  }
0x24: {  	[tilespmem:s30], [sflag:$0x3] =	stream.linear.gather [hbm4b:s11+s4], $0x80, $0x38;
	v63 =	vld [tilespmem:$0x0]  }
0x25: {  	s2 =	simm.s32 $0x180;
	s12 =	rddreg [dreg:$0x8]  }
0x26: {  	[tilespmem:s2], [sflag:$0x3] =	stream.linear.gather [hbm4b:s12+s4], $0x80, $0x38;
	v63 =	vld [tilespmem:$0x0]  }
0x27: {  	s31 =	simm.s32 $0x200;
	s13 =	rddreg [dreg:$0x9]  }
0x28: {  	[tilespmem:s31], [sflag:$0x4] =	stream.linear.gather [hbm4b:s13+s4], $0x80, $0x38;
	v63 =	vld [tilespmem:$0x0]  }
0x29: {  	s17 =	simm.s32 $0x280;
	s16 =	rddreg [dreg:$0xa]  }
0x2a: {  	[tilespmem:s17], [sflag:$0x4] =	stream.linear.gather [hbm4b:s16+s4], $0x80, $0x38;
	v63 =	vld [tilespmem:$0x0]  }
0x2b: {  	_ =	swait.ge [sflag:s23], $0x80  }
0x2c: {  	[sflag:s23] =	ssyncset.done $0x0  }
0x2d: {  	s1 =	simm.s32 $0x400;
	[sflag:s23] =	ssyncadd.s32 $0xFFFFFF80  }
0x2e: {  	[tilespmem:s1], [sflag:$0x1] =	stream.indirect.gather [hbm4b:s0+s20], $0x80, s4, s20, $0xb8;
	v63 =	vld [tilespmem:$0x0]  }
0x2f: {  	_ =	swait.ge [sflag:s23], $0x80  }
0x30: {  	s21 =	simm.s32 $0x4400;
	s5 =	simm.s32 $0x2;
	[sflag:s23] =	ssyncset.done $0x0  }
0x31: {  	s9 =	simm.s32 $0x0;
	s2 =	simm.s32 $0x300;
	[sflag:s23] =	ssyncadd.s32 $0xFFFFFF80  }
0x32: {  	[tilespmem:s21], [sflag:$0x1] =	stream.indirect.gather [hbm4b:s0+s20], $0x80, s20, s20, $0xb8;
	v63 =	vld [tilespmem:$0x0]  }
0x33: {  	s17 =	smov.u32 s22;
	s16 =	smov.u32 s24;
	s21 =	simm.s32 $0x8400  }
.LBB2_2:
0x34: {  	s10 =	smulhi.u32 $0xAAAAAAAB, s9;
	_ =	sdelay $0x1  }
0x35: {  	_ =	swait.ge [sflag:s25], $0x80;
	s10 =	sshrl.u32 s10, $0x1  }
0x36: {  	[sflag:s25] =	ssyncset.done $0x0;
	s11 =	smul.u32 $0xFFFFFA00, s10  }
0x37: {  	s12 =	sadd.s32 $0x2, s5;
	[sflag:s25] =	ssyncadd.s32 $0xFFFFFF80;
	s10 =	smul.u32 $0xFFFD0000, s10  }
0x38: {  	p0 =	sge.u32 s12, s6;
	_ =	swait.ge [sflag:s26], $0x4000  }
0x39: {  	[sflag:s26] =	ssyncset.done $0x0;
	s11 =	sshra.s32 s11, $0x2;
	s10 =	sshra.s32 s10, $0x2  }
0x3a: {  	[sflag:s26] =	ssyncadd.s32 $0xFFFFC000;
	s11 =	sadd.s32 s11, s31;
	s10 =	sadd.s32 s10, s1  }
0x3b: {  	[spmem:s3] =	stream.indirect.scatter.add.f32 [tilespmem:s10], [sflag:$0x2], $0x80, s11, s20, $0xb8;
	v63 =	vld [tilespmem:$0x0]  }
0x3c: {  	s10 =	sadd.s32 @!p0 $0xFFFFFF00, s30  }
0x3d: {  	s13 =	smulhi.u32 $0xAAAAAAAB, s5;
	s12 =	simm.s32 @!p0 $0x0;
	s10 =	sand.u32 @!p0 $0x180, s10  }
0x3e: {  	[tilespmem:s10], [sflag:$0x3] =	stream.linear.gather @!p0 [hbm4b:s17+s12], $0x80, $0x38;
	v63 =	vld [tilespmem:$0x0]  }
0x3f: {  	p0 =	seq.s32 s5, $0x2  }
0x40: {  	s10 =	sshrl.u32 s13, $0x1;
	s11 =	simm.s32 @!p0 $0x2  }
0x41: {  	s13 =	smul.u32 $0xFFFFFA00, s10;
	_ =	swait.ge @!p0 [sflag:s11], $0x4000  }
0x42: {  	[sflag:s11] =	ssyncset.done @!p0 $0x0  }
0x43: {  	s12 =	sshra.s32 s13, $0x2;
	[sflag:s11] =	ssyncadd.s32 @!p0 $0xFFFFC000;
	p0 =	sge.u32 s5, s6  }
0x44: {  	s10 =	smul.u32 $0xFFFD0000, s10;
	s11 =	sadd.s32 s12, s2;
	s12 =	simm.s32 @!p0 $0x0  }
0x45: {  	[tilespmem:s11], [sflag:$0x4] =	stream.linear.gather @!p0 [hbm4b:s16+s12], $0x80, $0x38;
	v63 =	vld [tilespmem:$0x0]  }
0x46: {  	s10 =	sshra.s32 s10, $0x2;
	s11 =	simm.s32 @!p0 $0x3  }
0x47: {  	s10 =	sadd.s32 s10, s21;
	s5 =	sadd.s32 $0x1, s5;
	_ =	swait.ge @!p0 [sflag:s11], $0x80  }
0x48: {  	s12 =	sand.u32 @!p0 $0x180, s30;
	[sflag:s11] =	ssyncset.done @!p0 $0x0;
	s13 =	rddreg [dreg:$0x4]  }
0x49: {  	[sflag:s11] =	ssyncadd.s32 @!p0 $0xFFFFFF80;
	s11 =	simm.s32 @!p0 $0x80;
	s13 =	sadd.s32 s5, s13  }
0x4a: {  	[tilespmem:s10], [sflag:$0x1] =	stream.indirect.gather @!p0 [hbm4b:s0+s11], $0x80, s12, s11, $0xb8;
	v63 =	vld [tilespmem:$0x0]  }
0x4b: {  	p0 =	sne.s32 s13, $0x2  }
.Ltmp0:
0x4c: {  	_ = 	snop;
	(pc) =	sbr.rel @p0 .LBB2_2-.Ltmp0, $4  }
0x4d: {  	_ = 	snop  }
0x4e: {  	s9 =	sadd.s32 $0x1, s9;
	s31 =	sadd.s32 $0x80, s31  }
0x4f: {  	s1 =	sadd.s32 $0x4000, s1;
	s17 =	sadd.s32 $0x10, s17;
	s2 =	sadd.s32 $0x80, s2  }
0x50: {  	s21 =	sadd.s32 $0x4000, s21;
	s16 =	sadd.s32 $0x10, s16;
	s30 =	sadd.s32 $0x80, s30  }
0x51: {  	_ =	swait.ge [sflag:s28], $0x4000  }
0x52: {  	s29 =	sadd.s32 $0x1, s29;
	[sflag:s28] =	ssyncset.done $0x0  }
0x53: {  	p0 =	sne.s32 s29, s15;
	[sflag:s28] =	ssyncadd.s32 $0xFFFFC000  }
.Ltmp1:
0x54: {  	[bflag:$0x0] =	sbarrier.arrive $0xFFFF;
	(pc) =	sbr.rel @p0 .LBB2_1-.Ltmp1, $4  }
0x55: {  	[hbm:s14], [sflag:s7] =	dma.local [spmem:s18], $0x2780  }
0x56: {  	_ =	swait.ge [sflag:s19], $0x2780  }
0x57: {  	[sflag:s19] =	ssyncset.done $0x0  }
0x58: {  	[sflag:s19] =	ssyncadd.s32 $0xFFFFD880  }
0x59: {  	_ =	sfence.sel $0x180000  }
0x5a: {  	[bflag:$0x0] =	sbarrier.arrive $0xFFFF  }
0x5b: {  	_ =	strace $0x9000004D  }
0x5c: {  	s0 =	stileid.u32;
	[bflag:$0x2] =	sbarrier.arrive $0xFFFF  }
0x5d: {  	p0 =	sne.s32 s0, $0x0;
	s0 =	rddreg [dreg:$0x3]  }
0x5e: {  	s0 =	sadd.s32 @!p0 $0x100000, s0  }
0x5f: {  	[sflag:s0] =	ssyncadd.tile.s32 @!p0 $0x1;
	_ =	shalt  }
.Lfunc_end2:
_tile_overlayer_lowered:
.L_overlay_start_2:
0x60: {  	(tag) =	ssettag $0x2  }
0x61: {  	s0 =	rddreg [dreg:$0x0];
	s2 =	stileid.u32  }
0x62: {  	s1 =	rddreg [dreg:$0x1];
	p0 =	sne.s32 s2, $0x0  }
0x63: {  	s3 =	rddreg [dreg:$0x2];
	[bflag:$0x3] =	sbarrier.arrive $0xFFFF;
	s2 =	simm.s32 @!p0 $0x1C05  }
0x64: {  	[timem:s3], [sflag:s2] =	dma.local @!p0 [hbm:s0], s1  }
0x65: {  	s0 =	simm.s32 @!p0 $0x5  }
0x66: {  	_ =	swait.ge @!p0 [sflag:s0], s1  }
0x67: {  	s1 =	ssub.s32 @!p0 $0x0, s1;
	[sflag:s0] =	ssyncset.done @!p0 $0x0  }
0x68: {  	[sflag:s0] =	ssyncadd.s32 @!p0 s1  }
0x69: {  	[bflag:$0x3] =	sbarrier.arrive $0xFFFF  }
0x6a: {  	_ =	shalt  }

// kernel: kernel.8.cloned.1.call-start
scs
__scs_entry_jumppad:
0x0: {  	(pc) =	sbr.rel $0x88, $3  }
0x1: {  	(tag) =	ssettag $0x0;
	lr =	simm.s32 $0x1  }
0x2: {  	[smem:$0x3F97] =	sst lr;
	_ =	strace $0xD0000000  }
0x3: {  	_ = 	snop  }
0x4: {  	_ = 	snop  }
0x5: {  	_ = 	snop  }
0x6: {  	_ = 	snop  }
0x7: {  	_ = 	snop  }
__scs_overlays_trampoline_lowered:
0x8: {  	[smem:$0x3FA6] =	sst s0  }
0x9: {  	[smem:$0x3FA7] =	sst s1  }
0xa: {  	[smem:$0x3FA8] =	sst s2  }
0xb: {  	[smem:$0x3FA9] =	sst s3  }
0xc: {  	[smem:$0x3FAA] =	sst s4  }
0xd: {  	[smem:$0x3FAB] =	sst s5  }
0xe: {  	[smem:$0x3FAC] =	sst s6  }
0xf: {  	[smem:$0x3FAD] =	sst s7  }
0x10: {  	[smem:$0x3FAE] =	sst s8  }
0x11: {  	[smem:$0x3FAF] =	sst s9;
	s0 =	simm.s32 @!p0 $0x0  }
0x12: {  	s1 =	sld [smem:$0x3F95];
	s0 =	simm.s32 @p0 $0x1  }
0x13: {  	[smem:$0x3FB0] =	sst s0;
	s0 =	simm.s32 @!p1 $0x0  }
0x14: {  	s2 =	sld [smem:$0x3F94];
	s0 =	simm.s32 @p1 $0x1  }
0x15: {  	[smem:$0x3FB1] =	sst s0;
	s0 =	simm.s32 @!p2 $0x0  }
0x16: {  	s3 =	sld [smem:$0x3FDB];
	s0 =	simm.s32 @p2 $0x1  }
0x17: {  	s4 =	simm.s32 $0x1BF5;
	[smem:$0x3FB3] =	sst s0  }
0x18: {  	s0 =	sld [smem:$0x3F96];
	_ =	swait.ge [sflag:s4], $0x0  }
0x19: {  	s7 =	sld [smem:$0x3F97]  }
0x1a: {  	s8 =	sadd.s32 $0xFFFFE003, lr  }
0x1b: {  	s9 =	sadd.s32 $0xFFFFFEF7, lr;
	s5 =	simm.s32 $0xFFFFFFFF;
	p2 =	slt.u32 s8, $0xFFFFF086  }
0x1c: {  	p1 =	slt.u32 s9, $0xF7A;
	s5 =	simm.s32 @!p2 $0x0  }
0x1d: {  	s5 =	simm.s32 @p1 $0x1;
	p0 =	seq.s32 s7, s2  }
0x1e: {  	s7 =	smul.u32 @!p0 $0xF7A, s2;
	p2 =	seq.s32 @!p0 s5, $0x0  }
0x1f: {  	s9 =	smul.u32 $0xF7A, s1;
	s8 =	simm.s32 @!p0 $0x1BF5;
	p2 =	por !p2, p0  }
0x20: {  	[sflag:s8] =	ssyncset.s32 @!p0 $0xFFFFF086;
	s6 =	sadd.s32 @!p0 s3, s7;
	s7 =	simm.s32 @!p0 $0x108  }
0x21: {  	s3 =	sadd.s32 s3, s9;
	s6 =	sadd.s32 @!p0 $0x88, s6;
	s7 =	simm.s32 @p2 $0x1082  }
0x22: {  	[simem:s7], [sflag:s8] =	dma.local @!p0 [hbm:s6], $0xF7A  }
0x23: {  	s9 =	sor.u32 $0xD0000000, s2;
	s6 =	simm.s32 $0x108;
	_ =	swait.ge @!p0 [sflag:s8], $0x0  }
0x24: {  	s3 =	sadd.s32 $0x88, s3;
	s6 =	simm.s32 @!p1 $0x1082;
	[sflag:s4] =	ssyncset.s32 $0xFFFFF086  }
0x25: {  	[simem:s6], [sflag:s4] =	dma.local [hbm:s3], $0xF7A  }
0x26: {  	[smem:$0x3F97] =	sst s1;
	(tag) =	ssettag s2;
	_ =	strace s9  }
0x27: {  	s1 =	sld [smem:$0x3FA7]  }
0x28: {  	s2 =	sld [smem:$0x3FA8]  }
0x29: {  	s4 =	sld [smem:$0x3FAA]  }
0x2a: {  	p0 =	seq.s32 s5, $0x0;
	s5 =	sld [smem:$0x3FAB]  }
0x2b: {  	s6 =	sld [smem:$0x3FAC]  }
0x2c: {  	s7 =	sld [smem:$0x3FAD]  }
0x2d: {  	s3 =	simm.s32 $0x108;
	s8 =	sld [smem:$0x3FAE]  }
0x2e: {  	s3 =	simm.s32 @!p0 $0x1082;
	s9 =	sld [smem:$0x3FAF]  }
0x2f: {  	lr =	sadd.s32 s0, s3;
	s0 =	sld [smem:$0x3FA6]  }
0x30: {  	s3 =	sld [smem:$0x3FA9]  }
0x31: {  	[smem:$0x3FB2] =	sst s10  }
0x32: {  	s10 =	sld [smem:$0x3FB0];
	_ =	sdelay $0x3  }
0x33: {  	p0 =	seq.s32 s10, $0x1;
	s10 =	sld [smem:$0x3FB2];
	_ =	sdelay $0x3  }
0x34: {  	[smem:$0x3FB2] =	sst s10  }
0x35: {  	s10 =	sld [smem:$0x3FB1];
	_ =	sdelay $0x3  }
0x36: {  	p1 =	seq.s32 s10, $0x1;
	s10 =	sld [smem:$0x3FB2];
	_ =	sdelay $0x3  }
0x37: {  	[smem:$0x3FB2] =	sst s10  }
0x38: {  	s10 =	sld [smem:$0x3FB3]  }
0x39: {  	_ = 	snop;
	(pc) =	sbr.ind lr, $3  }
0x3a: {  	_ = 	snop  }
0x3b: {  	_ = 	snop  }
0x3c: {  	p2 =	seq.s32 s10, $0x1;
	s10 =	sld [smem:$0x3FB2]  }
0x3d: {  	_ =	shalt  }
0x3e: {  	_ =	shalt  }
0x3f: {  	_ =	shalt  }
0x40: {  	_ =	shalt  }
0x41: {  	_ =	shalt  }
0x42: {  	_ =	shalt  }
0x43: {  	_ =	shalt  }
0x44: {  	_ =	shalt  }
0x45: {  	_ =	shalt  }
0x46: {  	_ =	shalt  }
0x47: {  	_ =	shalt  }
0x48: {  	_ =	shalt  }
0x49: {  	_ =	shalt  }
0x4a: {  	_ =	shalt  }
0x4b: {  	_ =	shalt  }
0x4c: {  	_ =	shalt  }
0x4d: {  	_ =	shalt  }
0x4e: {  	_ =	shalt  }
0x4f: {  	_ =	shalt  }
0x50: {  	_ =	shalt  }
0x51: {  	_ =	shalt  }
0x52: {  	_ =	shalt  }
0x53: {  	_ =	shalt  }
0x54: {  	_ =	shalt  }
0x55: {  	_ =	shalt  }
0x56: {  	_ =	shalt  }
0x57: {  	_ =	shalt  }
0x58: {  	_ =	shalt  }
0x59: {  	_ =	shalt  }
0x5a: {  	_ =	shalt  }
0x5b: {  	_ =	shalt  }
0x5c: {  	_ =	shalt  }
0x5d: {  	_ =	shalt  }
0x5e: {  	_ =	shalt  }
0x5f: {  	_ =	shalt  }
0x60: {  	_ =	shalt  }
0x61: {  	_ =	shalt  }
0x62: {  	_ =	shalt  }
0x63: {  	_ =	shalt  }
0x64: {  	_ =	shalt  }
0x65: {  	_ =	shalt  }
0x66: {  	_ =	shalt  }
0x67: {  	_ =	shalt  }
0x68: {  	_ =	shalt  }
0x69: {  	_ =	shalt  }
0x6a: {  	_ =	shalt  }
0x6b: {  	_ =	shalt  }
0x6c: {  	_ =	shalt  }
0x6d: {  	_ =	shalt  }
0x6e: {  	_ =	shalt  }
0x6f: {  	_ =	shalt  }
0x70: {  	_ =	shalt  }
0x71: {  	_ =	shalt  }
0x72: {  	_ =	shalt  }
0x73: {  	_ =	shalt  }
0x74: {  	_ =	shalt  }
0x75: {  	_ =	shalt  }
0x76: {  	_ =	shalt  }
0x77: {  	_ =	shalt  }
0x78: {  	_ =	shalt  }
0x79: {  	_ =	shalt  }
0x7a: {  	_ =	shalt  }
0x7b: {  	_ =	shalt  }
0x7c: {  	_ =	shalt  }
0x7d: {  	_ =	shalt  }
0x7e: {  	_ =	shalt  }
0x7f: {  	_ =	shalt  }
0x80: {  	_ =	shalt  }
0x81: {  	_ =	shalt  }
0x82: {  	_ =	shalt  }
0x83: {  	_ =	shalt  }
0x84: {  	_ =	shalt  }
0x85: {  	_ =	shalt  }
0x86: {  	_ =	shalt  }
0x87: {  	_ =	shalt  }
.Lfunc_end0:
.L_simem_size_0:
called_computation_lowered:
.L_overlay_start_0:
0x88: {  	s2 =	sld [smem:$0x3FD9]  }
0x89: {  	s3 =	sld [smem:$0x3FFE];
	_ =	sdelay $0x1  }
0x8a: {  	s1 =	srdreg.scid  }
0x8b: {  	s0 =	sand.u32 $0x1, s1  }
0x8c: {  	s17 =	sshll.u32 s0, $0xA;
	s2 =	sadd.s32 s3, s2  }
0x8d: {  	s2 =	sadd.s32 s2, s17  }
0x8e: {  	[smem:$0x3FBE] =	sst s2  }
0x8f: {  	_ = 	snop  }
0x90: {  	s2 =	sld [smem:$0x3FD0];
	(tm) =	ssettm $0x1  }
0x91: {  	s18 =	sld [smem:$0x3FFB];
	_ =	sdelay $0x3  }
0x92: {  	_ =	strace s18  }
0x93: {  	s3 =	sld [smem:$0x3FFC];
	_ =	sdelay $0x3  }
0x94: {  	_ =	strace s3  }
0x95: {  	s3 =	sld [smem:$0x3FFD];
	_ =	sdelay $0x3  }
0x96: {  	_ =	strace s3  }
0x97: {  	_ =	strace $0x8FFFFFFF  }
0x98: {  	s19 =	sld [smem:$0x3FDB];
	_ =	sdelay $0x1  }
0x99: {  	s4 =	simm.s32 $_scs_section_size  }
0x9a: {  	s5 =	simm.s32 $_size__tile_overlayer_lowered;
	s6 =	simm.s32 $_tile_overlayer_lowered  }
0x9b: {  	s22 =	simm.s32 $0x1BFF;
	s21 =	sshll.u32 s6, $0x1;
	s3 =	sadd.s32 s4, s19  }
0x9c: {  	s7 =	simm.s32 $0x0;
	s20 =	sshll.u32 s5, $0x1;
	s5 =	sadd.s32 s21, s3  }
0x9d: {  	[timem:s7], [sflag:s22] =	dma.local [hbm:s5], s20  }
0x9e: {  	_ =	swait.ge [sflag:s22], s20  }
0x9f: {  	s4 =	ssub.s32 $0x0, s20;
	[sflag:s22] =	ssyncset.done $0x0  }
0xa0: {  	[sflag:s22] =	ssyncadd.s32 s4;
	_ =	sdelay $0x1  }
0xa1: {  	s23 =	simm.s32 $0x1B8B  }
0xa2: {  	_ =	swait.ge [sflag:s23], $0x1  }
0xa3: {  	[sflag:s23] =	ssyncset.done $0x0  }
0xa4: {  	s25 =	simm.s32 $0x1B8E;
	s24 =	sld [smem:$0x3FFE];
	[sflag:s23] =	ssyncadd.s32 $0xFFFFFFFF  }
0xa5: {  	s26 =	simm.s32 $execute0_lowered;
	[smem:$0x3FD2] =	sst s25  }
0xa6: {  	s5 =	sshll.u32 s26, $0x1;
	_ =	strace $0x80000046;
	[dreg:$0x1] =	wrdreg $0xFFFFFFFF  }
0xa7: {  	s28 =	simm.s32 $_size_execute0_lowered;
	s3 =	sadd.s32 s3, s5;
	[dreg:$0x0] =	wrdreg $0x0  }
0xa8: {  	s5 =	sshll.u32 s28, $0x1;
	[dreg:$0x2] =	wrdreg s3  }
0xa9: {  	[dreg:$0x3] =	wrdreg s5  }
0xaa: {  	[dreg:$0x4] =	wrdreg $0xC0  }
0xab: {  	_ =	task [dreg:s7], $0x5FFFF  }
0xac: {  	[dreg:$0x1] =	wrdreg $0xFFFFFFFF  }
0xad: {  	[dreg:$0x0] =	wrdreg $0x60  }
0xae: {  	[dreg:$0x2] =	wrdreg s24  }
0xaf: {  	[dreg:$0x3] =	wrdreg s2  }
0xb0: {  	[dreg:$0x4] =	wrdreg $0x68000  }
0xb1: {  	[dreg:$0x5] =	wrdreg $0x9  }
0xb2: {  	_ =	task.clear_ibuf [dreg:s7], $0x6FFFF;
	_ =	strace $0x90000046  }
0xb3: {  	s29 =	simm.s32 $0x9;
	_ =	strace $0x80000048  }
0xb4: {  	_ =	swait.ge [sflag:s29], $0x1  }
0xb5: {  	[sflag:s29] =	ssyncadd.s32 $0xFFFFFFFF  }
0xb6: {  	_ =	strace $0x90000048  }
0xb7: {  	_ =	sfence  }
0xb8: {  	s30 =	sld [smem:$0x0];
	_ =	sdelay $0x2  }
0xb9: {  	s31 =	sshll.u32 s1, $0xD;
	s1 =	sshrl.u32 s1, $0x2  }
0xba: {  	s3 =	sand.u32 $0x4000, s31;
	s1 =	sadd.s32 s1, s30  }
0xbb: {  	s0 =	sor.u32 s3, s0;
	s1 =	sshll.u32 s1, $0x11  }
0xbc: {  	s0 =	sor.u32 s1, s0  }
0xbd: {  	s0 =	sadd.s32 $0x8F2B, s0  }
0xbe: {  	[sflag:s0] =	ssyncadd.remote.s32 $0x1  }
0xbf: {  	_ =	sfence.sel $0xFFFF  }
0xc0: {  	[dreg:$0x0] =	wrdreg $0xFFFFFFFF;
	(pc) =	sbr.abs _section_cstart, $3  }
0xc1: {  	[dreg:$0x1] =	wrdreg $0xFFFFFFFF  }
0xc2: {  	_ =	task.clear_ibuf [dreg:s7], $0x2FFFF;
	_ =	strace $0x9FFFFFFF  }
0xc3: {  	(tm) =	ssettm $0x7FFFFFFF  }
tec
execute0_lowered:
.L_overlay_start_1:
0x0: {  	(tag) =	ssettag $0x1  }
0x1: {  	s6 =	rddreg [dreg:$0x0]  }
0x2: {  	s0 =	srdreg.scid;
	s2 =	rddreg [dreg:$0x1]  }
0x3: {  	s3 =	rddreg [dreg:$0x2];
	s5 =	sand.u32 $0x1, s0  }
0x4: {  	s0 =	stileid.u32;
	s4 =	smul.u32 $0x4E0, s5  }
0x5: {  	s14 =	simm.s32 $0x1;
	s15 =	simm.s32 $0x80;
	s9 =	smul.u32 $0x4E, s0  }
0x6: {  	s16 =	simm.s32 $0x2;
	s17 =	simm.s32 $0x0;
	s10 =	smul.u32 $0x13C000, s5  }
0x7: {  	s1 =	sshll.u32 s5, $0x4;
	s25 =	smul.u32 $0x13C00, s0;
	s28 =	ssub.s32 $0x2, s5  }
0x8: {  	s29 =	smul.u32 $0x4F000, s0;
	s5 =	sadd.s32 $0x16C00, s6;
	s31 =	sshll.u32 s0, $0x6  }
0x9: {  	s7 =	sor.u32 s0, s1;
	s1 =	rddreg [dreg:$0x3];
	s12 =	sshrl.u32 s28, $0x1  }
0xa: {  	s8 =	smin.u32 s7, $0x4;
	s26 =	sadd.s32 s25, s10;
	p0 =	slt.u32 s7, $0x4  }
0xb: {  	s30 =	sshrl.u32 s29, $0x2;
	s10 =	simm.s32 $0x2800;
	s8 =	sor.u32 s4, s8  }
0xc: {  	s4 =	simm.s32 $0x0;
	s13 =	sadd.s32 s30, s3;
	s8 =	sadd.s32 s9, s8  }
0xd: {  	[smem:$0x7FF] =	sst s4;
	s9 =	ssub.s32 s28, s12;
	s8 =	sshll.u32 s8, $0x4  }
0xe: {  	s12 =	sor.u32 $0x1C03, s31;
	s11 =	sadd.s32 s8, s6;
	s8 =	sshrl.u32 s26, $0x3  }
0xf: {  	s13 =	sshrl.u32 s13, $0x3;
	s8 =	sadd.s32 s8, s6;
	s6 =	simm.s32 $0x4F  }
0x10: {  	_ =	strace $0x80000047;
	s6 =	simm.s32 @!p0 $0x4E;
	s7 =	sadd.s32 $0x19400, s8  }
0x11: {  	s8 =	smax.u32 s9, $0x1;
	s9 =	sadd.s32 $0xCE40, s11;
	s11 =	simm.s32 $0x3  }
.LBB2_1:
0x12: {  	[tilespmem:s10], [sflag:$0x3] =	stream.linear.gather [hbm4b:s2+s4], $0x4000, $0x38;
	[tilespmem:$0x1A400] =	vst v63  }
0x13: {  	_ =	swait.ge [sflag:s11], $0x4000  }
0x14: {  	[sflag:s11] =	ssyncset.done $0x0  }
0x15: {  	p0 =	sne.s32 s6, $0x1;
	[sflag:s11] =	ssyncadd.s32 $0xFFFFC000  }
0x16: {  	[spmem:s13], [sflag:s12] =	dma.local [hbm:s5], $0x2780  }
.Ltmp0:
0x17: {  	_ = 	snop;
	(pc) =	sbr.rel @!p0 .LBB2_3-.Ltmp0, $4  }
0x18: {  	_ =	swait.ge [sflag:s11], $0x2780  }
0x19: {  	s18 =	sadd.s32 $0xFFFFFFFF, s6;
	[sflag:s11] =	ssyncset.done $0x0  }
0x1a: {  	s19 =	simm.s32 $0x0;
	s20 =	smov.u32 s9;
	[sflag:s11] =	ssyncadd.s32 $0xFFFFD880  }
0x1b: {  	[tilespmem:s4], [sflag:$0x1] =	stream.linear.gather [hbm4b:s9+s4], $0x80, $0x38;
	[tilespmem:$0x1A400] =	vst v63  }
.LBB2_2:
0x1c: {  	p1 =	sne.s32 s18, $0x1  }
.Ltmp1:
0x1d: {  	_ = 	snop;
	(pc) =	sbr.rel @p1 .LBB2_2-.Ltmp1, $4  }
0x1e: {  	_ = 	snop  }
0x1f: {  	s19 =	sadd.s32 $0x80, s19;
	s20 =	sadd.s32 $0x10, s20  }
0x20: {  	s18 =	sadd.s32 $0xFFFFFFFF, s18  }
0x21: {  	[tilespmem:s19], [sflag:$0x1] =	stream.linear.gather [hbm4b:s20+s4], $0x80, $0x38;
	[tilespmem:$0x1A400] =	vst v63  }
.LBB2_3:
.Ltmp2:
0x22: {  	(pc) =	sbr.rel @!p0 .LBB2_5-.Ltmp2, $3  }
0x23: {  	_ =	sdelay $0x1  }
0x24: {  	_ =	swait.ge [sflag:s14], $0x80  }
0x25: {  	s18 =	sadd.s32 $0xFFFFFFFF, s6;
	[sflag:s14] =	ssyncset.done $0x0  }
.LBB2_4:
0x26: {  	p1 =	sne.s32 s18, $0x1;
	s18 =	sadd.s32 $0xFFFFFFFF, s18;
	[sflag:s14] =	ssyncadd.s32 $0xFFFFFF80  }
.Ltmp3:
0x27: {  	(pc) =	sbr.rel @p1 .LBB2_4-.Ltmp3, $3  }
0x28: {  	_ =	sdelay $0x1  }
0x29: {  	_ =	swait.ge [sflag:s14], $0x80  }
0x2a: {  	[sflag:s14] =	ssyncset.done $0x0  }
.LBB2_5:
.Ltmp4:
0x2b: {  	(pc) =	sbr.rel @!p0 .LBB2_7-.Ltmp4, $4  }
0x2c: {  	_ = 	snop  }
0x2d: {  	[sflag:s14] =	ssyncadd.s32 $0xFFFFFF80  }
0x2e: {  	s18 =	simm.s32 $0x0;
	s19 =	sadd.s32 $0xFFFFFFFF, s6;
	[bflag:$0x0] =	sbarrier.arrive $0xFFFF  }
0x2f: {  	[spmem:s3] =	stream.indirect.scatter.add.f32 [tilespmem:s10], [sflag:$0x2], $0x80, s18, s15, $0xb8;
	[tilespmem:$0x1A400] =	vst v63  }
.LBB2_6:
0x30: {  	p1 =	sne.s32 s19, $0x1  }
.Ltmp5:
0x31: {  	_ = 	snop;
	(pc) =	sbr.rel @p1 .LBB2_6-.Ltmp5, $3  }
0x32: {  	_ = 	snop  }
0x33: {  	s19 =	sadd.s32 $0xFFFFFFFF, s19;
	s18 =	sadd.s32 $0x80, s18;
	_ =	sdelay $0x1  }
0x34: {  	[spmem:s3] =	stream.indirect.scatter.add.f32 [tilespmem:s10], [sflag:$0x2], $0x80, s18, s15, $0xb8;
	[tilespmem:$0x1A400] =	vst v63  }
.LBB2_7:
.Ltmp6:
0x35: {  	(pc) =	sbr.rel @!p0 .LBB2_9-.Ltmp6, $3  }
0x36: {  	_ =	sdelay $0x1  }
0x37: {  	_ =	swait.ge [sflag:s16], $0x4000  }
0x38: {  	s18 =	sadd.s32 $0xFFFFFFFF, s6;
	[sflag:s16] =	ssyncset.done $0x0  }
.LBB2_8:
0x39: {  	p0 =	sne.s32 s18, $0x1;
	s18 =	sadd.s32 $0xFFFFFFFF, s18;
	[sflag:s16] =	ssyncadd.s32 $0xFFFFC000  }
.Ltmp7:
0x3a: {  	(pc) =	sbr.rel @p0 .LBB2_8-.Ltmp7, $3  }
0x3b: {  	_ =	sdelay $0x1  }
0x3c: {  	_ =	swait.ge [sflag:s16], $0x4000  }
0x3d: {  	[sflag:s16] =	ssyncset.done $0x0  }
.LBB2_9:
0x3e: {  	s17 =	sadd.s32 $0x1, s17  }
0x3f: {  	[sflag:s16] =	ssyncadd.s32 $0xFFFFC000;
	p0 =	sne.s32 s17, s8  }
.Ltmp8:
0x40: {  	[bflag:$0x0] =	sbarrier.arrive $0xFFFF;
	(pc) =	sbr.rel @p0 .LBB2_1-.Ltmp8, $4  }
0x41: {  	[hbm:s7], [sflag:s12] =	dma.local [spmem:s13], $0x2780  }
0x42: {  	_ =	swait.ge [sflag:s11], $0x2780  }
0x43: {  	[sflag:s11] =	ssyncset.done $0x0  }
0x44: {  	[sflag:s11] =	ssyncadd.s32 $0xFFFFD880  }
0x45: {  	_ =	sfence.sel $0x180000  }
0x46: {  	[bflag:$0x0] =	sbarrier.arrive $0xFFFF  }
0x47: {  	p0 =	sne.s32 s0, $0x0;
	_ =	strace $0x90000047  }
0x48: {  	s0 =	sadd.s32 @!p0 $0x100000, s1;
	[bflag:$0x2] =	sbarrier.arrive $0xFFFF  }
0x49: {  	[sflag:s0] =	ssyncadd.tile.s32 @!p0 $0x1;
	_ =	shalt  }
.Lfunc_end2:
_tile_overlayer_lowered:
.L_overlay_start_2:
0x4a: {  	(tag) =	ssettag $0x2  }
0x4b: {  	s0 =	rddreg [dreg:$0x0];
	s2 =	stileid.u32  }
0x4c: {  	s1 =	rddreg [dreg:$0x1];
	p0 =	sne.s32 s2, $0x0  }
0x4d: {  	s3 =	rddreg [dreg:$0x2];
	[bflag:$0x3] =	sbarrier.arrive $0xFFFF;
	s2 =	simm.s32 @!p0 $0x1C03  }
0x4e: {  	[timem:s3], [sflag:s2] =	dma.local @!p0 [hbm:s0], s1  }
0x4f: {  	s0 =	simm.s32 @!p0 $0x3  }
0x50: {  	_ =	swait.ge @!p0 [sflag:s0], s1  }
0x51: {  	s1 =	ssub.s32 @!p0 $0x0, s1;
	[sflag:s0] =	ssyncset.done @!p0 $0x0  }
0x52: {  	[sflag:s0] =	ssyncadd.s32 @!p0 s1  }
0x53: {  	[bflag:$0x3] =	sbarrier.arrive $0xFFFF  }
0x54: {  	_ =	shalt  }

</sc_bundles>
